<compile_context>
chip_gen: v7x
topology: tpu7x:2x2x1
jax: 0.10.2.dev20260603
libtpu: 0.0.44.dev20260713+nightly
codegen_flags: <defaults>
</compile_context>

<pallas_src>
import functools

import jax
import jax.numpy as jnp
import numpy as np
from jax import lax
from jax.experimental import pallas as pl
from jax.experimental.pallas import tpu as pltpu
from jax.experimental.pallas import tpu_sc as plsc

N_NODES = 10000
N_EDGES = 320000
D_IN = 128
H = 8
D = 16
HD = H * D
AXW = 16

NC = 2
NS = 16
NW = NC * NS
EPW = N_EDGES // NW
CHUNK = 128
NFULL = EPW // CHUNK
TAIL = EPW - NFULL * CHUNK
C2 = 64
NF2 = EPW // C2
TAIL2 = EPW - NF2 * C2
NPB = 624
REM_BASE = NS * NPB
REM = N_NODES - REM_BASE
ZROWS = 8

_ONES_HD = np.concatenate(
    [np.kron(np.eye(H), np.ones((D, 1))), np.zeros((HD, AXW - H))],
    axis=1).astype(np.float32)
_EXPAND = np.concatenate(
    [np.kron(np.eye(H), np.ones((1, D))), np.zeros((AXW - H, HD))],
    axis=0).astype(np.float32)

_BN = 1000
_BE = 1000



def _proj_body(x_ref, wq_ref, wk_ref, wv_ref, q_ref, k_ref, v_ref):
    xb = x_ref[...]
    q_ref[...] = jnp.dot(xb, wq_ref[...], preferred_element_type=jnp.float32)
    k_ref[...] = jnp.dot(xb, wk_ref[...], preferred_element_type=jnp.float32)
    v_ref[...] = jnp.dot(xb, wv_ref[...], preferred_element_type=jnp.float32)


def _project_qkv(x, WQ, WK, WV):
    bs_w = pl.BlockSpec((D_IN, HD), lambda i: (0, 0))
    return pl.pallas_call(
        _proj_body,
        grid=(N_NODES // _BN,),
        in_specs=[pl.BlockSpec((_BN, D_IN), lambda i: (i, 0)), bs_w, bs_w, bs_w],
        out_specs=[pl.BlockSpec((_BN, HD), lambda i: (i, 0))] * 3,
        out_shape=[jax.ShapeDtypeStruct((N_NODES, HD), jnp.float32)] * 3,
    )(x, WQ, WK, WV)



def _edge_body(ea_ref, g_ref, we_ref, ones_ref, eout_ref, ax_ref):
    t = jnp.dot(ea_ref[...], we_ref[...], preferred_element_type=jnp.float32)
    eo = g_ref[...] * t
    eout_ref[...] = eo
    s = jnp.dot(eo, ones_ref[...], preferred_element_type=jnp.float32)
    ax_ref[...] = jnp.exp(jnp.clip(s, -5.0, 5.0))


def _edge_stage(edge_attr, g, WE):
    return pl.pallas_call(
        _edge_body,
        grid=(N_EDGES // _BE,),
        in_specs=[
            pl.BlockSpec((_BE, D_IN), lambda i: (i, 0)),
            pl.BlockSpec((_BE, HD), lambda i: (i, 0)),
            pl.BlockSpec((D_IN, HD), lambda i: (0, 0)),
            pl.BlockSpec((HD, AXW), lambda i: (0, 0)),
        ],
        out_specs=[
            pl.BlockSpec((_BE, HD), lambda i: (i, 0)),
            pl.BlockSpec((_BE, AXW), lambda i: (i, 0)),
        ],
        out_shape=[
            jax.ShapeDtypeStruct((N_EDGES, HD), jnp.float32),
            jax.ShapeDtypeStruct((N_EDGES, AXW), jnp.float32),
        ],
    )(edge_attr, g, WE, _ONES_HD)



def _final_body(a_ref, b_ref, za_ref, zb_ref, exp_ref, h_ref):
    s = a_ref[...] + b_ref[...]
    z = za_ref[...] + zb_ref[...]
    zfull = jnp.dot(z, exp_ref[...], preferred_element_type=jnp.float32)
    h_ref[...] = s / (zfull + 1e-6)


def _finalize(pv, pz):
    nb = N_NODES // _BN
    return pl.pallas_call(
        _final_body,
        grid=(nb,),
        in_specs=[
            pl.BlockSpec((_BN, HD), lambda i: (i, 0)),
            pl.BlockSpec((_BN, HD), lambda i: (i + nb, 0)),
            pl.BlockSpec((_BN, AXW), lambda i: (i, 0)),
            pl.BlockSpec((_BN, AXW), lambda i: (i + nb, 0)),
            pl.BlockSpec((AXW, HD), lambda i: (0, 0)),
        ],
        out_specs=pl.BlockSpec((_BN, HD), lambda i: (i, 0)),
        out_shape=jax.ShapeDtypeStruct((N_NODES, HD), jnp.float32),
    )(pv, pv, pz, pz, _EXPAND)



def _sc_gather_alpha_body(k_hbm, q_hbm, row_hbm, col_hbm, g_hbm,
                          ridx, cidx, krows, qrows, gout,
                          ridx_t, cidx_t, krows_t, qrows_t, gout_t, sem):
    wid = lax.axis_index("s") * NC + lax.axis_index("c")
    base0 = wid * EPW

    def do_chunk(base, cnt, ridx, cidx, krows, qrows, gout):
        pltpu.sync_copy(row_hbm.at[pl.ds(base, cnt)], ridx)
        pltpu.sync_copy(col_hbm.at[pl.ds(base, cnt)], cidx)
        cp1 = pltpu.async_copy(k_hbm.at[ridx], krows, sem)
        cp2 = pltpu.async_copy(q_hbm.at[cidx], qrows, sem)
        cp1.wait()
        cp2.wait()

        def row_body(e, carry):
            for h in range(H):
                sl = pl.ds(h * D, D)
                gout[e, sl] = jnp.clip(krows[e, sl] * qrows[e, sl] * 0.25,
                                       -5.0, 5.0)
            return carry

        lax.fori_loop(0, cnt, row_body, 0, unroll=2)
        pltpu.sync_copy(gout, g_hbm.at[pl.ds(base, cnt)])

    def chunk_body(j, carry):
        do_chunk(base0 + j * CHUNK, CHUNK, ridx, cidx, krows, qrows, gout)
        return carry

    lax.fori_loop(0, NFULL, chunk_body, 0)
    do_chunk(base0 + NFULL * CHUNK, TAIL, ridx_t, cidx_t, krows_t, qrows_t,
             gout_t)


def _sc_aggregate_body(v_hbm, ax_hbm, row_hbm, col_hbm, pv_hbm, pz_hbm,
                       ridx, cidx, vrows, axrows, cv,
                       ridx_t, cidx_t, vrows_t, axrows_t, cv_t,
                       zv, zz, accv, accz, sem):
    cid = lax.axis_index("c")
    sid = lax.axis_index("s")
    wid = sid * NC + cid
    base0 = wid * EPW
    nbase = sid * NPB

    def zrow_v(r, carry):
        for j in range(HD // D):
            zv[r, pl.ds(j * D, D)] = jnp.zeros((D,), jnp.float32)
        zz[r, :] = jnp.zeros((AXW,), jnp.float32)
        return carry

    lax.fori_loop(0, ZROWS, zrow_v, 0)

    def zcopy(t, carry):
        pltpu.sync_copy(zv, accv.at[pl.ds(nbase + t * ZROWS, ZROWS)])
        pltpu.sync_copy(zz, accz.at[pl.ds(nbase + t * ZROWS, ZROWS)])
        return carry

    lax.fori_loop(0, NPB // ZROWS, zcopy, 0)

    @pl.when(sid == NS - 1)
    def _zero_rem():
        for t in range(REM // ZROWS):
            pltpu.sync_copy(zv, accv.at[pl.ds(REM_BASE + t * ZROWS, ZROWS)])
            pltpu.sync_copy(zz, accz.at[pl.ds(REM_BASE + t * ZROWS, ZROWS)])

    plsc.subcore_barrier()

    def do_chunk(base, cnt, ridx, cidx, vrows, axrows, cv):
        pltpu.sync_copy(row_hbm.at[pl.ds(base, cnt)], ridx)
        pltpu.sync_copy(col_hbm.at[pl.ds(base, cnt)], cidx)
        cp1 = pltpu.async_copy(v_hbm.at[ridx], vrows, sem)
        pltpu.sync_copy(ax_hbm.at[pl.ds(base, cnt)], axrows)
        cp1.wait()

        def row_body(e, carry):
            ax16 = axrows[e, :]
            for h in range(H):
                sl = pl.ds(h * D, D)
                cv[e, sl] = vrows[e, sl] * ax16[h]
            return carry

        lax.fori_loop(0, cnt, row_body, 0)
        pltpu.sync_copy(cv, accv.at[cidx], add=True)
        pltpu.sync_copy(axrows, accz.at[cidx], add=True)

    def chunk_body(j, carry):
        do_chunk(base0 + j * C2, C2, ridx, cidx, vrows, axrows, cv)
        return carry

    lax.fori_loop(0, NF2, chunk_body, 0)
    do_chunk(base0 + NF2 * C2, TAIL2, ridx_t, cidx_t, vrows_t, axrows_t,
             cv_t)

    plsc.subcore_barrier()
    pltpu.sync_copy(accv.at[pl.ds(nbase, NPB)],
                    pv_hbm.at[pl.ds(cid * N_NODES + nbase, NPB)])
    pltpu.sync_copy(accz.at[pl.ds(nbase, NPB)],
                    pz_hbm.at[pl.ds(cid * N_NODES + nbase, NPB)])

    @pl.when(sid == NS - 1)
    def _dump_rem():
        pltpu.sync_copy(accv.at[pl.ds(REM_BASE, REM)],
                        pv_hbm.at[pl.ds(cid * N_NODES + REM_BASE, REM)])
        pltpu.sync_copy(accz.at[pl.ds(REM_BASE, REM)],
                        pz_hbm.at[pl.ds(cid * N_NODES + REM_BASE, REM)])


@functools.cache
def _sc_kernels():
    mesh = plsc.VectorSubcoreMesh(core_axis_name="c", subcore_axis_name="s",
                                  num_cores=NC, num_subcores=NS)
    scp = pltpu.CompilerParams(use_tc_tiling_on_sc=False)
    gather_alpha = pl.kernel(
        _sc_gather_alpha_body,
        mesh=mesh,
        compiler_params=scp,
        out_type=jax.ShapeDtypeStruct((N_EDGES, HD), jnp.float32),
        scratch_types=[
            pltpu.VMEM((CHUNK,), jnp.int32),
            pltpu.VMEM((CHUNK,), jnp.int32),
            pltpu.VMEM((CHUNK, HD), jnp.float32),
            pltpu.VMEM((CHUNK, HD), jnp.float32),
            pltpu.VMEM((CHUNK, HD), jnp.float32),
            pltpu.VMEM((TAIL,), jnp.int32),
            pltpu.VMEM((TAIL,), jnp.int32),
            pltpu.VMEM((TAIL, HD), jnp.float32),
            pltpu.VMEM((TAIL, HD), jnp.float32),
            pltpu.VMEM((TAIL, HD), jnp.float32),
            pltpu.SemaphoreType.DMA,
        ],
    )
    aggregate = pl.kernel(
        _sc_aggregate_body,
        mesh=mesh,
        compiler_params=scp,
        out_type=(
            jax.ShapeDtypeStruct((NC * N_NODES, HD), jnp.float32),
            jax.ShapeDtypeStruct((NC * N_NODES, AXW), jnp.float32),
        ),
        scratch_types=[
            pltpu.VMEM((C2,), jnp.int32),
            pltpu.VMEM((C2,), jnp.int32),
            pltpu.VMEM((C2, HD), jnp.float32),
            pltpu.VMEM((C2, AXW), jnp.float32),
            pltpu.VMEM((C2, HD), jnp.float32),
            pltpu.VMEM((TAIL2,), jnp.int32),
            pltpu.VMEM((TAIL2,), jnp.int32),
            pltpu.VMEM((TAIL2, HD), jnp.float32),
            pltpu.VMEM((TAIL2, AXW), jnp.float32),
            pltpu.VMEM((TAIL2, HD), jnp.float32),
            pltpu.VMEM((ZROWS, HD), jnp.float32),
            pltpu.VMEM((ZROWS, AXW), jnp.float32),
            pltpu.VMEM_SHARED((N_NODES, HD), jnp.float32),
            pltpu.VMEM_SHARED((N_NODES, AXW), jnp.float32),
            pltpu.SemaphoreType.DMA,
        ],
    )
    return gather_alpha, aggregate


def kernel(x, edge_attr, edge_index, WQ, WK, WV, WE):
    gather_alpha, aggregate = _sc_kernels()
    row = edge_index[0]
    col = edge_index[1]
    q, k, v = _project_qkv(x, WQ, WK, WV)
    g = gather_alpha(k, q, row, col)
    e_out, ax = _edge_stage(edge_attr, g, WE)
    pv, pz = aggregate(v, ax, row, col)
    h = _finalize(pv, pz)
    return (h.reshape(N_NODES, H, D), e_out.reshape(N_EDGES, H, D))

# --- scband reference (transcript-rebuilt; emitter-appended) ---
"""Pipeline reference for scband-multi-head-attention-layer-12644383719677 (READ-ONLY COPY).

The authoritative reference and input builder live on the scoring server;
editing this copy changes nothing except your own understanding.
"""

import jax, jax.numpy as jnp
import numpy as np

N_NODES = 10000
N_EDGES = 320000
D_IN = 128
H = 8
D = 16


def setup_inputs(seed: int = 0) -> dict:
    key = jax.random.key(seed)
    ks = jax.random.split(key, 8)
    x = jax.random.normal(ks[0], (N_NODES, D_IN), dtype=jnp.float32)
    edge_attr = jax.random.normal(ks[1], (N_EDGES, D_IN), dtype=jnp.float32)
    edge_index = jax.random.randint(ks[2], (2, N_EDGES), 0, N_NODES, dtype=jnp.int32)
    scale = 1.0 / np.sqrt(D_IN)
    WQ = jax.random.normal(ks[3], (D_IN, H * D), dtype=jnp.float32) * scale
    WK = jax.random.normal(ks[4], (D_IN, H * D), dtype=jnp.float32) * scale
    WV = jax.random.normal(ks[5], (D_IN, H * D), dtype=jnp.float32) * scale
    WE = jax.random.normal(ks[6], (D_IN, H * D), dtype=jnp.float32) * scale
    return {"x": x, "edge_attr": edge_attr, "edge_index": edge_index,
            "WQ": WQ, "WK": WK, "WV": WV, "WE": WE}


def reference(x, edge_attr, edge_index, WQ, WK, WV, WE):
    n = x.shape[0]
    q = (x @ WQ).reshape(-1, H, D)
    k = (x @ WK).reshape(-1, H, D)
    v = (x @ WV).reshape(-1, H, D)
    e = (edge_attr @ WE).reshape(-1, H, D)
    row = edge_index[0]
    col = edge_index[1]
    alpha = k[row] * q[col]
    alpha = jnp.clip(alpha / np.sqrt(D), -5.0, 5.0)
    alpha = alpha * e
    e_out = alpha
    alphax = jnp.exp(jnp.clip(alpha.sum(-1, keepdims=True), -5.0, 5.0))
    wV = jax.ops.segment_sum(v[row] * alphax, col, num_segments=n)
    z = jax.ops.segment_sum(alphax, col, num_segments=n)
    h_out = wV / (z + 1e-06)
    return (h_out, e_out)

if __name__ == "__main__":
    import jax
    _d = setup_inputs()
    print(jax.jit(kernel)(*tuple(_d.values())))

</pallas_src>

<mosaic_0001>
#map = affine_map<(d0, d1) -> (0, 0)>
#map1 = affine_map<(d0, d1) -> (0)>
module attributes {stable_mosaic.version = 14 : i64} {
  func.func @_sc_gather_alpha_body(%arg0: i32, %arg1: i32, %arg2: memref<10000x128xf32, #tpu.memory_space<hbm>>, %arg3: memref<10000x128xf32, #tpu.memory_space<hbm>>, %arg4: memref<320000xi32, #tpu.memory_space<hbm>>, %arg5: memref<320000xi32, #tpu.memory_space<hbm>>, %arg6: memref<320000x128xf32, #tpu.memory_space<hbm>>, %arg7: memref<128xi32, #tpu.memory_space<vmem>>, %arg8: memref<128xi32, #tpu.memory_space<vmem>>, %arg9: memref<128x128xf32, #tpu.memory_space<vmem>>, %arg10: memref<128x128xf32, #tpu.memory_space<vmem>>, %arg11: memref<128x128xf32, #tpu.memory_space<vmem>>, %arg12: memref<16xi32, #tpu.memory_space<vmem>>, %arg13: memref<16xi32, #tpu.memory_space<vmem>>, %arg14: memref<16x128xf32, #tpu.memory_space<vmem>>, %arg15: memref<16x128xf32, #tpu.memory_space<vmem>>, %arg16: memref<16x128xf32, #tpu.memory_space<vmem>>, %arg17: memref<!tpu.dma_semaphore, #tpu.memory_space<semaphore_mem>>) attributes {dimension_semantics = [#tpu.dimension_semantics<core_parallel>, #tpu.dimension_semantics<subcore_parallel>], iteration_bounds = array<i64: 2, 16>, scalar_prefetch = 0 : i64, scratch_operands = 11 : i64, tpu.core_type = #tpu.core_type<sc_vector_subcore>, window_params = [{transform_indices = #map}, {transform_indices = #map}, {transform_indices = #map1}, {transform_indices = #map1}, {transform_indices = #map}]} {
    %mul3A = arith.constant 2 : i32
    %mul3A_0 = arith.muli %arg1, %mul3A : i32
    %add3A = arith.addi %mul3A_0, %arg0 : i32
    %mul3A_1 = arith.constant 10000 : i32
    %mul3A_2 = arith.muli %add3A, %mul3A_1 : i32
    %scan3A = arith.constant 0 : i32
    %scan3A_3 = arith.constant 0 : i32
    %scan3A_4 = arith.constant 78 : i32
    %scan3A_5 = arith.addi %scan3A_3, %scan3A_4 : i32
    %scan3A_6 = arith.constant 1 : i32
    scf.for %scan3A_26 = %scan3A_3 to %scan3A_5 step %scan3A_6  : i32 {
      %mul3A_27 = arith.constant 128 : i32
      %mul3A_28 = arith.muli %scan3A_26, %mul3A_27 : i32
      %add3A_29 = arith.addi %mul3A_2, %mul3A_28 : i32
      "tpu.region"() ({
        %run_scoped3A = tpu.sem_alloc : memref<!tpu.dma_semaphore, #tpu.memory_space<semaphore_mem>>
        %dma_start3A_48 = tpu.memref_slice %arg4[%add3A_29] : memref<320000xi32, #tpu.memory_space<hbm>> -> memref<128xi32, #tpu.memory_space<hbm>>
        %dma_start3A_49 = tpu.memref_slice %arg4[%add3A_29] : memref<320000xi32, #tpu.memory_space<hbm>> -> memref<128xi32, #tpu.memory_space<hbm>>
        tpu.enqueue_dma source(%dma_start3A_49 : memref<128xi32, #tpu.memory_space<hbm>>) target(%arg7 : memref<128xi32, #tpu.memory_space<vmem>>) target_semaphore(%run_scoped3A : memref<!tpu.dma_semaphore, #tpu.memory_space<semaphore_mem>>)
        %dma_wait3A_50 = tpu.memref_slice %arg4[%add3A_29] : memref<320000xi32, #tpu.memory_space<hbm>> -> memref<128xi32, #tpu.memory_space<hbm>>
        %dma_wait3A_51 = tpu.memref_slice %arg4[%add3A_29] : memref<320000xi32, #tpu.memory_space<hbm>> -> memref<128xi32, #tpu.memory_space<hbm>>
        tpu.wait_dma2 semaphore(%run_scoped3A : memref<!tpu.dma_semaphore, #tpu.memory_space<semaphore_mem>>) src(%dma_wait3A_51 : memref<128xi32, #tpu.memory_space<hbm>>) dst(%arg7 : memref<128xi32, #tpu.memory_space<vmem>>)
        tpu.yield
      }) : () -> ()
      "tpu.region"() ({
        %run_scoped3A = tpu.sem_alloc : memref<!tpu.dma_semaphore, #tpu.memory_space<semaphore_mem>>
        %dma_start3A_48 = tpu.memref_slice %arg5[%add3A_29] : memref<320000xi32, #tpu.memory_space<hbm>> -> memref<128xi32, #tpu.memory_space<hbm>>
        %dma_start3A_49 = tpu.memref_slice %arg5[%add3A_29] : memref<320000xi32, #tpu.memory_space<hbm>> -> memref<128xi32, #tpu.memory_space<hbm>>
        tpu.enqueue_dma source(%dma_start3A_49 : memref<128xi32, #tpu.memory_space<hbm>>) target(%arg8 : memref<128xi32, #tpu.memory_space<vmem>>) target_semaphore(%run_scoped3A : memref<!tpu.dma_semaphore, #tpu.memory_space<semaphore_mem>>)
        %dma_wait3A_50 = tpu.memref_slice %arg5[%add3A_29] : memref<320000xi32, #tpu.memory_space<hbm>> -> memref<128xi32, #tpu.memory_space<hbm>>
        %dma_wait3A_51 = tpu.memref_slice %arg5[%add3A_29] : memref<320000xi32, #tpu.memory_space<hbm>> -> memref<128xi32, #tpu.memory_space<hbm>>
        tpu.wait_dma2 semaphore(%run_scoped3A : memref<!tpu.dma_semaphore, #tpu.memory_space<semaphore_mem>>) src(%dma_wait3A_51 : memref<128xi32, #tpu.memory_space<hbm>>) dst(%arg8 : memref<128xi32, #tpu.memory_space<vmem>>)
        tpu.yield
      }) : () -> ()
      %dma_start3A_30 = arith.constant 0 : i32
      %dma_start3A_31 = arith.constant 0 : i32
      %dma_start3A_32 = tpu.memref_slice %arg2[%dma_start3A_30, %dma_start3A_31] : memref<10000x128xf32, #tpu.memory_space<hbm>> -> memref<10000x128xf32, #tpu.memory_space<hbm>>
      tpu.enqueue_indirect_dma source(%dma_start3A_32 : memref<10000x128xf32, #tpu.memory_space<hbm>>) target(%arg9 : memref<128x128xf32, #tpu.memory_space<vmem>>) offsets(%arg7 : memref<128xi32, #tpu.memory_space<vmem>>) semaphore(%arg17 : memref<!tpu.dma_semaphore, #tpu.memory_space<semaphore_mem>>)
      %dma_start3A_33 = arith.constant 0 : i32
      %dma_start3A_34 = arith.constant 0 : i32
      %dma_start3A_35 = tpu.memref_slice %arg3[%dma_start3A_33, %dma_start3A_34] : memref<10000x128xf32, #tpu.memory_space<hbm>> -> memref<10000x128xf32, #tpu.memory_space<hbm>>
      tpu.enqueue_indirect_dma source(%dma_start3A_35 : memref<10000x128xf32, #tpu.memory_space<hbm>>) target(%arg10 : memref<128x128xf32, #tpu.memory_space<vmem>>) offsets(%arg8 : memref<128xi32, #tpu.memory_space<vmem>>) semaphore(%arg17 : memref<!tpu.dma_semaphore, #tpu.memory_space<semaphore_mem>>)
      %dma_wait3A_36 = arith.constant 0 : i32
      %dma_wait3A_37 = arith.constant 0 : i32
      %dma_wait3A_38 = tpu.memref_slice %arg2[%dma_wait3A_36, %dma_wait3A_37] : memref<10000x128xf32, #tpu.memory_space<hbm>> -> memref<10000x128xf32, #tpu.memory_space<hbm>>
      tpu.wait_indirect_dma semaphore(%arg17 : memref<!tpu.dma_semaphore, #tpu.memory_space<semaphore_mem>>) src(%dma_wait3A_38 : memref<10000x128xf32, #tpu.memory_space<hbm>>) dst(%arg9 : memref<128x128xf32, #tpu.memory_space<vmem>>)
      %dma_wait3A_39 = arith.constant 0 : i32
      %dma_wait3A_40 = arith.constant 0 : i32
      %dma_wait3A_41 = tpu.memref_slice %arg3[%dma_wait3A_39, %dma_wait3A_40] : memref<10000x128xf32, #tpu.memory_space<hbm>> -> memref<10000x128xf32, #tpu.memory_space<hbm>>
      tpu.wait_indirect_dma semaphore(%arg17 : memref<!tpu.dma_semaphore, #tpu.memory_space<semaphore_mem>>) src(%dma_wait3A_41 : memref<10000x128xf32, #tpu.memory_space<hbm>>) dst(%arg10 : memref<128x128xf32, #tpu.memory_space<vmem>>)
      %scan3A_42 = arith.constant 0 : i32
      %scan3A_43 = arith.constant 0 : i32
      %scan3A_44 = arith.constant 128 : i32
      %scan3A_45 = arith.addi %scan3A_43, %scan3A_44 : i32
      %scan3A_46 = arith.constant 2 : i32
      scf.for %scan3A_48 = %scan3A_43 to %scan3A_45 step %scan3A_46  : i32 {
        %get3A = arith.index_cast %scan3A_48 : i32 to index
        %get3A_49 = arith.constant 0 : index
        %get3A_50 = tpu.vector_load %arg9[%get3A, %get3A_49] {strides = array<i32>} : memref<128x128xf32, #tpu.memory_space<vmem>>, vector<1x16xf32>,
        %get3A_51 = vector.shape_cast %get3A_50 : vector<1x16xf32> to vector<16xf32>
        %get3A_52 = arith.index_cast %scan3A_48 : i32 to index
        %get3A_53 = arith.constant 0 : index
        %get3A_54 = tpu.vector_load %arg10[%get3A_52, %get3A_53] {strides = array<i32>} : memref<128x128xf32, #tpu.memory_space<vmem>>, vector<1x16xf32>,
        %get3A_55 = vector.shape_cast %get3A_54 : vector<1x16xf32> to vector<16xf32>
        %mul3A_56 = arith.mulf %get3A_51, %get3A_55 : vector<16xf32>
        %mul3A_57 = arith.constant 2.500000e-01 : f32
        %mul3A_58 = vector.broadcast %mul3A_57 : f32 to vector<16xf32>
        %mul3A_59 = arith.mulf %mul3A_56, %mul3A_58 : vector<16xf32>
        %jit3A = arith.constant -5.000000e+00 : f32
        %jit3A_60 = arith.constant 5.000000e+00 : f32
        %max3A = vector.broadcast %jit3A : f32 to vector<16xf32>
        %max3A_61 = arith.maximumf %max3A, %mul3A_59 : vector<16xf32>
        %min3A = vector.broadcast %jit3A_60 : f32 to vector<16xf32>
        %min3A_62 = arith.minimumf %min3A, %max3A_61 : vector<16xf32>
        %swap3A = arith.index_cast %scan3A_48 : i32 to index
        %swap3A_63 = arith.constant 0 : index
        %swap3A_64 = tpu.vector_load %arg11[%swap3A, %swap3A_63] {strides = array<i32>} : memref<128x128xf32, #tpu.memory_space<vmem>>, vector<1x16xf32>,
        %swap3A_65 = vector.shape_cast %swap3A_64 : vector<1x16xf32> to vector<16xf32>
        %swap3A_66 = vector.shape_cast %min3A_62 : vector<16xf32> to vector<1x16xf32>
        tpu.vector_store %arg11[%swap3A, %swap3A_63], %swap3A_66 {strides = array<i32>} : memref<128x128xf32, #tpu.memory_space<vmem>>, vector<1x16xf32>,
        %get3A_67 = arith.index_cast %scan3A_48 : i32 to index
        %get3A_68 = arith.constant 16 : index
        %get3A_69 = tpu.vector_load %arg9[%get3A_67, %get3A_68] {strides = array<i32>} : memref<128x128xf32, #tpu.memory_space<vmem>>, vector<1x16xf32>,
        %get3A_70 = vector.shape_cast %get3A_69 : vector<1x16xf32> to vector<16xf32>
        %get3A_71 = arith.index_cast %scan3A_48 : i32 to index
        %get3A_72 = arith.constant 16 : index
        %get3A_73 = tpu.vector_load %arg10[%get3A_71, %get3A_72] {strides = array<i32>} : memref<128x128xf32, #tpu.memory_space<vmem>>, vector<1x16xf32>,
        %get3A_74 = vector.shape_cast %get3A_73 : vector<1x16xf32> to vector<16xf32>
        %mul3A_75 = arith.mulf %get3A_70, %get3A_74 : vector<16xf32>
        %mul3A_76 = arith.constant 2.500000e-01 : f32
        %mul3A_77 = vector.broadcast %mul3A_76 : f32 to vector<16xf32>
        %mul3A_78 = arith.mulf %mul3A_75, %mul3A_77 : vector<16xf32>
        %jit3A_79 = arith.constant -5.000000e+00 : f32
        %jit3A_80 = arith.constant 5.000000e+00 : f32
        %max3A_81 = vector.broadcast %jit3A_79 : f32 to vector<16xf32>
        %max3A_82 = arith.maximumf %max3A_81, %mul3A_78 : vector<16xf32>
        %min3A_83 = vector.broadcast %jit3A_80 : f32 to vector<16xf32>
        %min3A_84 = arith.minimumf %min3A_83, %max3A_82 : vector<16xf32>
        %swap3A_85 = arith.index_cast %scan3A_48 : i32 to index
        %swap3A_86 = arith.constant 16 : index
        %swap3A_87 = tpu.vector_load %arg11[%swap3A_85, %swap3A_86] {strides = array<i32>} : memref<128x128xf32, #tpu.memory_space<vmem>>, vector<1x16xf32>,
        %swap3A_88 = vector.shape_cast %swap3A_87 : vector<1x16xf32> to vector<16xf32>
        %swap3A_89 = vector.shape_cast %min3A_84 : vector<16xf32> to vector<1x16xf32>
        tpu.vector_store %arg11[%swap3A_85, %swap3A_86], %swap3A_89 {strides = array<i32>} : memref<128x128xf32, #tpu.memory_space<vmem>>, vector<1x16xf32>,
        %get3A_90 = arith.index_cast %scan3A_48 : i32 to index
        %get3A_91 = arith.constant 32 : index
        %get3A_92 = tpu.vector_load %arg9[%get3A_90, %get3A_91] {strides = array<i32>} : memref<128x128xf32, #tpu.memory_space<vmem>>, vector<1x16xf32>,
        %get3A_93 = vector.shape_cast %get3A_92 : vector<1x16xf32> to vector<16xf32>
        %get3A_94 = arith.index_cast %scan3A_48 : i32 to index
        %get3A_95 = arith.constant 32 : index
        %get3A_96 = tpu.vector_load %arg10[%get3A_94, %get3A_95] {strides = array<i32>} : memref<128x128xf32, #tpu.memory_space<vmem>>, vector<1x16xf32>,
        %get3A_97 = vector.shape_cast %get3A_96 : vector<1x16xf32> to vector<16xf32>
        %mul3A_98 = arith.mulf %get3A_93, %get3A_97 : vector<16xf32>
        %mul3A_99 = arith.constant 2.500000e-01 : f32
        %mul3A_100 = vector.broadcast %mul3A_99 : f32 to vector<16xf32>
        %mul3A_101 = arith.mulf %mul3A_98, %mul3A_100 : vector<16xf32>
        %jit3A_102 = arith.constant -5.000000e+00 : f32
        %jit3A_103 = arith.constant 5.000000e+00 : f32
        %max3A_104 = vector.broadcast %jit3A_102 : f32 to vector<16xf32>
        %max3A_105 = arith.maximumf %max3A_104, %mul3A_101 : vector<16xf32>
        %min3A_106 = vector.broadcast %jit3A_103 : f32 to vector<16xf32>
        %min3A_107 = arith.minimumf %min3A_106, %max3A_105 : vector<16xf32>
        %swap3A_108 = arith.index_cast %scan3A_48 : i32 to index
        %swap3A_109 = arith.constant 32 : index
        %swap3A_110 = tpu.vector_load %arg11[%swap3A_108, %swap3A_109] {strides = array<i32>} : memref<128x128xf32, #tpu.memory_space<vmem>>, vector<1x16xf32>,
        %swap3A_111 = vector.shape_cast %swap3A_110 : vector<1x16xf32> to vector<16xf32>
        %swap3A_112 = vector.shape_cast %min3A_107 : vector<16xf32> to vector<1x16xf32>
        tpu.vector_store %arg11[%swap3A_108, %swap3A_109], %swap3A_112 {strides = array<i32>} : memref<128x128xf32, #tpu.memory_space<vmem>>, vector<1x16xf32>,
        %get3A_113 = arith.index_cast %scan3A_48 : i32 to index
        %get3A_114 = arith.constant 48 : index
        %get3A_115 = tpu.vector_load %arg9[%get3A_113, %get3A_114] {strides = array<i32>} : memref<128x128xf32, #tpu.memory_space<vmem>>, vector<1x16xf32>,
        %get3A_116 = vector.shape_cast %get3A_115 : vector<1x16xf32> to vector<16xf32>
        %get3A_117 = arith.index_cast %scan3A_48 : i32 to index
        %get3A_118 = arith.constant 48 : index
        %get3A_119 = tpu.vector_load %arg10[%get3A_117, %get3A_118] {strides = array<i32>} : memref<128x128xf32, #tpu.memory_space<vmem>>, vector<1x16xf32>,
        %get3A_120 = vector.shape_cast %get3A_119 : vector<1x16xf32> to vector<16xf32>
        %mul3A_121 = arith.mulf %get3A_116, %get3A_120 : vector<16xf32>
        %mul3A_122 = arith.constant 2.500000e-01 : f32
        %mul3A_123 = vector.broadcast %mul3A_122 : f32 to vector<16xf32>
        %mul3A_124 = arith.mulf %mul3A_121, %mul3A_123 : vector<16xf32>
        %jit3A_125 = arith.constant -5.000000e+00 : f32
        %jit3A_126 = arith.constant 5.000000e+00 : f32
        %max3A_127 = vector.broadcast %jit3A_125 : f32 to vector<16xf32>
        %max3A_128 = arith.maximumf %max3A_127, %mul3A_124 : vector<16xf32>
        %min3A_129 = vector.broadcast %jit3A_126 : f32 to vector<16xf32>
        %min3A_130 = arith.minimumf %min3A_129, %max3A_128 : vector<16xf32>
        %swap3A_131 = arith.index_cast %scan3A_48 : i32 to index
        %swap3A_132 = arith.constant 48 : index
        %swap3A_133 = tpu.vector_load %arg11[%swap3A_131, %swap3A_132] {strides = array<i32>} : memref<128x128xf32, #tpu.memory_space<vmem>>, vector<1x16xf32>,
        %swap3A_134 = vector.shape_cast %swap3A_133 : vector<1x16xf32> to vector<16xf32>
        %swap3A_135 = vector.shape_cast %min3A_130 : vector<16xf32> to vector<1x16xf32>
        tpu.vector_store %arg11[%swap3A_131, %swap3A_132], %swap3A_135 {strides = array<i32>} : memref<128x128xf32, #tpu.memory_space<vmem>>, vector<1x16xf32>,
        %get3A_136 = arith.index_cast %scan3A_48 : i32 to index
        %get3A_137 = arith.constant 64 : index
        %get3A_138 = tpu.vector_load %arg9[%get3A_136, %get3A_137] {strides = array<i32>} : memref<128x128xf32, #tpu.memory_space<vmem>>, vector<1x16xf32>,
        %get3A_139 = vector.shape_cast %get3A_138 : vector<1x16xf32> to vector<16xf32>
        %get3A_140 = arith.index_cast %scan3A_48 : i32 to index
        %get3A_141 = arith.constant 64 : index
        %get3A_142 = tpu.vector_load %arg10[%get3A_140, %get3A_141] {strides = array<i32>} : memref<128x128xf32, #tpu.memory_space<vmem>>, vector<1x16xf32>,
        %get3A_143 = vector.shape_cast %get3A_142 : vector<1x16xf32> to vector<16xf32>
        %mul3A_144 = arith.mulf %get3A_139, %get3A_143 : vector<16xf32>
        %mul3A_145 = arith.constant 2.500000e-01 : f32
        %mul3A_146 = vector.broadcast %mul3A_145 : f32 to vector<16xf32>
        %mul3A_147 = arith.mulf %mul3A_144, %mul3A_146 : vector<16xf32>
        %jit3A_148 = arith.constant -5.000000e+00 : f32
        %jit3A_149 = arith.constant 5.000000e+00 : f32
        %max3A_150 = vector.broadcast %jit3A_148 : f32 to vector<16xf32>
        %max3A_151 = arith.maximumf %max3A_150, %mul3A_147 : vector<16xf32>
        %min3A_152 = vector.broadcast %jit3A_149 : f32 to vector<16xf32>
        %min3A_153 = arith.minimumf %min3A_152, %max3A_151 : vector<16xf32>
        %swap3A_154 = arith.index_cast %scan3A_48 : i32 to index
        %swap3A_155 = arith.constant 64 : index
        %swap3A_156 = tpu.vector_load %arg11[%swap3A_154, %swap3A_155] {strides = array<i32>} : memref<128x128xf32, #tpu.memory_space<vmem>>, vector<1x16xf32>,
        %swap3A_157 = vector.shape_cast %swap3A_156 : vector<1x16xf32> to vector<16xf32>
        %swap3A_158 = vector.shape_cast %min3A_153 : vector<16xf32> to vector<1x16xf32>
        tpu.vector_store %arg11[%swap3A_154, %swap3A_155], %swap3A_158 {strides = array<i32>} : memref<128x128xf32, #tpu.memory_space<vmem>>, vector<1x16xf32>,
        %get3A_159 = arith.index_cast %scan3A_48 : i32 to index
        %get3A_160 = arith.constant 80 : index
        %get3A_161 = tpu.vector_load %arg9[%get3A_159, %get3A_160] {strides = array<i32>} : memref<128x128xf32, #tpu.memory_space<vmem>>, vector<1x16xf32>,
        %get3A_162 = vector.shape_cast %get3A_161 : vector<1x16xf32> to vector<16xf32>
        %get3A_163 = arith.index_cast %scan3A_48 : i32 to index
        %get3A_164 = arith.constant 80 : index
        %get3A_165 = tpu.vector_load %arg10[%get3A_163, %get3A_164] {strides = array<i32>} : memref<128x128xf32, #tpu.memory_space<vmem>>, vector<1x16xf32>,
        %get3A_166 = vector.shape_cast %get3A_165 : vector<1x16xf32> to vector<16xf32>
        %mul3A_167 = arith.mulf %get3A_162, %get3A_166 : vector<16xf32>
        %mul3A_168 = arith.constant 2.500000e-01 : f32
        %mul3A_169 = vector.broadcast %mul3A_168 : f32 to vector<16xf32>
        %mul3A_170 = arith.mulf %mul3A_167, %mul3A_169 : vector<16xf32>
        %jit3A_171 = arith.constant -5.000000e+00 : f32
        %jit3A_172 = arith.constant 5.000000e+00 : f32
        %max3A_173 = vector.broadcast %jit3A_171 : f32 to vector<16xf32>
        %max3A_174 = arith.maximumf %max3A_173, %mul3A_170 : vector<16xf32>
        %min3A_175 = vector.broadcast %jit3A_172 : f32 to vector<16xf32>
        %min3A_176 = arith.minimumf %min3A_175, %max3A_174 : vector<16xf32>
        %swap3A_177 = arith.index_cast %scan3A_48 : i32 to index
        %swap3A_178 = arith.constant 80 : index
        %swap3A_179 = tpu.vector_load %arg11[%swap3A_177, %swap3A_178] {strides = array<i32>} : memref<128x128xf32, #tpu.memory_space<vmem>>, vector<1x16xf32>,
        %swap3A_180 = vector.shape_cast %swap3A_179 : vector<1x16xf32> to vector<16xf32>
        %swap3A_181 = vector.shape_cast %min3A_176 : vector<16xf32> to vector<1x16xf32>
        tpu.vector_store %arg11[%swap3A_177, %swap3A_178], %swap3A_181 {strides = array<i32>} : memref<128x128xf32, #tpu.memory_space<vmem>>, vector<1x16xf32>,
        %get3A_182 = arith.index_cast %scan3A_48 : i32 to index
        %get3A_183 = arith.constant 96 : index
        %get3A_184 = tpu.vector_load %arg9[%get3A_182, %get3A_183] {strides = array<i32>} : memref<128x128xf32, #tpu.memory_space<vmem>>, vector<1x16xf32>,
        %get3A_185 = vector.shape_cast %get3A_184 : vector<1x16xf32> to vector<16xf32>
        %get3A_186 = arith.index_cast %scan3A_48 : i32 to index
        %get3A_187 = arith.constant 96 : index
        %get3A_188 = tpu.vector_load %arg10[%get3A_186, %get3A_187] {strides = array<i32>} : memref<128x128xf32, #tpu.memory_space<vmem>>, vector<1x16xf32>,
        %get3A_189 = vector.shape_cast %get3A_188 : vector<1x16xf32> to vector<16xf32>
        %mul3A_190 = arith.mulf %get3A_185, %get3A_189 : vector<16xf32>
        %mul3A_191 = arith.constant 2.500000e-01 : f32
        %mul3A_192 = vector.broadcast %mul3A_191 : f32 to vector<16xf32>
        %mul3A_193 = arith.mulf %mul3A_190, %mul3A_192 : vector<16xf32>
        %jit3A_194 = arith.constant -5.000000e+00 : f32
        %jit3A_195 = arith.constant 5.000000e+00 : f32
        %max3A_196 = vector.broadcast %jit3A_194 : f32 to vector<16xf32>
        %max3A_197 = arith.maximumf %max3A_196, %mul3A_193 : vector<16xf32>
        %min3A_198 = vector.broadcast %jit3A_195 : f32 to vector<16xf32>
        %min3A_199 = arith.minimumf %min3A_198, %max3A_197 : vector<16xf32>
        %swap3A_200 = arith.index_cast %scan3A_48 : i32 to index
        %swap3A_201 = arith.constant 96 : index
        %swap3A_202 = tpu.vector_load %arg11[%swap3A_200, %swap3A_201] {strides = array<i32>} : memref<128x128xf32, #tpu.memory_space<vmem>>, vector<1x16xf32>,
        %swap3A_203 = vector.shape_cast %swap3A_202 : vector<1x16xf32> to vector<16xf32>
        %swap3A_204 = vector.shape_cast %min3A_199 : vector<16xf32> to vector<1x16xf32>
        tpu.vector_store %arg11[%swap3A_200, %swap3A_201], %swap3A_204 {strides = array<i32>} : memref<128x128xf32, #tpu.memory_space<vmem>>, vector<1x16xf32>,
        %get3A_205 = arith.index_cast %scan3A_48 : i32 to index
        %get3A_206 = arith.constant 112 : index
        %get3A_207 = tpu.vector_load %arg9[%get3A_205, %get3A_206] {strides = array<i32>} : memref<128x128xf32, #tpu.memory_space<vmem>>, vector<1x16xf32>,
        %get3A_208 = vector.shape_cast %get3A_207 : vector<1x16xf32> to vector<16xf32>
        %get3A_209 = arith.index_cast %scan3A_48 : i32 to index
        %get3A_210 = arith.constant 112 : index
        %get3A_211 = tpu.vector_load %arg10[%get3A_209, %get3A_210] {strides = array<i32>} : memref<128x128xf32, #tpu.memory_space<vmem>>, vector<1x16xf32>,
        %get3A_212 = vector.shape_cast %get3A_211 : vector<1x16xf32> to vector<16xf32>
        %mul3A_213 = arith.mulf %get3A_208, %get3A_212 : vector<16xf32>
        %mul3A_214 = arith.constant 2.500000e-01 : f32
        %mul3A_215 = vector.broadcast %mul3A_214 : f32 to vector<16xf32>
        %mul3A_216 = arith.mulf %mul3A_213, %mul3A_215 : vector<16xf32>
        %jit3A_217 = arith.constant -5.000000e+00 : f32
        %jit3A_218 = arith.constant 5.000000e+00 : f32
        %max3A_219 = vector.broadcast %jit3A_217 : f32 to vector<16xf32>
        %max3A_220 = arith.maximumf %max3A_219, %mul3A_216 : vector<16xf32>
        %min3A_221 = vector.broadcast %jit3A_218 : f32 to vector<16xf32>
        %min3A_222 = arith.minimumf %min3A_221, %max3A_220 : vector<16xf32>
        %swap3A_223 = arith.index_cast %scan3A_48 : i32 to index
        %swap3A_224 = arith.constant 112 : index
        %swap3A_225 = tpu.vector_load %arg11[%swap3A_223, %swap3A_224] {strides = array<i32>} : memref<128x128xf32, #tpu.memory_space<vmem>>, vector<1x16xf32>,
        %swap3A_226 = vector.shape_cast %swap3A_225 : vector<1x16xf32> to vector<16xf32>
        %swap3A_227 = vector.shape_cast %min3A_222 : vector<16xf32> to vector<1x16xf32>
        tpu.vector_store %arg11[%swap3A_223, %swap3A_224], %swap3A_227 {strides = array<i32>} : memref<128x128xf32, #tpu.memory_space<vmem>>, vector<1x16xf32>,
        %scan3A_228 = arith.constant 1 : i32
        %scan3A_229 = arith.addi %scan3A_48, %scan3A_228 : i32
        %get3A_230 = arith.index_cast %scan3A_229 : i32 to index
        %get3A_231 = arith.constant 0 : index
        %get3A_232 = tpu.vector_load %arg9[%get3A_230, %get3A_231] {strides = array<i32>} : memref<128x128xf32, #tpu.memory_space<vmem>>, vector<1x16xf32>,
        %get3A_233 = vector.shape_cast %get3A_232 : vector<1x16xf32> to vector<16xf32>
        %get3A_234 = arith.index_cast %scan3A_229 : i32 to index
        %get3A_235 = arith.constant 0 : index
        %get3A_236 = tpu.vector_load %arg10[%get3A_234, %get3A_235] {strides = array<i32>} : memref<128x128xf32, #tpu.memory_space<vmem>>, vector<1x16xf32>,
        %get3A_237 = vector.shape_cast %get3A_236 : vector<1x16xf32> to vector<16xf32>
        %mul3A_238 = arith.mulf %get3A_233, %get3A_237 : vector<16xf32>
        %mul3A_239 = arith.constant 2.500000e-01 : f32
        %mul3A_240 = vector.broadcast %mul3A_239 : f32 to vector<16xf32>
        %mul3A_241 = arith.mulf %mul3A_238, %mul3A_240 : vector<16xf32>
        %jit3A_242 = arith.constant -5.000000e+00 : f32
        %jit3A_243 = arith.constant 5.000000e+00 : f32
        %max3A_244 = vector.broadcast %jit3A_242 : f32 to vector<16xf32>
        %max3A_245 = arith.maximumf %max3A_244, %mul3A_241 : vector<16xf32>
        %min3A_246 = vector.broadcast %jit3A_243 : f32 to vector<16xf32>
        %min3A_247 = arith.minimumf %min3A_246, %max3A_245 : vector<16xf32>
        %swap3A_248 = arith.index_cast %scan3A_229 : i32 to index
        %swap3A_249 = arith.constant 0 : index
        %swap3A_250 = tpu.vector_load %arg11[%swap3A_248, %swap3A_249] {strides = array<i32>} : memref<128x128xf32, #tpu.memory_space<vmem>>, vector<1x16xf32>,
        %swap3A_251 = vector.shape_cast %swap3A_250 : vector<1x16xf32> to vector<16xf32>
        %swap3A_252 = vector.shape_cast %min3A_247 : vector<16xf32> to vector<1x16xf32>
        tpu.vector_store %arg11[%swap3A_248, %swap3A_249], %swap3A_252 {strides = array<i32>} : memref<128x128xf32, #tpu.memory_space<vmem>>, vector<1x16xf32>,
        %get3A_253 = arith.index_cast %scan3A_229 : i32 to index
        %get3A_254 = arith.constant 16 : index
        %get3A_255 = tpu.vector_load %arg9[%get3A_253, %get3A_254] {strides = array<i32>} : memref<128x128xf32, #tpu.memory_space<vmem>>, vector<1x16xf32>,
        %get3A_256 = vector.shape_cast %get3A_255 : vector<1x16xf32> to vector<16xf32>
        %get3A_257 = arith.index_cast %scan3A_229 : i32 to index
        %get3A_258 = arith.constant 16 : index
        %get3A_259 = tpu.vector_load %arg10[%get3A_257, %get3A_258] {strides = array<i32>} : memref<128x128xf32, #tpu.memory_space<vmem>>, vector<1x16xf32>,
        %get3A_260 = vector.shape_cast %get3A_259 : vector<1x16xf32> to vector<16xf32>
        %mul3A_261 = arith.mulf %get3A_256, %get3A_260 : vector<16xf32>
        %mul3A_262 = arith.constant 2.500000e-01 : f32
        %mul3A_263 = vector.broadcast %mul3A_262 : f32 to vector<16xf32>
        %mul3A_264 = arith.mulf %mul3A_261, %mul3A_263 : vector<16xf32>
        %jit3A_265 = arith.constant -5.000000e+00 : f32
        %jit3A_266 = arith.constant 5.000000e+00 : f32
        %max3A_267 = vector.broadcast %jit3A_265 : f32 to vector<16xf32>
        %max3A_268 = arith.maximumf %max3A_267, %mul3A_264 : vector<16xf32>
        %min3A_269 = vector.broadcast %jit3A_266 : f32 to vector<16xf32>
        %min3A_270 = arith.minimumf %min3A_269, %max3A_268 : vector<16xf32>
        %swap3A_271 = arith.index_cast %scan3A_229 : i32 to index
        %swap3A_272 = arith.constant 16 : index
        %swap3A_273 = tpu.vector_load %arg11[%swap3A_271, %swap3A_272] {strides = array<i32>} : memref<128x128xf32, #tpu.memory_space<vmem>>, vector<1x16xf32>,
        %swap3A_274 = vector.shape_cast %swap3A_273 : vector<1x16xf32> to vector<16xf32>
        %swap3A_275 = vector.shape_cast %min3A_270 : vector<16xf32> to vector<1x16xf32>
        tpu.vector_store %arg11[%swap3A_271, %swap3A_272], %swap3A_275 {strides = array<i32>} : memref<128x128xf32, #tpu.memory_space<vmem>>, vector<1x16xf32>,
        %get3A_276 = arith.index_cast %scan3A_229 : i32 to index
        %get3A_277 = arith.constant 32 : index
        %get3A_278 = tpu.vector_load %arg9[%get3A_276, %get3A_277] {strides = array<i32>} : memref<128x128xf32, #tpu.memory_space<vmem>>, vector<1x16xf32>,
        %get3A_279 = vector.shape_cast %get3A_278 : vector<1x16xf32> to vector<16xf32>
        %get3A_280 = arith.index_cast %scan3A_229 : i32 to index
        %get3A_281 = arith.constant 32 : index
        %get3A_282 = tpu.vector_load %arg10[%get3A_280, %get3A_281] {strides = array<i32>} : memref<128x128xf32, #tpu.memory_space<vmem>>, vector<1x16xf32>,
        %get3A_283 = vector.shape_cast %get3A_282 : vector<1x16xf32> to vector<16xf32>
        %mul3A_284 = arith.mulf %get3A_279, %get3A_283 : vector<16xf32>
        %mul3A_285 = arith.constant 2.500000e-01 : f32
        %mul3A_286 = vector.broadcast %mul3A_285 : f32 to vector<16xf32>
        %mul3A_287 = arith.mulf %mul3A_284, %mul3A_286 : vector<16xf32>
        %jit3A_288 = arith.constant -5.000000e+00 : f32
        %jit3A_289 = arith.constant 5.000000e+00 : f32
        %max3A_290 = vector.broadcast %jit3A_288 : f32 to vector<16xf32>
        %max3A_291 = arith.maximumf %max3A_290, %mul3A_287 : vector<16xf32>
        %min3A_292 = vector.broadcast %jit3A_289 : f32 to vector<16xf32>
        %min3A_293 = arith.minimumf %min3A_292, %max3A_291 : vector<16xf32>
        %swap3A_294 = arith.index_cast %scan3A_229 : i32 to index
        %swap3A_295 = arith.constant 32 : index
        %swap3A_296 = tpu.vector_load %arg11[%swap3A_294, %swap3A_295] {strides = array<i32>} : memref<128x128xf32, #tpu.memory_space<vmem>>, vector<1x16xf32>,
        %swap3A_297 = vector.shape_cast %swap3A_296 : vector<1x16xf32> to vector<16xf32>
        %swap3A_298 = vector.shape_cast %min3A_293 : vector<16xf32> to vector<1x16xf32>
        tpu.vector_store %arg11[%swap3A_294, %swap3A_295], %swap3A_298 {strides = array<i32>} : memref<128x128xf32, #tpu.memory_space<vmem>>, vector<1x16xf32>,
        %get3A_299 = arith.index_cast %scan3A_229 : i32 to index
        %get3A_300 = arith.constant 48 : index
        %get3A_301 = tpu.vector_load %arg9[%get3A_299, %get3A_300] {strides = array<i32>} : memref<128x128xf32, #tpu.memory_space<vmem>>, vector<1x16xf32>,
        %get3A_302 = vector.shape_cast %get3A_301 : vector<1x16xf32> to vector<16xf32>
        %get3A_303 = arith.index_cast %scan3A_229 : i32 to index
        %get3A_304 = arith.constant 48 : index
        %get3A_305 = tpu.vector_load %arg10[%get3A_303, %get3A_304] {strides = array<i32>} : memref<128x128xf32, #tpu.memory_space<vmem>>, vector<1x16xf32>,
        %get3A_306 = vector.shape_cast %get3A_305 : vector<1x16xf32> to vector<16xf32>
        %mul3A_307 = arith.mulf %get3A_302, %get3A_306 : vector<16xf32>
        %mul3A_308 = arith.constant 2.500000e-01 : f32
        %mul3A_309 = vector.broadcast %mul3A_308 : f32 to vector<16xf32>
        %mul3A_310 = arith.mulf %mul3A_307, %mul3A_309 : vector<16xf32>
        %jit3A_311 = arith.constant -5.000000e+00 : f32
        %jit3A_312 = arith.constant 5.000000e+00 : f32
        %max3A_313 = vector.broadcast %jit3A_311 : f32 to vector<16xf32>
        %max3A_314 = arith.maximumf %max3A_313, %mul3A_310 : vector<16xf32>
        %min3A_315 = vector.broadcast %jit3A_312 : f32 to vector<16xf32>
        %min3A_316 = arith.minimumf %min3A_315, %max3A_314 : vector<16xf32>
        %swap3A_317 = arith.index_cast %scan3A_229 : i32 to index
        %swap3A_318 = arith.constant 48 : index
        %swap3A_319 = tpu.vector_load %arg11[%swap3A_317, %swap3A_318] {strides = array<i32>} : memref<128x128xf32, #tpu.memory_space<vmem>>, vector<1x16xf32>,
        %swap3A_320 = vector.shape_cast %swap3A_319 : vector<1x16xf32> to vector<16xf32>
        %swap3A_321 = vector.shape_cast %min3A_316 : vector<16xf32> to vector<1x16xf32>
        tpu.vector_store %arg11[%swap3A_317, %swap3A_318], %swap3A_321 {strides = array<i32>} : memref<128x128xf32, #tpu.memory_space<vmem>>, vector<1x16xf32>,
        %get3A_322 = arith.index_cast %scan3A_229 : i32 to index
        %get3A_323 = arith.constant 64 : index
        %get3A_324 = tpu.vector_load %arg9[%get3A_322, %get3A_323] {strides = array<i32>} : memref<128x128xf32, #tpu.memory_space<vmem>>, vector<1x16xf32>,
        %get3A_325 = vector.shape_cast %get3A_324 : vector<1x16xf32> to vector<16xf32>
        %get3A_326 = arith.index_cast %scan3A_229 : i32 to index
        %get3A_327 = arith.constant 64 : index
        %get3A_328 = tpu.vector_load %arg10[%get3A_326, %get3A_327] {strides = array<i32>} : memref<128x128xf32, #tpu.memory_space<vmem>>, vector<1x16xf32>,
        %get3A_329 = vector.shape_cast %get3A_328 : vector<1x16xf32> to vector<16xf32>
        %mul3A_330 = arith.mulf %get3A_325, %get3A_329 : vector<16xf32>
        %mul3A_331 = arith.constant 2.500000e-01 : f32
        %mul3A_332 = vector.broadcast %mul3A_331 : f32 to vector<16xf32>
        %mul3A_333 = arith.mulf %mul3A_330, %mul3A_332 : vector<16xf32>
        %jit3A_334 = arith.constant -5.000000e+00 : f32
        %jit3A_335 = arith.constant 5.000000e+00 : f32
        %max3A_336 = vector.broadcast %jit3A_334 : f32 to vector<16xf32>
        %max3A_337 = arith.maximumf %max3A_336, %mul3A_333 : vector<16xf32>
        %min3A_338 = vector.broadcast %jit3A_335 : f32 to vector<16xf32>
        %min3A_339 = arith.minimumf %min3A_338, %max3A_337 : vector<16xf32>
        %swap3A_340 = arith.index_cast %scan3A_229 : i32 to index
        %swap3A_341 = arith.constant 64 : index
        %swap3A_342 = tpu.vector_load %arg11[%swap3A_340, %swap3A_341] {strides = array<i32>} : memref<128x128xf32, #tpu.memory_space<vmem>>, vector<1x16xf32>,
        %swap3A_343 = vector.shape_cast %swap3A_342 : vector<1x16xf32> to vector<16xf32>
        %swap3A_344 = vector.shape_cast %min3A_339 : vector<16xf32> to vector<1x16xf32>
        tpu.vector_store %arg11[%swap3A_340, %swap3A_341], %swap3A_344 {strides = array<i32>} : memref<128x128xf32, #tpu.memory_space<vmem>>, vector<1x16xf32>,
        %get3A_345 = arith.index_cast %scan3A_229 : i32 to index
        %get3A_346 = arith.constant 80 : index
        %get3A_347 = tpu.vector_load %arg9[%get3A_345, %get3A_346] {strides = array<i32>} : memref<128x128xf32, #tpu.memory_space<vmem>>, vector<1x16xf32>,
        %get3A_348 = vector.shape_cast %get3A_347 : vector<1x16xf32> to vector<16xf32>
        %get3A_349 = arith.index_cast %scan3A_229 : i32 to index
        %get3A_350 = arith.constant 80 : index
        %get3A_351 = tpu.vector_load %arg10[%get3A_349, %get3A_350] {strides = array<i32>} : memref<128x128xf32, #tpu.memory_space<vmem>>, vector<1x16xf32>,
        %get3A_352 = vector.shape_cast %get3A_351 : vector<1x16xf32> to vector<16xf32>
        %mul3A_353 = arith.mulf %get3A_348, %get3A_352 : vector<16xf32>
        %mul3A_354 = arith.constant 2.500000e-01 : f32
        %mul3A_355 = vector.broadcast %mul3A_354 : f32 to vector<16xf32>
        %mul3A_356 = arith.mulf %mul3A_353, %mul3A_355 : vector<16xf32>
        %jit3A_357 = arith.constant -5.000000e+00 : f32
        %jit3A_358 = arith.constant 5.000000e+00 : f32
        %max3A_359 = vector.broadcast %jit3A_357 : f32 to vector<16xf32>
        %max3A_360 = arith.maximumf %max3A_359, %mul3A_356 : vector<16xf32>
        %min3A_361 = vector.broadcast %jit3A_358 : f32 to vector<16xf32>
        %min3A_362 = arith.minimumf %min3A_361, %max3A_360 : vector<16xf32>
        %swap3A_363 = arith.index_cast %scan3A_229 : i32 to index
        %swap3A_364 = arith.constant 80 : index
        %swap3A_365 = tpu.vector_load %arg11[%swap3A_363, %swap3A_364] {strides = array<i32>} : memref<128x128xf32, #tpu.memory_space<vmem>>, vector<1x16xf32>,
        %swap3A_366 = vector.shape_cast %swap3A_365 : vector<1x16xf32> to vector<16xf32>
        %swap3A_367 = vector.shape_cast %min3A_362 : vector<16xf32> to vector<1x16xf32>
        tpu.vector_store %arg11[%swap3A_363, %swap3A_364], %swap3A_367 {strides = array<i32>} : memref<128x128xf32, #tpu.memory_space<vmem>>, vector<1x16xf32>,
        %get3A_368 = arith.index_cast %scan3A_229 : i32 to index
        %get3A_369 = arith.constant 96 : index
        %get3A_370 = tpu.vector_load %arg9[%get3A_368, %get3A_369] {strides = array<i32>} : memref<128x128xf32, #tpu.memory_space<vmem>>, vector<1x16xf32>,
        %get3A_371 = vector.shape_cast %get3A_370 : vector<1x16xf32> to vector<16xf32>
        %get3A_372 = arith.index_cast %scan3A_229 : i32 to index
        %get3A_373 = arith.constant 96 : index
        %get3A_374 = tpu.vector_load %arg10[%get3A_372, %get3A_373] {strides = array<i32>} : memref<128x128xf32, #tpu.memory_space<vmem>>, vector<1x16xf32>,
        %get3A_375 = vector.shape_cast %get3A_374 : vector<1x16xf32> to vector<16xf32>
        %mul3A_376 = arith.mulf %get3A_371, %get3A_375 : vector<16xf32>
        %mul3A_377 = arith.constant 2.500000e-01 : f32
        %mul3A_378 = vector.broadcast %mul3A_377 : f32 to vector<16xf32>
        %mul3A_379 = arith.mulf %mul3A_376, %mul3A_378 : vector<16xf32>
        %jit3A_380 = arith.constant -5.000000e+00 : f32
        %jit3A_381 = arith.constant 5.000000e+00 : f32
        %max3A_382 = vector.broadcast %jit3A_380 : f32 to vector<16xf32>
        %max3A_383 = arith.maximumf %max3A_382, %mul3A_379 : vector<16xf32>
        %min3A_384 = vector.broadcast %jit3A_381 : f32 to vector<16xf32>
        %min3A_385 = arith.minimumf %min3A_384, %max3A_383 : vector<16xf32>
        %swap3A_386 = arith.index_cast %scan3A_229 : i32 to index
        %swap3A_387 = arith.constant 96 : index
        %swap3A_388 = tpu.vector_load %arg11[%swap3A_386, %swap3A_387] {strides = array<i32>} : memref<128x128xf32, #tpu.memory_space<vmem>>, vector<1x16xf32>,
        %swap3A_389 = vector.shape_cast %swap3A_388 : vector<1x16xf32> to vector<16xf32>
        %swap3A_390 = vector.shape_cast %min3A_385 : vector<16xf32> to vector<1x16xf32>
        tpu.vector_store %arg11[%swap3A_386, %swap3A_387], %swap3A_390 {strides = array<i32>} : memref<128x128xf32, #tpu.memory_space<vmem>>, vector<1x16xf32>,
        %get3A_391 = arith.index_cast %scan3A_229 : i32 to index
        %get3A_392 = arith.constant 112 : index
        %get3A_393 = tpu.vector_load %arg9[%get3A_391, %get3A_392] {strides = array<i32>} : memref<128x128xf32, #tpu.memory_space<vmem>>, vector<1x16xf32>,
        %get3A_394 = vector.shape_cast %get3A_393 : vector<1x16xf32> to vector<16xf32>
        %get3A_395 = arith.index_cast %scan3A_229 : i32 to index
        %get3A_396 = arith.constant 112 : index
        %get3A_397 = tpu.vector_load %arg10[%get3A_395, %get3A_396] {strides = array<i32>} : memref<128x128xf32, #tpu.memory_space<vmem>>, vector<1x16xf32>,
        %get3A_398 = vector.shape_cast %get3A_397 : vector<1x16xf32> to vector<16xf32>
        %mul3A_399 = arith.mulf %get3A_394, %get3A_398 : vector<16xf32>
        %mul3A_400 = arith.constant 2.500000e-01 : f32
        %mul3A_401 = vector.broadcast %mul3A_400 : f32 to vector<16xf32>
        %mul3A_402 = arith.mulf %mul3A_399, %mul3A_401 : vector<16xf32>
        %jit3A_403 = arith.constant -5.000000e+00 : f32
        %jit3A_404 = arith.constant 5.000000e+00 : f32
        %max3A_405 = vector.broadcast %jit3A_403 : f32 to vector<16xf32>
        %max3A_406 = arith.maximumf %max3A_405, %mul3A_402 : vector<16xf32>
        %min3A_407 = vector.broadcast %jit3A_404 : f32 to vector<16xf32>
        %min3A_408 = arith.minimumf %min3A_407, %max3A_406 : vector<16xf32>
        %swap3A_409 = arith.index_cast %scan3A_229 : i32 to index
        %swap3A_410 = arith.constant 112 : index
        %swap3A_411 = tpu.vector_load %arg11[%swap3A_409, %swap3A_410] {strides = array<i32>} : memref<128x128xf32, #tpu.memory_space<vmem>>, vector<1x16xf32>,
        %swap3A_412 = vector.shape_cast %swap3A_411 : vector<1x16xf32> to vector<16xf32>
        %swap3A_413 = vector.shape_cast %min3A_408 : vector<16xf32> to vector<1x16xf32>
        tpu.vector_store %arg11[%swap3A_409, %swap3A_410], %swap3A_413 {strides = array<i32>} : memref<128x128xf32, #tpu.memory_space<vmem>>, vector<1x16xf32>,
      }
      %scan3A_47 = arith.constant 128 : i32
      "tpu.region"() ({
        %run_scoped3A = tpu.sem_alloc : memref<!tpu.dma_semaphore, #tpu.memory_space<semaphore_mem>>
        %dma_start3A_48 = arith.constant 0 : i32
        %dma_start3A_49 = tpu.memref_slice %arg6[%add3A_29, %dma_start3A_48] : memref<320000x128xf32, #tpu.memory_space<hbm>> -> memref<128x128xf32, #tpu.memory_space<hbm>>
        %dma_start3A_50 = arith.constant 0 : i32
        %dma_start3A_51 = tpu.memref_slice %arg6[%add3A_29, %dma_start3A_50] : memref<320000x128xf32, #tpu.memory_space<hbm>> -> memref<128x128xf32, #tpu.memory_space<hbm>>
        tpu.enqueue_dma source(%arg11 : memref<128x128xf32, #tpu.memory_space<vmem>>) target(%dma_start3A_51 : memref<128x128xf32, #tpu.memory_space<hbm>>) target_semaphore(%run_scoped3A : memref<!tpu.dma_semaphore, #tpu.memory_space<semaphore_mem>>)
        %dma_wait3A_52 = arith.constant 0 : i32
        %dma_wait3A_53 = tpu.memref_slice %arg6[%add3A_29, %dma_wait3A_52] : memref<320000x128xf32, #tpu.memory_space<hbm>> -> memref<128x128xf32, #tpu.memory_space<hbm>>
        %dma_wait3A_54 = arith.constant 0 : i32
        %dma_wait3A_55 = tpu.memref_slice %arg6[%add3A_29, %dma_wait3A_54] : memref<320000x128xf32, #tpu.memory_space<hbm>> -> memref<128x128xf32, #tpu.memory_space<hbm>>
        tpu.wait_dma2 semaphore(%run_scoped3A : memref<!tpu.dma_semaphore, #tpu.memory_space<semaphore_mem>>) src(%arg11 : memref<128x128xf32, #tpu.memory_space<vmem>>) dst(%dma_wait3A_55 : memref<128x128xf32, #tpu.memory_space<hbm>>)
        tpu.yield
      }) : () -> ()
    }
    %scan3A_7 = arith.constant 78 : i32
    %add3A_8 = arith.constant 9984 : i32
    %add3A_9 = arith.addi %mul3A_2, %add3A_8 : i32
    "tpu.region"() ({
      %run_scoped3A = tpu.sem_alloc : memref<!tpu.dma_semaphore, #tpu.memory_space<semaphore_mem>>
      %dma_start3A_26 = tpu.memref_slice %arg4[%add3A_9] : memref<320000xi32, #tpu.memory_space<hbm>> -> memref<16xi32, #tpu.memory_space<hbm>>
      %dma_start3A_27 = tpu.memref_slice %arg4[%add3A_9] : memref<320000xi32, #tpu.memory_space<hbm>> -> memref<16xi32, #tpu.memory_space<hbm>>
      tpu.enqueue_dma source(%dma_start3A_27 : memref<16xi32, #tpu.memory_space<hbm>>) target(%arg12 : memref<16xi32, #tpu.memory_space<vmem>>) target_semaphore(%run_scoped3A : memref<!tpu.dma_semaphore, #tpu.memory_space<semaphore_mem>>)
      %dma_wait3A_28 = tpu.memref_slice %arg4[%add3A_9] : memref<320000xi32, #tpu.memory_space<hbm>> -> memref<16xi32, #tpu.memory_space<hbm>>
      %dma_wait3A_29 = tpu.memref_slice %arg4[%add3A_9] : memref<320000xi32, #tpu.memory_space<hbm>> -> memref<16xi32, #tpu.memory_space<hbm>>
      tpu.wait_dma2 semaphore(%run_scoped3A : memref<!tpu.dma_semaphore, #tpu.memory_space<semaphore_mem>>) src(%dma_wait3A_29 : memref<16xi32, #tpu.memory_space<hbm>>) dst(%arg12 : memref<16xi32, #tpu.memory_space<vmem>>)
      tpu.yield
    }) : () -> ()
    "tpu.region"() ({
      %run_scoped3A = tpu.sem_alloc : memref<!tpu.dma_semaphore, #tpu.memory_space<semaphore_mem>>
      %dma_start3A_26 = tpu.memref_slice %arg5[%add3A_9] : memref<320000xi32, #tpu.memory_space<hbm>> -> memref<16xi32, #tpu.memory_space<hbm>>
      %dma_start3A_27 = tpu.memref_slice %arg5[%add3A_9] : memref<320000xi32, #tpu.memory_space<hbm>> -> memref<16xi32, #tpu.memory_space<hbm>>
      tpu.enqueue_dma source(%dma_start3A_27 : memref<16xi32, #tpu.memory_space<hbm>>) target(%arg13 : memref<16xi32, #tpu.memory_space<vmem>>) target_semaphore(%run_scoped3A : memref<!tpu.dma_semaphore, #tpu.memory_space<semaphore_mem>>)
      %dma_wait3A_28 = tpu.memref_slice %arg5[%add3A_9] : memref<320000xi32, #tpu.memory_space<hbm>> -> memref<16xi32, #tpu.memory_space<hbm>>
      %dma_wait3A_29 = tpu.memref_slice %arg5[%add3A_9] : memref<320000xi32, #tpu.memory_space<hbm>> -> memref<16xi32, #tpu.memory_space<hbm>>
      tpu.wait_dma2 semaphore(%run_scoped3A : memref<!tpu.dma_semaphore, #tpu.memory_space<semaphore_mem>>) src(%dma_wait3A_29 : memref<16xi32, #tpu.memory_space<hbm>>) dst(%arg13 : memref<16xi32, #tpu.memory_space<vmem>>)
      tpu.yield
    }) : () -> ()
    %dma_start3A = arith.constant 0 : i32
    %dma_start3A_10 = arith.constant 0 : i32
    %dma_start3A_11 = tpu.memref_slice %arg2[%dma_start3A, %dma_start3A_10] : memref<10000x128xf32, #tpu.memory_space<hbm>> -> memref<10000x128xf32, #tpu.memory_space<hbm>>
    tpu.enqueue_indirect_dma source(%dma_start3A_11 : memref<10000x128xf32, #tpu.memory_space<hbm>>) target(%arg14 : memref<16x128xf32, #tpu.memory_space<vmem>>) offsets(%arg12 : memref<16xi32, #tpu.memory_space<vmem>>) semaphore(%arg17 : memref<!tpu.dma_semaphore, #tpu.memory_space<semaphore_mem>>)
    %dma_start3A_12 = arith.constant 0 : i32
    %dma_start3A_13 = arith.constant 0 : i32
    %dma_start3A_14 = tpu.memref_slice %arg3[%dma_start3A_12, %dma_start3A_13] : memref<10000x128xf32, #tpu.memory_space<hbm>> -> memref<10000x128xf32, #tpu.memory_space<hbm>>
    tpu.enqueue_indirect_dma source(%dma_start3A_14 : memref<10000x128xf32, #tpu.memory_space<hbm>>) target(%arg15 : memref<16x128xf32, #tpu.memory_space<vmem>>) offsets(%arg13 : memref<16xi32, #tpu.memory_space<vmem>>) semaphore(%arg17 : memref<!tpu.dma_semaphore, #tpu.memory_space<semaphore_mem>>)
    %dma_wait3A = arith.constant 0 : i32
    %dma_wait3A_15 = arith.constant 0 : i32
    %dma_wait3A_16 = tpu.memref_slice %arg2[%dma_wait3A, %dma_wait3A_15] : memref<10000x128xf32, #tpu.memory_space<hbm>> -> memref<10000x128xf32, #tpu.memory_space<hbm>>
    tpu.wait_indirect_dma semaphore(%arg17 : memref<!tpu.dma_semaphore, #tpu.memory_space<semaphore_mem>>) src(%dma_wait3A_16 : memref<10000x128xf32, #tpu.memory_space<hbm>>) dst(%arg14 : memref<16x128xf32, #tpu.memory_space<vmem>>)
    %dma_wait3A_17 = arith.constant 0 : i32
    %dma_wait3A_18 = arith.constant 0 : i32
    %dma_wait3A_19 = tpu.memref_slice %arg3[%dma_wait3A_17, %dma_wait3A_18] : memref<10000x128xf32, #tpu.memory_space<hbm>> -> memref<10000x128xf32, #tpu.memory_space<hbm>>
    tpu.wait_indirect_dma semaphore(%arg17 : memref<!tpu.dma_semaphore, #tpu.memory_space<semaphore_mem>>) src(%dma_wait3A_19 : memref<10000x128xf32, #tpu.memory_space<hbm>>) dst(%arg15 : memref<16x128xf32, #tpu.memory_space<vmem>>)
    %scan3A_20 = arith.constant 0 : i32
    %scan3A_21 = arith.constant 0 : i32
    %scan3A_22 = arith.constant 16 : i32
    %scan3A_23 = arith.addi %scan3A_21, %scan3A_22 : i32
    %scan3A_24 = arith.constant 2 : i32
    scf.for %scan3A_26 = %scan3A_21 to %scan3A_23 step %scan3A_24  : i32 {
      %get3A = arith.index_cast %scan3A_26 : i32 to index
      %get3A_27 = arith.constant 0 : index
      %get3A_28 = tpu.vector_load %arg14[%get3A, %get3A_27] {strides = array<i32>} : memref<16x128xf32, #tpu.memory_space<vmem>>, vector<1x16xf32>,
      %get3A_29 = vector.shape_cast %get3A_28 : vector<1x16xf32> to vector<16xf32>
      %get3A_30 = arith.index_cast %scan3A_26 : i32 to index
      %get3A_31 = arith.constant 0 : index
      %get3A_32 = tpu.vector_load %arg15[%get3A_30, %get3A_31] {strides = array<i32>} : memref<16x128xf32, #tpu.memory_space<vmem>>, vector<1x16xf32>,
      %get3A_33 = vector.shape_cast %get3A_32 : vector<1x16xf32> to vector<16xf32>
      %mul3A_34 = arith.mulf %get3A_29, %get3A_33 : vector<16xf32>
      %mul3A_35 = arith.constant 2.500000e-01 : f32
      %mul3A_36 = vector.broadcast %mul3A_35 : f32 to vector<16xf32>
      %mul3A_37 = arith.mulf %mul3A_34, %mul3A_36 : vector<16xf32>
      %jit3A = arith.constant -5.000000e+00 : f32
      %jit3A_38 = arith.constant 5.000000e+00 : f32
      %max3A = vector.broadcast %jit3A : f32 to vector<16xf32>
      %max3A_39 = arith.maximumf %max3A, %mul3A_37 : vector<16xf32>
      %min3A = vector.broadcast %jit3A_38 : f32 to vector<16xf32>
      %min3A_40 = arith.minimumf %min3A, %max3A_39 : vector<16xf32>
      %swap3A = arith.index_cast %scan3A_26 : i32 to index
      %swap3A_41 = arith.constant 0 : index
      %swap3A_42 = tpu.vector_load %arg16[%swap3A, %swap3A_41] {strides = array<i32>} : memref<16x128xf32, #tpu.memory_space<vmem>>, vector<1x16xf32>,
      %swap3A_43 = vector.shape_cast %swap3A_42 : vector<1x16xf32> to vector<16xf32>
      %swap3A_44 = vector.shape_cast %min3A_40 : vector<16xf32> to vector<1x16xf32>
      tpu.vector_store %arg16[%swap3A, %swap3A_41], %swap3A_44 {strides = array<i32>} : memref<16x128xf32, #tpu.memory_space<vmem>>, vector<1x16xf32>,
      %get3A_45 = arith.index_cast %scan3A_26 : i32 to index
      %get3A_46 = arith.constant 16 : index
      %get3A_47 = tpu.vector_load %arg14[%get3A_45, %get3A_46] {strides = array<i32>} : memref<16x128xf32, #tpu.memory_space<vmem>>, vector<1x16xf32>,
      %get3A_48 = vector.shape_cast %get3A_47 : vector<1x16xf32> to vector<16xf32>
      %get3A_49 = arith.index_cast %scan3A_26 : i32 to index
      %get3A_50 = arith.constant 16 : index
      %get3A_51 = tpu.vector_load %arg15[%get3A_49, %get3A_50] {strides = array<i32>} : memref<16x128xf32, #tpu.memory_space<vmem>>, vector<1x16xf32>,
      %get3A_52 = vector.shape_cast %get3A_51 : vector<1x16xf32> to vector<16xf32>
      %mul3A_53 = arith.mulf %get3A_48, %get3A_52 : vector<16xf32>
      %mul3A_54 = arith.constant 2.500000e-01 : f32
      %mul3A_55 = vector.broadcast %mul3A_54 : f32 to vector<16xf32>
      %mul3A_56 = arith.mulf %mul3A_53, %mul3A_55 : vector<16xf32>
      %jit3A_57 = arith.constant -5.000000e+00 : f32
      %jit3A_58 = arith.constant 5.000000e+00 : f32
      %max3A_59 = vector.broadcast %jit3A_57 : f32 to vector<16xf32>
      %max3A_60 = arith.maximumf %max3A_59, %mul3A_56 : vector<16xf32>
      %min3A_61 = vector.broadcast %jit3A_58 : f32 to vector<16xf32>
      %min3A_62 = arith.minimumf %min3A_61, %max3A_60 : vector<16xf32>
      %swap3A_63 = arith.index_cast %scan3A_26 : i32 to index
      %swap3A_64 = arith.constant 16 : index
      %swap3A_65 = tpu.vector_load %arg16[%swap3A_63, %swap3A_64] {strides = array<i32>} : memref<16x128xf32, #tpu.memory_space<vmem>>, vector<1x16xf32>,
      %swap3A_66 = vector.shape_cast %swap3A_65 : vector<1x16xf32> to vector<16xf32>
      %swap3A_67 = vector.shape_cast %min3A_62 : vector<16xf32> to vector<1x16xf32>
      tpu.vector_store %arg16[%swap3A_63, %swap3A_64], %swap3A_67 {strides = array<i32>} : memref<16x128xf32, #tpu.memory_space<vmem>>, vector<1x16xf32>,
      %get3A_68 = arith.index_cast %scan3A_26 : i32 to index
      %get3A_69 = arith.constant 32 : index
      %get3A_70 = tpu.vector_load %arg14[%get3A_68, %get3A_69] {strides = array<i32>} : memref<16x128xf32, #tpu.memory_space<vmem>>, vector<1x16xf32>,
      %get3A_71 = vector.shape_cast %get3A_70 : vector<1x16xf32> to vector<16xf32>
      %get3A_72 = arith.index_cast %scan3A_26 : i32 to index
      %get3A_73 = arith.constant 32 : index
      %get3A_74 = tpu.vector_load %arg15[%get3A_72, %get3A_73] {strides = array<i32>} : memref<16x128xf32, #tpu.memory_space<vmem>>, vector<1x16xf32>,
      %get3A_75 = vector.shape_cast %get3A_74 : vector<1x16xf32> to vector<16xf32>
      %mul3A_76 = arith.mulf %get3A_71, %get3A_75 : vector<16xf32>
      %mul3A_77 = arith.constant 2.500000e-01 : f32
      %mul3A_78 = vector.broadcast %mul3A_77 : f32 to vector<16xf32>
      %mul3A_79 = arith.mulf %mul3A_76, %mul3A_78 : vector<16xf32>
      %jit3A_80 = arith.constant -5.000000e+00 : f32
      %jit3A_81 = arith.constant 5.000000e+00 : f32
      %max3A_82 = vector.broadcast %jit3A_80 : f32 to vector<16xf32>
      %max3A_83 = arith.maximumf %max3A_82, %mul3A_79 : vector<16xf32>
      %min3A_84 = vector.broadcast %jit3A_81 : f32 to vector<16xf32>
      %min3A_85 = arith.minimumf %min3A_84, %max3A_83 : vector<16xf32>
      %swap3A_86 = arith.index_cast %scan3A_26 : i32 to index
      %swap3A_87 = arith.constant 32 : index
      %swap3A_88 = tpu.vector_load %arg16[%swap3A_86, %swap3A_87] {strides = array<i32>} : memref<16x128xf32, #tpu.memory_space<vmem>>, vector<1x16xf32>,
      %swap3A_89 = vector.shape_cast %swap3A_88 : vector<1x16xf32> to vector<16xf32>
      %swap3A_90 = vector.shape_cast %min3A_85 : vector<16xf32> to vector<1x16xf32>
      tpu.vector_store %arg16[%swap3A_86, %swap3A_87], %swap3A_90 {strides = array<i32>} : memref<16x128xf32, #tpu.memory_space<vmem>>, vector<1x16xf32>,
      %get3A_91 = arith.index_cast %scan3A_26 : i32 to index
      %get3A_92 = arith.constant 48 : index
      %get3A_93 = tpu.vector_load %arg14[%get3A_91, %get3A_92] {strides = array<i32>} : memref<16x128xf32, #tpu.memory_space<vmem>>, vector<1x16xf32>,
      %get3A_94 = vector.shape_cast %get3A_93 : vector<1x16xf32> to vector<16xf32>
      %get3A_95 = arith.index_cast %scan3A_26 : i32 to index
      %get3A_96 = arith.constant 48 : index
      %get3A_97 = tpu.vector_load %arg15[%get3A_95, %get3A_96] {strides = array<i32>} : memref<16x128xf32, #tpu.memory_space<vmem>>, vector<1x16xf32>,
      %get3A_98 = vector.shape_cast %get3A_97 : vector<1x16xf32> to vector<16xf32>
      %mul3A_99 = arith.mulf %get3A_94, %get3A_98 : vector<16xf32>
      %mul3A_100 = arith.constant 2.500000e-01 : f32
      %mul3A_101 = vector.broadcast %mul3A_100 : f32 to vector<16xf32>
      %mul3A_102 = arith.mulf %mul3A_99, %mul3A_101 : vector<16xf32>
      %jit3A_103 = arith.constant -5.000000e+00 : f32
      %jit3A_104 = arith.constant 5.000000e+00 : f32
      %max3A_105 = vector.broadcast %jit3A_103 : f32 to vector<16xf32>
      %max3A_106 = arith.maximumf %max3A_105, %mul3A_102 : vector<16xf32>
      %min3A_107 = vector.broadcast %jit3A_104 : f32 to vector<16xf32>
      %min3A_108 = arith.minimumf %min3A_107, %max3A_106 : vector<16xf32>
      %swap3A_109 = arith.index_cast %scan3A_26 : i32 to index
      %swap3A_110 = arith.constant 48 : index
      %swap3A_111 = tpu.vector_load %arg16[%swap3A_109, %swap3A_110] {strides = array<i32>} : memref<16x128xf32, #tpu.memory_space<vmem>>, vector<1x16xf32>,
      %swap3A_112 = vector.shape_cast %swap3A_111 : vector<1x16xf32> to vector<16xf32>
      %swap3A_113 = vector.shape_cast %min3A_108 : vector<16xf32> to vector<1x16xf32>
      tpu.vector_store %arg16[%swap3A_109, %swap3A_110], %swap3A_113 {strides = array<i32>} : memref<16x128xf32, #tpu.memory_space<vmem>>, vector<1x16xf32>,
      %get3A_114 = arith.index_cast %scan3A_26 : i32 to index
      %get3A_115 = arith.constant 64 : index
      %get3A_116 = tpu.vector_load %arg14[%get3A_114, %get3A_115] {strides = array<i32>} : memref<16x128xf32, #tpu.memory_space<vmem>>, vector<1x16xf32>,
      %get3A_117 = vector.shape_cast %get3A_116 : vector<1x16xf32> to vector<16xf32>
      %get3A_118 = arith.index_cast %scan3A_26 : i32 to index
      %get3A_119 = arith.constant 64 : index
      %get3A_120 = tpu.vector_load %arg15[%get3A_118, %get3A_119] {strides = array<i32>} : memref<16x128xf32, #tpu.memory_space<vmem>>, vector<1x16xf32>,
      %get3A_121 = vector.shape_cast %get3A_120 : vector<1x16xf32> to vector<16xf32>
      %mul3A_122 = arith.mulf %get3A_117, %get3A_121 : vector<16xf32>
      %mul3A_123 = arith.constant 2.500000e-01 : f32
      %mul3A_124 = vector.broadcast %mul3A_123 : f32 to vector<16xf32>
      %mul3A_125 = arith.mulf %mul3A_122, %mul3A_124 : vector<16xf32>
      %jit3A_126 = arith.constant -5.000000e+00 : f32
      %jit3A_127 = arith.constant 5.000000e+00 : f32
      %max3A_128 = vector.broadcast %jit3A_126 : f32 to vector<16xf32>
      %max3A_129 = arith.maximumf %max3A_128, %mul3A_125 : vector<16xf32>
      %min3A_130 = vector.broadcast %jit3A_127 : f32 to vector<16xf32>
      %min3A_131 = arith.minimumf %min3A_130, %max3A_129 : vector<16xf32>
      %swap3A_132 = arith.index_cast %scan3A_26 : i32 to index
      %swap3A_133 = arith.constant 64 : index
      %swap3A_134 = tpu.vector_load %arg16[%swap3A_132, %swap3A_133] {strides = array<i32>} : memref<16x128xf32, #tpu.memory_space<vmem>>, vector<1x16xf32>,
      %swap3A_135 = vector.shape_cast %swap3A_134 : vector<1x16xf32> to vector<16xf32>
      %swap3A_136 = vector.shape_cast %min3A_131 : vector<16xf32> to vector<1x16xf32>
      tpu.vector_store %arg16[%swap3A_132, %swap3A_133], %swap3A_136 {strides = array<i32>} : memref<16x128xf32, #tpu.memory_space<vmem>>, vector<1x16xf32>,
      %get3A_137 = arith.index_cast %scan3A_26 : i32 to index
      %get3A_138 = arith.constant 80 : index
      %get3A_139 = tpu.vector_load %arg14[%get3A_137, %get3A_138] {strides = array<i32>} : memref<16x128xf32, #tpu.memory_space<vmem>>, vector<1x16xf32>,
      %get3A_140 = vector.shape_cast %get3A_139 : vector<1x16xf32> to vector<16xf32>
      %get3A_141 = arith.index_cast %scan3A_26 : i32 to index
      %get3A_142 = arith.constant 80 : index
      %get3A_143 = tpu.vector_load %arg15[%get3A_141, %get3A_142] {strides = array<i32>} : memref<16x128xf32, #tpu.memory_space<vmem>>, vector<1x16xf32>,
      %get3A_144 = vector.shape_cast %get3A_143 : vector<1x16xf32> to vector<16xf32>
      %mul3A_145 = arith.mulf %get3A_140, %get3A_144 : vector<16xf32>
      %mul3A_146 = arith.constant 2.500000e-01 : f32
      %mul3A_147 = vector.broadcast %mul3A_146 : f32 to vector<16xf32>
      %mul3A_148 = arith.mulf %mul3A_145, %mul3A_147 : vector<16xf32>
      %jit3A_149 = arith.constant -5.000000e+00 : f32
      %jit3A_150 = arith.constant 5.000000e+00 : f32
      %max3A_151 = vector.broadcast %jit3A_149 : f32 to vector<16xf32>
      %max3A_152 = arith.maximumf %max3A_151, %mul3A_148 : vector<16xf32>
      %min3A_153 = vector.broadcast %jit3A_150 : f32 to vector<16xf32>
      %min3A_154 = arith.minimumf %min3A_153, %max3A_152 : vector<16xf32>
      %swap3A_155 = arith.index_cast %scan3A_26 : i32 to index
      %swap3A_156 = arith.constant 80 : index
      %swap3A_157 = tpu.vector_load %arg16[%swap3A_155, %swap3A_156] {strides = array<i32>} : memref<16x128xf32, #tpu.memory_space<vmem>>, vector<1x16xf32>,
      %swap3A_158 = vector.shape_cast %swap3A_157 : vector<1x16xf32> to vector<16xf32>
      %swap3A_159 = vector.shape_cast %min3A_154 : vector<16xf32> to vector<1x16xf32>
      tpu.vector_store %arg16[%swap3A_155, %swap3A_156], %swap3A_159 {strides = array<i32>} : memref<16x128xf32, #tpu.memory_space<vmem>>, vector<1x16xf32>,
      %get3A_160 = arith.index_cast %scan3A_26 : i32 to index
      %get3A_161 = arith.constant 96 : index
      %get3A_162 = tpu.vector_load %arg14[%get3A_160, %get3A_161] {strides = array<i32>} : memref<16x128xf32, #tpu.memory_space<vmem>>, vector<1x16xf32>,
      %get3A_163 = vector.shape_cast %get3A_162 : vector<1x16xf32> to vector<16xf32>
      %get3A_164 = arith.index_cast %scan3A_26 : i32 to index
      %get3A_165 = arith.constant 96 : index
      %get3A_166 = tpu.vector_load %arg15[%get3A_164, %get3A_165] {strides = array<i32>} : memref<16x128xf32, #tpu.memory_space<vmem>>, vector<1x16xf32>,
      %get3A_167 = vector.shape_cast %get3A_166 : vector<1x16xf32> to vector<16xf32>
      %mul3A_168 = arith.mulf %get3A_163, %get3A_167 : vector<16xf32>
      %mul3A_169 = arith.constant 2.500000e-01 : f32
      %mul3A_170 = vector.broadcast %mul3A_169 : f32 to vector<16xf32>
      %mul3A_171 = arith.mulf %mul3A_168, %mul3A_170 : vector<16xf32>
      %jit3A_172 = arith.constant -5.000000e+00 : f32
      %jit3A_173 = arith.constant 5.000000e+00 : f32
      %max3A_174 = vector.broadcast %jit3A_172 : f32 to vector<16xf32>
      %max3A_175 = arith.maximumf %max3A_174, %mul3A_171 : vector<16xf32>
      %min3A_176 = vector.broadcast %jit3A_173 : f32 to vector<16xf32>
      %min3A_177 = arith.minimumf %min3A_176, %max3A_175 : vector<16xf32>
      %swap3A_178 = arith.index_cast %scan3A_26 : i32 to index
      %swap3A_179 = arith.constant 96 : index
      %swap3A_180 = tpu.vector_load %arg16[%swap3A_178, %swap3A_179] {strides = array<i32>} : memref<16x128xf32, #tpu.memory_space<vmem>>, vector<1x16xf32>,
      %swap3A_181 = vector.shape_cast %swap3A_180 : vector<1x16xf32> to vector<16xf32>
      %swap3A_182 = vector.shape_cast %min3A_177 : vector<16xf32> to vector<1x16xf32>
      tpu.vector_store %arg16[%swap3A_178, %swap3A_179], %swap3A_182 {strides = array<i32>} : memref<16x128xf32, #tpu.memory_space<vmem>>, vector<1x16xf32>,
      %get3A_183 = arith.index_cast %scan3A_26 : i32 to index
      %get3A_184 = arith.constant 112 : index
      %get3A_185 = tpu.vector_load %arg14[%get3A_183, %get3A_184] {strides = array<i32>} : memref<16x128xf32, #tpu.memory_space<vmem>>, vector<1x16xf32>,
      %get3A_186 = vector.shape_cast %get3A_185 : vector<1x16xf32> to vector<16xf32>
      %get3A_187 = arith.index_cast %scan3A_26 : i32 to index
      %get3A_188 = arith.constant 112 : index
      %get3A_189 = tpu.vector_load %arg15[%get3A_187, %get3A_188] {strides = array<i32>} : memref<16x128xf32, #tpu.memory_space<vmem>>, vector<1x16xf32>,
      %get3A_190 = vector.shape_cast %get3A_189 : vector<1x16xf32> to vector<16xf32>
      %mul3A_191 = arith.mulf %get3A_186, %get3A_190 : vector<16xf32>
      %mul3A_192 = arith.constant 2.500000e-01 : f32
      %mul3A_193 = vector.broadcast %mul3A_192 : f32 to vector<16xf32>
      %mul3A_194 = arith.mulf %mul3A_191, %mul3A_193 : vector<16xf32>
      %jit3A_195 = arith.constant -5.000000e+00 : f32
      %jit3A_196 = arith.constant 5.000000e+00 : f32
      %max3A_197 = vector.broadcast %jit3A_195 : f32 to vector<16xf32>
      %max3A_198 = arith.maximumf %max3A_197, %mul3A_194 : vector<16xf32>
      %min3A_199 = vector.broadcast %jit3A_196 : f32 to vector<16xf32>
      %min3A_200 = arith.minimumf %min3A_199, %max3A_198 : vector<16xf32>
      %swap3A_201 = arith.index_cast %scan3A_26 : i32 to index
      %swap3A_202 = arith.constant 112 : index
      %swap3A_203 = tpu.vector_load %arg16[%swap3A_201, %swap3A_202] {strides = array<i32>} : memref<16x128xf32, #tpu.memory_space<vmem>>, vector<1x16xf32>,
      %swap3A_204 = vector.shape_cast %swap3A_203 : vector<1x16xf32> to vector<16xf32>
      %swap3A_205 = vector.shape_cast %min3A_200 : vector<16xf32> to vector<1x16xf32>
      tpu.vector_store %arg16[%swap3A_201, %swap3A_202], %swap3A_205 {strides = array<i32>} : memref<16x128xf32, #tpu.memory_space<vmem>>, vector<1x16xf32>,
      %scan3A_206 = arith.constant 1 : i32
      %scan3A_207 = arith.addi %scan3A_26, %scan3A_206 : i32
      %get3A_208 = arith.index_cast %scan3A_207 : i32 to index
      %get3A_209 = arith.constant 0 : index
      %get3A_210 = tpu.vector_load %arg14[%get3A_208, %get3A_209] {strides = array<i32>} : memref<16x128xf32, #tpu.memory_space<vmem>>, vector<1x16xf32>,
      %get3A_211 = vector.shape_cast %get3A_210 : vector<1x16xf32> to vector<16xf32>
      %get3A_212 = arith.index_cast %scan3A_207 : i32 to index
      %get3A_213 = arith.constant 0 : index
      %get3A_214 = tpu.vector_load %arg15[%get3A_212, %get3A_213] {strides = array<i32>} : memref<16x128xf32, #tpu.memory_space<vmem>>, vector<1x16xf32>,
      %get3A_215 = vector.shape_cast %get3A_214 : vector<1x16xf32> to vector<16xf32>
      %mul3A_216 = arith.mulf %get3A_211, %get3A_215 : vector<16xf32>
      %mul3A_217 = arith.constant 2.500000e-01 : f32
      %mul3A_218 = vector.broadcast %mul3A_217 : f32 to vector<16xf32>
      %mul3A_219 = arith.mulf %mul3A_216, %mul3A_218 : vector<16xf32>
      %jit3A_220 = arith.constant -5.000000e+00 : f32
      %jit3A_221 = arith.constant 5.000000e+00 : f32
      %max3A_222 = vector.broadcast %jit3A_220 : f32 to vector<16xf32>
      %max3A_223 = arith.maximumf %max3A_222, %mul3A_219 : vector<16xf32>
      %min3A_224 = vector.broadcast %jit3A_221 : f32 to vector<16xf32>
      %min3A_225 = arith.minimumf %min3A_224, %max3A_223 : vector<16xf32>
      %swap3A_226 = arith.index_cast %scan3A_207 : i32 to index
      %swap3A_227 = arith.constant 0 : index
      %swap3A_228 = tpu.vector_load %arg16[%swap3A_226, %swap3A_227] {strides = array<i32>} : memref<16x128xf32, #tpu.memory_space<vmem>>, vector<1x16xf32>,
      %swap3A_229 = vector.shape_cast %swap3A_228 : vector<1x16xf32> to vector<16xf32>
      %swap3A_230 = vector.shape_cast %min3A_225 : vector<16xf32> to vector<1x16xf32>
      tpu.vector_store %arg16[%swap3A_226, %swap3A_227], %swap3A_230 {strides = array<i32>} : memref<16x128xf32, #tpu.memory_space<vmem>>, vector<1x16xf32>,
      %get3A_231 = arith.index_cast %scan3A_207 : i32 to index
      %get3A_232 = arith.constant 16 : index
      %get3A_233 = tpu.vector_load %arg14[%get3A_231, %get3A_232] {strides = array<i32>} : memref<16x128xf32, #tpu.memory_space<vmem>>, vector<1x16xf32>,
      %get3A_234 = vector.shape_cast %get3A_233 : vector<1x16xf32> to vector<16xf32>
      %get3A_235 = arith.index_cast %scan3A_207 : i32 to index
      %get3A_236 = arith.constant 16 : index
      %get3A_237 = tpu.vector_load %arg15[%get3A_235, %get3A_236] {strides = array<i32>} : memref<16x128xf32, #tpu.memory_space<vmem>>, vector<1x16xf32>,
      %get3A_238 = vector.shape_cast %get3A_237 : vector<1x16xf32> to vector<16xf32>
      %mul3A_239 = arith.mulf %get3A_234, %get3A_238 : vector<16xf32>
      %mul3A_240 = arith.constant 2.500000e-01 : f32
      %mul3A_241 = vector.broadcast %mul3A_240 : f32 to vector<16xf32>
      %mul3A_242 = arith.mulf %mul3A_239, %mul3A_241 : vector<16xf32>
      %jit3A_243 = arith.constant -5.000000e+00 : f32
      %jit3A_244 = arith.constant 5.000000e+00 : f32
      %max3A_245 = vector.broadcast %jit3A_243 : f32 to vector<16xf32>
      %max3A_246 = arith.maximumf %max3A_245, %mul3A_242 : vector<16xf32>
      %min3A_247 = vector.broadcast %jit3A_244 : f32 to vector<16xf32>
      %min3A_248 = arith.minimumf %min3A_247, %max3A_246 : vector<16xf32>
      %swap3A_249 = arith.index_cast %scan3A_207 : i32 to index
      %swap3A_250 = arith.constant 16 : index
      %swap3A_251 = tpu.vector_load %arg16[%swap3A_249, %swap3A_250] {strides = array<i32>} : memref<16x128xf32, #tpu.memory_space<vmem>>, vector<1x16xf32>,
      %swap3A_252 = vector.shape_cast %swap3A_251 : vector<1x16xf32> to vector<16xf32>
      %swap3A_253 = vector.shape_cast %min3A_248 : vector<16xf32> to vector<1x16xf32>
      tpu.vector_store %arg16[%swap3A_249, %swap3A_250], %swap3A_253 {strides = array<i32>} : memref<16x128xf32, #tpu.memory_space<vmem>>, vector<1x16xf32>,
      %get3A_254 = arith.index_cast %scan3A_207 : i32 to index
      %get3A_255 = arith.constant 32 : index
      %get3A_256 = tpu.vector_load %arg14[%get3A_254, %get3A_255] {strides = array<i32>} : memref<16x128xf32, #tpu.memory_space<vmem>>, vector<1x16xf32>,
      %get3A_257 = vector.shape_cast %get3A_256 : vector<1x16xf32> to vector<16xf32>
      %get3A_258 = arith.index_cast %scan3A_207 : i32 to index
      %get3A_259 = arith.constant 32 : index
      %get3A_260 = tpu.vector_load %arg15[%get3A_258, %get3A_259] {strides = array<i32>} : memref<16x128xf32, #tpu.memory_space<vmem>>, vector<1x16xf32>,
      %get3A_261 = vector.shape_cast %get3A_260 : vector<1x16xf32> to vector<16xf32>
      %mul3A_262 = arith.mulf %get3A_257, %get3A_261 : vector<16xf32>
      %mul3A_263 = arith.constant 2.500000e-01 : f32
      %mul3A_264 = vector.broadcast %mul3A_263 : f32 to vector<16xf32>
      %mul3A_265 = arith.mulf %mul3A_262, %mul3A_264 : vector<16xf32>
      %jit3A_266 = arith.constant -5.000000e+00 : f32
      %jit3A_267 = arith.constant 5.000000e+00 : f32
      %max3A_268 = vector.broadcast %jit3A_266 : f32 to vector<16xf32>
      %max3A_269 = arith.maximumf %max3A_268, %mul3A_265 : vector<16xf32>
      %min3A_270 = vector.broadcast %jit3A_267 : f32 to vector<16xf32>
      %min3A_271 = arith.minimumf %min3A_270, %max3A_269 : vector<16xf32>
      %swap3A_272 = arith.index_cast %scan3A_207 : i32 to index
      %swap3A_273 = arith.constant 32 : index
      %swap3A_274 = tpu.vector_load %arg16[%swap3A_272, %swap3A_273] {strides = array<i32>} : memref<16x128xf32, #tpu.memory_space<vmem>>, vector<1x16xf32>,
      %swap3A_275 = vector.shape_cast %swap3A_274 : vector<1x16xf32> to vector<16xf32>
      %swap3A_276 = vector.shape_cast %min3A_271 : vector<16xf32> to vector<1x16xf32>
      tpu.vector_store %arg16[%swap3A_272, %swap3A_273], %swap3A_276 {strides = array<i32>} : memref<16x128xf32, #tpu.memory_space<vmem>>, vector<1x16xf32>,
      %get3A_277 = arith.index_cast %scan3A_207 : i32 to index
      %get3A_278 = arith.constant 48 : index
      %get3A_279 = tpu.vector_load %arg14[%get3A_277, %get3A_278] {strides = array<i32>} : memref<16x128xf32, #tpu.memory_space<vmem>>, vector<1x16xf32>,
      %get3A_280 = vector.shape_cast %get3A_279 : vector<1x16xf32> to vector<16xf32>
      %get3A_281 = arith.index_cast %scan3A_207 : i32 to index
      %get3A_282 = arith.constant 48 : index
      %get3A_283 = tpu.vector_load %arg15[%get3A_281, %get3A_282] {strides = array<i32>} : memref<16x128xf32, #tpu.memory_space<vmem>>, vector<1x16xf32>,
      %get3A_284 = vector.shape_cast %get3A_283 : vector<1x16xf32> to vector<16xf32>
      %mul3A_285 = arith.mulf %get3A_280, %get3A_284 : vector<16xf32>
      %mul3A_286 = arith.constant 2.500000e-01 : f32
      %mul3A_287 = vector.broadcast %mul3A_286 : f32 to vector<16xf32>
      %mul3A_288 = arith.mulf %mul3A_285, %mul3A_287 : vector<16xf32>
      %jit3A_289 = arith.constant -5.000000e+00 : f32
      %jit3A_290 = arith.constant 5.000000e+00 : f32
      %max3A_291 = vector.broadcast %jit3A_289 : f32 to vector<16xf32>
      %max3A_292 = arith.maximumf %max3A_291, %mul3A_288 : vector<16xf32>
      %min3A_293 = vector.broadcast %jit3A_290 : f32 to vector<16xf32>
      %min3A_294 = arith.minimumf %min3A_293, %max3A_292 : vector<16xf32>
      %swap3A_295 = arith.index_cast %scan3A_207 : i32 to index
      %swap3A_296 = arith.constant 48 : index
      %swap3A_297 = tpu.vector_load %arg16[%swap3A_295, %swap3A_296] {strides = array<i32>} : memref<16x128xf32, #tpu.memory_space<vmem>>, vector<1x16xf32>,
      %swap3A_298 = vector.shape_cast %swap3A_297 : vector<1x16xf32> to vector<16xf32>
      %swap3A_299 = vector.shape_cast %min3A_294 : vector<16xf32> to vector<1x16xf32>
      tpu.vector_store %arg16[%swap3A_295, %swap3A_296], %swap3A_299 {strides = array<i32>} : memref<16x128xf32, #tpu.memory_space<vmem>>, vector<1x16xf32>,
      %get3A_300 = arith.index_cast %scan3A_207 : i32 to index
      %get3A_301 = arith.constant 64 : index
      %get3A_302 = tpu.vector_load %arg14[%get3A_300, %get3A_301] {strides = array<i32>} : memref<16x128xf32, #tpu.memory_space<vmem>>, vector<1x16xf32>,
      %get3A_303 = vector.shape_cast %get3A_302 : vector<1x16xf32> to vector<16xf32>
      %get3A_304 = arith.index_cast %scan3A_207 : i32 to index
      %get3A_305 = arith.constant 64 : index
      %get3A_306 = tpu.vector_load %arg15[%get3A_304, %get3A_305] {strides = array<i32>} : memref<16x128xf32, #tpu.memory_space<vmem>>, vector<1x16xf32>,
      %get3A_307 = vector.shape_cast %get3A_306 : vector<1x16xf32> to vector<16xf32>
      %mul3A_308 = arith.mulf %get3A_303, %get3A_307 : vector<16xf32>
      %mul3A_309 = arith.constant 2.500000e-01 : f32
      %mul3A_310 = vector.broadcast %mul3A_309 : f32 to vector<16xf32>
      %mul3A_311 = arith.mulf %mul3A_308, %mul3A_310 : vector<16xf32>
      %jit3A_312 = arith.constant -5.000000e+00 : f32
      %jit3A_313 = arith.constant 5.000000e+00 : f32
      %max3A_314 = vector.broadcast %jit3A_312 : f32 to vector<16xf32>
      %max3A_315 = arith.maximumf %max3A_314, %mul3A_311 : vector<16xf32>
      %min3A_316 = vector.broadcast %jit3A_313 : f32 to vector<16xf32>
      %min3A_317 = arith.minimumf %min3A_316, %max3A_315 : vector<16xf32>
      %swap3A_318 = arith.index_cast %scan3A_207 : i32 to index
      %swap3A_319 = arith.constant 64 : index
      %swap3A_320 = tpu.vector_load %arg16[%swap3A_318, %swap3A_319] {strides = array<i32>} : memref<16x128xf32, #tpu.memory_space<vmem>>, vector<1x16xf32>,
      %swap3A_321 = vector.shape_cast %swap3A_320 : vector<1x16xf32> to vector<16xf32>
      %swap3A_322 = vector.shape_cast %min3A_317 : vector<16xf32> to vector<1x16xf32>
      tpu.vector_store %arg16[%swap3A_318, %swap3A_319], %swap3A_322 {strides = array<i32>} : memref<16x128xf32, #tpu.memory_space<vmem>>, vector<1x16xf32>,
      %get3A_323 = arith.index_cast %scan3A_207 : i32 to index
      %get3A_324 = arith.constant 80 : index
      %get3A_325 = tpu.vector_load %arg14[%get3A_323, %get3A_324] {strides = array<i32>} : memref<16x128xf32, #tpu.memory_space<vmem>>, vector<1x16xf32>,
      %get3A_326 = vector.shape_cast %get3A_325 : vector<1x16xf32> to vector<16xf32>
      %get3A_327 = arith.index_cast %scan3A_207 : i32 to index
      %get3A_328 = arith.constant 80 : index
      %get3A_329 = tpu.vector_load %arg15[%get3A_327, %get3A_328] {strides = array<i32>} : memref<16x128xf32, #tpu.memory_space<vmem>>, vector<1x16xf32>,
      %get3A_330 = vector.shape_cast %get3A_329 : vector<1x16xf32> to vector<16xf32>
      %mul3A_331 = arith.mulf %get3A_326, %get3A_330 : vector<16xf32>
      %mul3A_332 = arith.constant 2.500000e-01 : f32
      %mul3A_333 = vector.broadcast %mul3A_332 : f32 to vector<16xf32>
      %mul3A_334 = arith.mulf %mul3A_331, %mul3A_333 : vector<16xf32>
      %jit3A_335 = arith.constant -5.000000e+00 : f32
      %jit3A_336 = arith.constant 5.000000e+00 : f32
      %max3A_337 = vector.broadcast %jit3A_335 : f32 to vector<16xf32>
      %max3A_338 = arith.maximumf %max3A_337, %mul3A_334 : vector<16xf32>
      %min3A_339 = vector.broadcast %jit3A_336 : f32 to vector<16xf32>
      %min3A_340 = arith.minimumf %min3A_339, %max3A_338 : vector<16xf32>
      %swap3A_341 = arith.index_cast %scan3A_207 : i32 to index
      %swap3A_342 = arith.constant 80 : index
      %swap3A_343 = tpu.vector_load %arg16[%swap3A_341, %swap3A_342] {strides = array<i32>} : memref<16x128xf32, #tpu.memory_space<vmem>>, vector<1x16xf32>,
      %swap3A_344 = vector.shape_cast %swap3A_343 : vector<1x16xf32> to vector<16xf32>
      %swap3A_345 = vector.shape_cast %min3A_340 : vector<16xf32> to vector<1x16xf32>
      tpu.vector_store %arg16[%swap3A_341, %swap3A_342], %swap3A_345 {strides = array<i32>} : memref<16x128xf32, #tpu.memory_space<vmem>>, vector<1x16xf32>,
      %get3A_346 = arith.index_cast %scan3A_207 : i32 to index
      %get3A_347 = arith.constant 96 : index
      %get3A_348 = tpu.vector_load %arg14[%get3A_346, %get3A_347] {strides = array<i32>} : memref<16x128xf32, #tpu.memory_space<vmem>>, vector<1x16xf32>,
      %get3A_349 = vector.shape_cast %get3A_348 : vector<1x16xf32> to vector<16xf32>
      %get3A_350 = arith.index_cast %scan3A_207 : i32 to index
      %get3A_351 = arith.constant 96 : index
      %get3A_352 = tpu.vector_load %arg15[%get3A_350, %get3A_351] {strides = array<i32>} : memref<16x128xf32, #tpu.memory_space<vmem>>, vector<1x16xf32>,
      %get3A_353 = vector.shape_cast %get3A_352 : vector<1x16xf32> to vector<16xf32>
      %mul3A_354 = arith.mulf %get3A_349, %get3A_353 : vector<16xf32>
      %mul3A_355 = arith.constant 2.500000e-01 : f32
      %mul3A_356 = vector.broadcast %mul3A_355 : f32 to vector<16xf32>
      %mul3A_357 = arith.mulf %mul3A_354, %mul3A_356 : vector<16xf32>
      %jit3A_358 = arith.constant -5.000000e+00 : f32
      %jit3A_359 = arith.constant 5.000000e+00 : f32
      %max3A_360 = vector.broadcast %jit3A_358 : f32 to vector<16xf32>
      %max3A_361 = arith.maximumf %max3A_360, %mul3A_357 : vector<16xf32>
      %min3A_362 = vector.broadcast %jit3A_359 : f32 to vector<16xf32>
      %min3A_363 = arith.minimumf %min3A_362, %max3A_361 : vector<16xf32>
      %swap3A_364 = arith.index_cast %scan3A_207 : i32 to index
      %swap3A_365 = arith.constant 96 : index
      %swap3A_366 = tpu.vector_load %arg16[%swap3A_364, %swap3A_365] {strides = array<i32>} : memref<16x128xf32, #tpu.memory_space<vmem>>, vector<1x16xf32>,
      %swap3A_367 = vector.shape_cast %swap3A_366 : vector<1x16xf32> to vector<16xf32>
      %swap3A_368 = vector.shape_cast %min3A_363 : vector<16xf32> to vector<1x16xf32>
      tpu.vector_store %arg16[%swap3A_364, %swap3A_365], %swap3A_368 {strides = array<i32>} : memref<16x128xf32, #tpu.memory_space<vmem>>, vector<1x16xf32>,
      %get3A_369 = arith.index_cast %scan3A_207 : i32 to index
      %get3A_370 = arith.constant 112 : index
      %get3A_371 = tpu.vector_load %arg14[%get3A_369, %get3A_370] {strides = array<i32>} : memref<16x128xf32, #tpu.memory_space<vmem>>, vector<1x16xf32>,
      %get3A_372 = vector.shape_cast %get3A_371 : vector<1x16xf32> to vector<16xf32>
      %get3A_373 = arith.index_cast %scan3A_207 : i32 to index
      %get3A_374 = arith.constant 112 : index
      %get3A_375 = tpu.vector_load %arg15[%get3A_373, %get3A_374] {strides = array<i32>} : memref<16x128xf32, #tpu.memory_space<vmem>>, vector<1x16xf32>,
      %get3A_376 = vector.shape_cast %get3A_375 : vector<1x16xf32> to vector<16xf32>
      %mul3A_377 = arith.mulf %get3A_372, %get3A_376 : vector<16xf32>
      %mul3A_378 = arith.constant 2.500000e-01 : f32
      %mul3A_379 = vector.broadcast %mul3A_378 : f32 to vector<16xf32>
      %mul3A_380 = arith.mulf %mul3A_377, %mul3A_379 : vector<16xf32>
      %jit3A_381 = arith.constant -5.000000e+00 : f32
      %jit3A_382 = arith.constant 5.000000e+00 : f32
      %max3A_383 = vector.broadcast %jit3A_381 : f32 to vector<16xf32>
      %max3A_384 = arith.maximumf %max3A_383, %mul3A_380 : vector<16xf32>
      %min3A_385 = vector.broadcast %jit3A_382 : f32 to vector<16xf32>
      %min3A_386 = arith.minimumf %min3A_385, %max3A_384 : vector<16xf32>
      %swap3A_387 = arith.index_cast %scan3A_207 : i32 to index
      %swap3A_388 = arith.constant 112 : index
      %swap3A_389 = tpu.vector_load %arg16[%swap3A_387, %swap3A_388] {strides = array<i32>} : memref<16x128xf32, #tpu.memory_space<vmem>>, vector<1x16xf32>,
      %swap3A_390 = vector.shape_cast %swap3A_389 : vector<1x16xf32> to vector<16xf32>
      %swap3A_391 = vector.shape_cast %min3A_386 : vector<16xf32> to vector<1x16xf32>
      tpu.vector_store %arg16[%swap3A_387, %swap3A_388], %swap3A_391 {strides = array<i32>} : memref<16x128xf32, #tpu.memory_space<vmem>>, vector<1x16xf32>,
    }
    %scan3A_25 = arith.constant 16 : i32
    "tpu.region"() ({
      %run_scoped3A = tpu.sem_alloc : memref<!tpu.dma_semaphore, #tpu.memory_space<semaphore_mem>>
      %dma_start3A_26 = arith.constant 0 : i32
      %dma_start3A_27 = tpu.memref_slice %arg6[%add3A_9, %dma_start3A_26] : memref<320000x128xf32, #tpu.memory_space<hbm>> -> memref<16x128xf32, #tpu.memory_space<hbm>>
      %dma_start3A_28 = arith.constant 0 : i32
      %dma_start3A_29 = tpu.memref_slice %arg6[%add3A_9, %dma_start3A_28] : memref<320000x128xf32, #tpu.memory_space<hbm>> -> memref<16x128xf32, #tpu.memory_space<hbm>>
      tpu.enqueue_dma source(%arg16 : memref<16x128xf32, #tpu.memory_space<vmem>>) target(%dma_start3A_29 : memref<16x128xf32, #tpu.memory_space<hbm>>) target_semaphore(%run_scoped3A : memref<!tpu.dma_semaphore, #tpu.memory_space<semaphore_mem>>)
      %dma_wait3A_30 = arith.constant 0 : i32
      %dma_wait3A_31 = tpu.memref_slice %arg6[%add3A_9, %dma_wait3A_30] : memref<320000x128xf32, #tpu.memory_space<hbm>> -> memref<16x128xf32, #tpu.memory_space<hbm>>
      %dma_wait3A_32 = arith.constant 0 : i32
      %dma_wait3A_33 = tpu.memref_slice %arg6[%add3A_9, %dma_wait3A_32] : memref<320000x128xf32, #tpu.memory_space<hbm>> -> memref<16x128xf32, #tpu.memory_space<hbm>>
      tpu.wait_dma2 semaphore(%run_scoped3A : memref<!tpu.dma_semaphore, #tpu.memory_space<semaphore_mem>>) src(%arg16 : memref<16x128xf32, #tpu.memory_space<vmem>>) dst(%dma_wait3A_33 : memref<16x128xf32, #tpu.memory_space<hbm>>)
      tpu.yield
    }) : () -> ()
    return
  }
}

#map = affine_map<(d0, d1) -> (0, 0)>
#map1 = affine_map<(d0, d1) -> (0)>
module attributes {stable_mosaic.version = 14 : i64} {
  func.func @_sc_aggregate_body(%arg0: i32, %arg1: i32, %arg2: memref<10000x128xf32, #tpu.memory_space<hbm>>, %arg3: memref<320000x16xf32, #tpu.memory_space<hbm>>, %arg4: memref<320000xi32, #tpu.memory_space<hbm>>, %arg5: memref<320000xi32, #tpu.memory_space<hbm>>, %arg6: memref<20000x128xf32, #tpu.memory_space<hbm>>, %arg7: memref<20000x16xf32, #tpu.memory_space<hbm>>, %arg8: memref<64xi32, #tpu.memory_space<vmem>>, %arg9: memref<64xi32, #tpu.memory_space<vmem>>, %arg10: memref<64x128xf32, #tpu.memory_space<vmem>>, %arg11: memref<64x16xf32, #tpu.memory_space<vmem>>, %arg12: memref<64x128xf32, #tpu.memory_space<vmem>>, %arg13: memref<16xi32, #tpu.memory_space<vmem>>, %arg14: memref<16xi32, #tpu.memory_space<vmem>>, %arg15: memref<16x128xf32, #tpu.memory_space<vmem>>, %arg16: memref<16x16xf32, #tpu.memory_space<vmem>>, %arg17: memref<16x128xf32, #tpu.memory_space<vmem>>, %arg18: memref<8x128xf32, #tpu.memory_space<vmem>>, %arg19: memref<8x16xf32, #tpu.memory_space<vmem>>, %arg20: memref<10000x128xf32, #tpu.memory_space<vmem_shared>>, %arg21: memref<10000x16xf32, #tpu.memory_space<vmem_shared>>, %arg22: memref<!tpu.dma_semaphore, #tpu.memory_space<semaphore_mem>>) attributes {dimension_semantics = [#tpu.dimension_semantics<core_parallel>, #tpu.dimension_semantics<subcore_parallel>], iteration_bounds = array<i64: 2, 16>, scalar_prefetch = 0 : i64, scratch_operands = 15 : i64, tpu.core_type = #tpu.core_type<sc_vector_subcore>, window_params = [{transform_indices = #map}, {transform_indices = #map}, {transform_indices = #map1}, {transform_indices = #map1}, {transform_indices = #map}, {transform_indices = #map}]} {
    %mul3A = arith.constant 2 : i32
    %mul3A_0 = arith.muli %arg1, %mul3A : i32
    %add3A = arith.addi %mul3A_0, %arg0 : i32
    %mul3A_1 = arith.constant 10000 : i32
    %mul3A_2 = arith.muli %add3A, %mul3A_1 : i32
    %mul3A_3 = arith.constant 624 : i32
    %mul3A_4 = arith.muli %arg1, %mul3A_3 : i32
    %scan3A = arith.constant 0 : i32
    %scan3A_5 = arith.constant 0 : i32
    %scan3A_6 = arith.constant 8 : i32
    %scan3A_7 = arith.addi %scan3A_5, %scan3A_6 : i32
    %scan3A_8 = arith.constant 1 : i32
    scf.for %scan3A_48 = %scan3A_5 to %scan3A_7 step %scan3A_8  : i32 {
      %broadcast_in_dim3A = arith.constant 0.000000e+00 : f32
      %broadcast_in_dim3A_49 = vector.broadcast %broadcast_in_dim3A : f32 to vector<16xf32>
      %swap3A = arith.index_cast %scan3A_48 : i32 to index
      %swap3A_50 = arith.constant 0 : index
      %swap3A_51 = tpu.vector_load %arg18[%swap3A, %swap3A_50] {strides = array<i32>} : memref<8x128xf32, #tpu.memory_space<vmem>>, vector<1x16xf32>,
      %swap3A_52 = vector.shape_cast %swap3A_51 : vector<1x16xf32> to vector<16xf32>
      %swap3A_53 = vector.shape_cast %broadcast_in_dim3A_49 : vector<16xf32> to vector<1x16xf32>
      tpu.vector_store %arg18[%swap3A, %swap3A_50], %swap3A_53 {strides = array<i32>} : memref<8x128xf32, #tpu.memory_space<vmem>>, vector<1x16xf32>,
      %broadcast_in_dim3A_54 = arith.constant 0.000000e+00 : f32
      %broadcast_in_dim3A_55 = vector.broadcast %broadcast_in_dim3A_54 : f32 to vector<16xf32>
      %swap3A_56 = arith.index_cast %scan3A_48 : i32 to index
      %swap3A_57 = arith.constant 16 : index
      %swap3A_58 = tpu.vector_load %arg18[%swap3A_56, %swap3A_57] {strides = array<i32>} : memref<8x128xf32, #tpu.memory_space<vmem>>, vector<1x16xf32>,
      %swap3A_59 = vector.shape_cast %swap3A_58 : vector<1x16xf32> to vector<16xf32>
      %swap3A_60 = vector.shape_cast %broadcast_in_dim3A_55 : vector<16xf32> to vector<1x16xf32>
      tpu.vector_store %arg18[%swap3A_56, %swap3A_57], %swap3A_60 {strides = array<i32>} : memref<8x128xf32, #tpu.memory_space<vmem>>, vector<1x16xf32>,
      %broadcast_in_dim3A_61 = arith.constant 0.000000e+00 : f32
      %broadcast_in_dim3A_62 = vector.broadcast %broadcast_in_dim3A_61 : f32 to vector<16xf32>
      %swap3A_63 = arith.index_cast %scan3A_48 : i32 to index
      %swap3A_64 = arith.constant 32 : index
      %swap3A_65 = tpu.vector_load %arg18[%swap3A_63, %swap3A_64] {strides = array<i32>} : memref<8x128xf32, #tpu.memory_space<vmem>>, vector<1x16xf32>,
      %swap3A_66 = vector.shape_cast %swap3A_65 : vector<1x16xf32> to vector<16xf32>
      %swap3A_67 = vector.shape_cast %broadcast_in_dim3A_62 : vector<16xf32> to vector<1x16xf32>
      tpu.vector_store %arg18[%swap3A_63, %swap3A_64], %swap3A_67 {strides = array<i32>} : memref<8x128xf32, #tpu.memory_space<vmem>>, vector<1x16xf32>,
      %broadcast_in_dim3A_68 = arith.constant 0.000000e+00 : f32
      %broadcast_in_dim3A_69 = vector.broadcast %broadcast_in_dim3A_68 : f32 to vector<16xf32>
      %swap3A_70 = arith.index_cast %scan3A_48 : i32 to index
      %swap3A_71 = arith.constant 48 : index
      %swap3A_72 = tpu.vector_load %arg18[%swap3A_70, %swap3A_71] {strides = array<i32>} : memref<8x128xf32, #tpu.memory_space<vmem>>, vector<1x16xf32>,
      %swap3A_73 = vector.shape_cast %swap3A_72 : vector<1x16xf32> to vector<16xf32>
      %swap3A_74 = vector.shape_cast %broadcast_in_dim3A_69 : vector<16xf32> to vector<1x16xf32>
      tpu.vector_store %arg18[%swap3A_70, %swap3A_71], %swap3A_74 {strides = array<i32>} : memref<8x128xf32, #tpu.memory_space<vmem>>, vector<1x16xf32>,
      %broadcast_in_dim3A_75 = arith.constant 0.000000e+00 : f32
      %broadcast_in_dim3A_76 = vector.broadcast %broadcast_in_dim3A_75 : f32 to vector<16xf32>
      %swap3A_77 = arith.index_cast %scan3A_48 : i32 to index
      %swap3A_78 = arith.constant 64 : index
      %swap3A_79 = tpu.vector_load %arg18[%swap3A_77, %swap3A_78] {strides = array<i32>} : memref<8x128xf32, #tpu.memory_space<vmem>>, vector<1x16xf32>,
      %swap3A_80 = vector.shape_cast %swap3A_79 : vector<1x16xf32> to vector<16xf32>
      %swap3A_81 = vector.shape_cast %broadcast_in_dim3A_76 : vector<16xf32> to vector<1x16xf32>
      tpu.vector_store %arg18[%swap3A_77, %swap3A_78], %swap3A_81 {strides = array<i32>} : memref<8x128xf32, #tpu.memory_space<vmem>>, vector<1x16xf32>,
      %broadcast_in_dim3A_82 = arith.constant 0.000000e+00 : f32
      %broadcast_in_dim3A_83 = vector.broadcast %broadcast_in_dim3A_82 : f32 to vector<16xf32>
      %swap3A_84 = arith.index_cast %scan3A_48 : i32 to index
      %swap3A_85 = arith.constant 80 : index
      %swap3A_86 = tpu.vector_load %arg18[%swap3A_84, %swap3A_85] {strides = array<i32>} : memref<8x128xf32, #tpu.memory_space<vmem>>, vector<1x16xf32>,
      %swap3A_87 = vector.shape_cast %swap3A_86 : vector<1x16xf32> to vector<16xf32>
      %swap3A_88 = vector.shape_cast %broadcast_in_dim3A_83 : vector<16xf32> to vector<1x16xf32>
      tpu.vector_store %arg18[%swap3A_84, %swap3A_85], %swap3A_88 {strides = array<i32>} : memref<8x128xf32, #tpu.memory_space<vmem>>, vector<1x16xf32>,
      %broadcast_in_dim3A_89 = arith.constant 0.000000e+00 : f32
      %broadcast_in_dim3A_90 = vector.broadcast %broadcast_in_dim3A_89 : f32 to vector<16xf32>
      %swap3A_91 = arith.index_cast %scan3A_48 : i32 to index
      %swap3A_92 = arith.constant 96 : index
      %swap3A_93 = tpu.vector_load %arg18[%swap3A_91, %swap3A_92] {strides = array<i32>} : memref<8x128xf32, #tpu.memory_space<vmem>>, vector<1x16xf32>,
      %swap3A_94 = vector.shape_cast %swap3A_93 : vector<1x16xf32> to vector<16xf32>
      %swap3A_95 = vector.shape_cast %broadcast_in_dim3A_90 : vector<16xf32> to vector<1x16xf32>
      tpu.vector_store %arg18[%swap3A_91, %swap3A_92], %swap3A_95 {strides = array<i32>} : memref<8x128xf32, #tpu.memory_space<vmem>>, vector<1x16xf32>,
      %broadcast_in_dim3A_96 = arith.constant 0.000000e+00 : f32
      %broadcast_in_dim3A_97 = vector.broadcast %broadcast_in_dim3A_96 : f32 to vector<16xf32>
      %swap3A_98 = arith.index_cast %scan3A_48 : i32 to index
      %swap3A_99 = arith.constant 112 : index
      %swap3A_100 = tpu.vector_load %arg18[%swap3A_98, %swap3A_99] {strides = array<i32>} : memref<8x128xf32, #tpu.memory_space<vmem>>, vector<1x16xf32>,
      %swap3A_101 = vector.shape_cast %swap3A_100 : vector<1x16xf32> to vector<16xf32>
      %swap3A_102 = vector.shape_cast %broadcast_in_dim3A_97 : vector<16xf32> to vector<1x16xf32>
      tpu.vector_store %arg18[%swap3A_98, %swap3A_99], %swap3A_102 {strides = array<i32>} : memref<8x128xf32, #tpu.memory_space<vmem>>, vector<1x16xf32>,
      %broadcast_in_dim3A_103 = arith.constant 0.000000e+00 : f32
      %broadcast_in_dim3A_104 = vector.broadcast %broadcast_in_dim3A_103 : f32 to vector<16xf32>
      %swap3A_105 = arith.index_cast %scan3A_48 : i32 to index
      %swap3A_106 = arith.constant 0 : index
      %swap3A_107 = tpu.vector_load %arg19[%swap3A_105, %swap3A_106] {strides = array<i32>} : memref<8x16xf32, #tpu.memory_space<vmem>>, vector<1x16xf32>,
      %swap3A_108 = vector.shape_cast %swap3A_107 : vector<1x16xf32> to vector<16xf32>
      %swap3A_109 = vector.shape_cast %broadcast_in_dim3A_104 : vector<16xf32> to vector<1x16xf32>
      tpu.vector_store %arg19[%swap3A_105, %swap3A_106], %swap3A_109 {strides = array<i32>} : memref<8x16xf32, #tpu.memory_space<vmem>>, vector<1x16xf32>,
    }
    %scan3A_9 = arith.constant 8 : i32
    %scan3A_10 = arith.constant 0 : i32
    %scan3A_11 = arith.constant 0 : i32
    %scan3A_12 = arith.constant 78 : i32
    %scan3A_13 = arith.addi %scan3A_11, %scan3A_12 : i32
    %scan3A_14 = arith.constant 1 : i32
    scf.for %scan3A_48 = %scan3A_11 to %scan3A_13 step %scan3A_14  : i32 {
      %mul3A_49 = arith.constant 8 : i32
      %mul3A_50 = arith.muli %scan3A_48, %mul3A_49 : i32
      %add3A_51 = arith.addi %mul3A_4, %mul3A_50 : i32
      "tpu.region"() ({
        %run_scoped3A = tpu.sem_alloc : memref<!tpu.dma_semaphore, #tpu.memory_space<semaphore_mem>>
        %dma_start3A_55 = arith.constant 0 : i32
        %dma_start3A_56 = tpu.memref_slice %arg20[%add3A_51, %dma_start3A_55] : memref<10000x128xf32, #tpu.memory_space<vmem_shared>> -> memref<8x128xf32, #tpu.memory_space<vmem_shared>>
        %dma_start3A_57 = arith.constant 0 : i32
        %dma_start3A_58 = tpu.memref_slice %arg20[%add3A_51, %dma_start3A_57] : memref<10000x128xf32, #tpu.memory_space<vmem_shared>> -> memref<8x128xf32, #tpu.memory_space<vmem_shared>>
        tpu.enqueue_dma source(%arg18 : memref<8x128xf32, #tpu.memory_space<vmem>>) target(%dma_start3A_58 : memref<8x128xf32, #tpu.memory_space<vmem_shared>>) target_semaphore(%run_scoped3A : memref<!tpu.dma_semaphore, #tpu.memory_space<semaphore_mem>>)
        %dma_wait3A_59 = arith.constant 0 : i32
        %dma_wait3A_60 = tpu.memref_slice %arg20[%add3A_51, %dma_wait3A_59] : memref<10000x128xf32, #tpu.memory_space<vmem_shared>> -> memref<8x128xf32, #tpu.memory_space<vmem_shared>>
        %dma_wait3A_61 = arith.constant 0 : i32
        %dma_wait3A_62 = tpu.memref_slice %arg20[%add3A_51, %dma_wait3A_61] : memref<10000x128xf32, #tpu.memory_space<vmem_shared>> -> memref<8x128xf32, #tpu.memory_space<vmem_shared>>
        tpu.wait_dma2 semaphore(%run_scoped3A : memref<!tpu.dma_semaphore, #tpu.memory_space<semaphore_mem>>) src(%arg18 : memref<8x128xf32, #tpu.memory_space<vmem>>) dst(%dma_wait3A_62 : memref<8x128xf32, #tpu.memory_space<vmem_shared>>)
        tpu.yield
      }) : () -> ()
      %mul3A_52 = arith.constant 8 : i32
      %mul3A_53 = arith.muli %scan3A_48, %mul3A_52 : i32
      %add3A_54 = arith.addi %mul3A_4, %mul3A_53 : i32
      "tpu.region"() ({
        %run_scoped3A = tpu.sem_alloc : memref<!tpu.dma_semaphore, #tpu.memory_space<semaphore_mem>>
        %dma_start3A_55 = arith.constant 0 : i32
        %dma_start3A_56 = tpu.memref_slice %arg21[%add3A_54, %dma_start3A_55] : memref<10000x16xf32, #tpu.memory_space<vmem_shared>> -> memref<8x16xf32, #tpu.memory_space<vmem_shared>>
        %dma_start3A_57 = arith.constant 0 : i32
        %dma_start3A_58 = tpu.memref_slice %arg21[%add3A_54, %dma_start3A_57] : memref<10000x16xf32, #tpu.memory_space<vmem_shared>> -> memref<8x16xf32, #tpu.memory_space<vmem_shared>>
        tpu.enqueue_dma source(%arg19 : memref<8x16xf32, #tpu.memory_space<vmem>>) target(%dma_start3A_58 : memref<8x16xf32, #tpu.memory_space<vmem_shared>>) target_semaphore(%run_scoped3A : memref<!tpu.dma_semaphore, #tpu.memory_space<semaphore_mem>>)
        %dma_wait3A_59 = arith.constant 0 : i32
        %dma_wait3A_60 = tpu.memref_slice %arg21[%add3A_54, %dma_wait3A_59] : memref<10000x16xf32, #tpu.memory_space<vmem_shared>> -> memref<8x16xf32, #tpu.memory_space<vmem_shared>>
        %dma_wait3A_61 = arith.constant 0 : i32
        %dma_wait3A_62 = tpu.memref_slice %arg21[%add3A_54, %dma_wait3A_61] : memref<10000x16xf32, #tpu.memory_space<vmem_shared>> -> memref<8x16xf32, #tpu.memory_space<vmem_shared>>
        tpu.wait_dma2 semaphore(%run_scoped3A : memref<!tpu.dma_semaphore, #tpu.memory_space<semaphore_mem>>) src(%arg19 : memref<8x16xf32, #tpu.memory_space<vmem>>) dst(%dma_wait3A_62 : memref<8x16xf32, #tpu.memory_space<vmem_shared>>)
        tpu.yield
      }) : () -> ()
    }
    %scan3A_15 = arith.constant 78 : i32
    %eq3A = arith.constant 15 : i32
    %eq3A_16 = arith.cmpi eq, %arg1, %eq3A : i32
    %convert_element_type3A = arith.extui %eq3A_16 : i1 to i32
    %cond3A = arith.constant 0 : i32
    %cond3A_17 = arith.cmpi ne, %convert_element_type3A, %cond3A : i32
    scf.if %cond3A_17 {
      "tpu.region"() ({
        %run_scoped3A = tpu.sem_alloc : memref<!tpu.dma_semaphore, #tpu.memory_space<semaphore_mem>>
        %dma_start3A_48 = arith.constant 9984 : i32
        %dma_start3A_49 = arith.constant 0 : i32
        %dma_start3A_50 = tpu.memref_slice %arg20[%dma_start3A_48, %dma_start3A_49] : memref<10000x128xf32, #tpu.memory_space<vmem_shared>> -> memref<8x128xf32, #tpu.memory_space<vmem_shared>>
        %dma_start3A_51 = arith.constant 9984 : i32
        %dma_start3A_52 = arith.constant 0 : i32
        %dma_start3A_53 = tpu.memref_slice %arg20[%dma_start3A_51, %dma_start3A_52] : memref<10000x128xf32, #tpu.memory_space<vmem_shared>> -> memref<8x128xf32, #tpu.memory_space<vmem_shared>>
        tpu.enqueue_dma source(%arg18 : memref<8x128xf32, #tpu.memory_space<vmem>>) target(%dma_start3A_53 : memref<8x128xf32, #tpu.memory_space<vmem_shared>>) target_semaphore(%run_scoped3A : memref<!tpu.dma_semaphore, #tpu.memory_space<semaphore_mem>>)
        %dma_wait3A_54 = arith.constant 9984 : i32
        %dma_wait3A_55 = arith.constant 0 : i32
        %dma_wait3A_56 = tpu.memref_slice %arg20[%dma_wait3A_54, %dma_wait3A_55] : memref<10000x128xf32, #tpu.memory_space<vmem_shared>> -> memref<8x128xf32, #tpu.memory_space<vmem_shared>>
        %dma_wait3A_57 = arith.constant 9984 : i32
        %dma_wait3A_58 = arith.constant 0 : i32
        %dma_wait3A_59 = tpu.memref_slice %arg20[%dma_wait3A_57, %dma_wait3A_58] : memref<10000x128xf32, #tpu.memory_space<vmem_shared>> -> memref<8x128xf32, #tpu.memory_space<vmem_shared>>
        tpu.wait_dma2 semaphore(%run_scoped3A : memref<!tpu.dma_semaphore, #tpu.memory_space<semaphore_mem>>) src(%arg18 : memref<8x128xf32, #tpu.memory_space<vmem>>) dst(%dma_wait3A_59 : memref<8x128xf32, #tpu.memory_space<vmem_shared>>)
        tpu.yield
      }) : () -> ()
      "tpu.region"() ({
        %run_scoped3A = tpu.sem_alloc : memref<!tpu.dma_semaphore, #tpu.memory_space<semaphore_mem>>
        %dma_start3A_48 = arith.constant 9984 : i32
        %dma_start3A_49 = arith.constant 0 : i32
        %dma_start3A_50 = tpu.memref_slice %arg21[%dma_start3A_48, %dma_start3A_49] : memref<10000x16xf32, #tpu.memory_space<vmem_shared>> -> memref<8x16xf32, #tpu.memory_space<vmem_shared>>
        %dma_start3A_51 = arith.constant 9984 : i32
        %dma_start3A_52 = arith.constant 0 : i32
        %dma_start3A_53 = tpu.memref_slice %arg21[%dma_start3A_51, %dma_start3A_52] : memref<10000x16xf32, #tpu.memory_space<vmem_shared>> -> memref<8x16xf32, #tpu.memory_space<vmem_shared>>
        tpu.enqueue_dma source(%arg19 : memref<8x16xf32, #tpu.memory_space<vmem>>) target(%dma_start3A_53 : memref<8x16xf32, #tpu.memory_space<vmem_shared>>) target_semaphore(%run_scoped3A : memref<!tpu.dma_semaphore, #tpu.memory_space<semaphore_mem>>)
        %dma_wait3A_54 = arith.constant 9984 : i32
        %dma_wait3A_55 = arith.constant 0 : i32
        %dma_wait3A_56 = tpu.memref_slice %arg21[%dma_wait3A_54, %dma_wait3A_55] : memref<10000x16xf32, #tpu.memory_space<vmem_shared>> -> memref<8x16xf32, #tpu.memory_space<vmem_shared>>
        %dma_wait3A_57 = arith.constant 9984 : i32
        %dma_wait3A_58 = arith.constant 0 : i32
        %dma_wait3A_59 = tpu.memref_slice %arg21[%dma_wait3A_57, %dma_wait3A_58] : memref<10000x16xf32, #tpu.memory_space<vmem_shared>> -> memref<8x16xf32, #tpu.memory_space<vmem_shared>>
        tpu.wait_dma2 semaphore(%run_scoped3A : memref<!tpu.dma_semaphore, #tpu.memory_space<semaphore_mem>>) src(%arg19 : memref<8x16xf32, #tpu.memory_space<vmem>>) dst(%dma_wait3A_59 : memref<8x16xf32, #tpu.memory_space<vmem_shared>>)
        tpu.yield
      }) : () -> ()
      "tpu.region"() ({
        %run_scoped3A = tpu.sem_alloc : memref<!tpu.dma_semaphore, #tpu.memory_space<semaphore_mem>>
        %dma_start3A_48 = arith.constant 9992 : i32
        %dma_start3A_49 = arith.constant 0 : i32
        %dma_start3A_50 = tpu.memref_slice %arg20[%dma_start3A_48, %dma_start3A_49] : memref<10000x128xf32, #tpu.memory_space<vmem_shared>> -> memref<8x128xf32, #tpu.memory_space<vmem_shared>>
        %dma_start3A_51 = arith.constant 9992 : i32
        %dma_start3A_52 = arith.constant 0 : i32
        %dma_start3A_53 = tpu.memref_slice %arg20[%dma_start3A_51, %dma_start3A_52] : memref<10000x128xf32, #tpu.memory_space<vmem_shared>> -> memref<8x128xf32, #tpu.memory_space<vmem_shared>>
        tpu.enqueue_dma source(%arg18 : memref<8x128xf32, #tpu.memory_space<vmem>>) target(%dma_start3A_53 : memref<8x128xf32, #tpu.memory_space<vmem_shared>>) target_semaphore(%run_scoped3A : memref<!tpu.dma_semaphore, #tpu.memory_space<semaphore_mem>>)
        %dma_wait3A_54 = arith.constant 9992 : i32
        %dma_wait3A_55 = arith.constant 0 : i32
        %dma_wait3A_56 = tpu.memref_slice %arg20[%dma_wait3A_54, %dma_wait3A_55] : memref<10000x128xf32, #tpu.memory_space<vmem_shared>> -> memref<8x128xf32, #tpu.memory_space<vmem_shared>>
        %dma_wait3A_57 = arith.constant 9992 : i32
        %dma_wait3A_58 = arith.constant 0 : i32
        %dma_wait3A_59 = tpu.memref_slice %arg20[%dma_wait3A_57, %dma_wait3A_58] : memref<10000x128xf32, #tpu.memory_space<vmem_shared>> -> memref<8x128xf32, #tpu.memory_space<vmem_shared>>
        tpu.wait_dma2 semaphore(%run_scoped3A : memref<!tpu.dma_semaphore, #tpu.memory_space<semaphore_mem>>) src(%arg18 : memref<8x128xf32, #tpu.memory_space<vmem>>) dst(%dma_wait3A_59 : memref<8x128xf32, #tpu.memory_space<vmem_shared>>)
        tpu.yield
      }) : () -> ()
      "tpu.region"() ({
        %run_scoped3A = tpu.sem_alloc : memref<!tpu.dma_semaphore, #tpu.memory_space<semaphore_mem>>
        %dma_start3A_48 = arith.constant 9992 : i32
        %dma_start3A_49 = arith.constant 0 : i32
        %dma_start3A_50 = tpu.memref_slice %arg21[%dma_start3A_48, %dma_start3A_49] : memref<10000x16xf32, #tpu.memory_space<vmem_shared>> -> memref<8x16xf32, #tpu.memory_space<vmem_shared>>
        %dma_start3A_51 = arith.constant 9992 : i32
        %dma_start3A_52 = arith.constant 0 : i32
        %dma_start3A_53 = tpu.memref_slice %arg21[%dma_start3A_51, %dma_start3A_52] : memref<10000x16xf32, #tpu.memory_space<vmem_shared>> -> memref<8x16xf32, #tpu.memory_space<vmem_shared>>
        tpu.enqueue_dma source(%arg19 : memref<8x16xf32, #tpu.memory_space<vmem>>) target(%dma_start3A_53 : memref<8x16xf32, #tpu.memory_space<vmem_shared>>) target_semaphore(%run_scoped3A : memref<!tpu.dma_semaphore, #tpu.memory_space<semaphore_mem>>)
        %dma_wait3A_54 = arith.constant 9992 : i32
        %dma_wait3A_55 = arith.constant 0 : i32
        %dma_wait3A_56 = tpu.memref_slice %arg21[%dma_wait3A_54, %dma_wait3A_55] : memref<10000x16xf32, #tpu.memory_space<vmem_shared>> -> memref<8x16xf32, #tpu.memory_space<vmem_shared>>
        %dma_wait3A_57 = arith.constant 9992 : i32
        %dma_wait3A_58 = arith.constant 0 : i32
        %dma_wait3A_59 = tpu.memref_slice %arg21[%dma_wait3A_57, %dma_wait3A_58] : memref<10000x16xf32, #tpu.memory_space<vmem_shared>> -> memref<8x16xf32, #tpu.memory_space<vmem_shared>>
        tpu.wait_dma2 semaphore(%run_scoped3A : memref<!tpu.dma_semaphore, #tpu.memory_space<semaphore_mem>>) src(%arg19 : memref<8x16xf32, #tpu.memory_space<vmem>>) dst(%dma_wait3A_59 : memref<8x16xf32, #tpu.memory_space<vmem_shared>>)
        tpu.yield
      }) : () -> ()
    } else {
    }
    %barrier3A = arith.constant 0 : index
    tpu.barrier barrier_id(%barrier3A)
    %scan3A_18 = arith.constant 0 : i32
    %scan3A_19 = arith.constant 0 : i32
    %scan3A_20 = arith.constant 156 : i32
    %scan3A_21 = arith.addi %scan3A_19, %scan3A_20 : i32
    %scan3A_22 = arith.constant 1 : i32
    scf.for %scan3A_48 = %scan3A_19 to %scan3A_21 step %scan3A_22  : i32 {
      %mul3A_49 = arith.constant 64 : i32
      %mul3A_50 = arith.muli %scan3A_48, %mul3A_49 : i32
      %add3A_51 = arith.addi %mul3A_2, %mul3A_50 : i32
      "tpu.region"() ({
        %run_scoped3A = tpu.sem_alloc : memref<!tpu.dma_semaphore, #tpu.memory_space<semaphore_mem>>
        %dma_start3A_64 = tpu.memref_slice %arg4[%add3A_51] : memref<320000xi32, #tpu.memory_space<hbm>> -> memref<64xi32, #tpu.memory_space<hbm>>
        %dma_start3A_65 = tpu.memref_slice %arg4[%add3A_51] : memref<320000xi32, #tpu.memory_space<hbm>> -> memref<64xi32, #tpu.memory_space<hbm>>
        tpu.enqueue_dma source(%dma_start3A_65 : memref<64xi32, #tpu.memory_space<hbm>>) target(%arg8 : memref<64xi32, #tpu.memory_space<vmem>>) target_semaphore(%run_scoped3A : memref<!tpu.dma_semaphore, #tpu.memory_space<semaphore_mem>>)
        %dma_wait3A_66 = tpu.memref_slice %arg4[%add3A_51] : memref<320000xi32, #tpu.memory_space<hbm>> -> memref<64xi32, #tpu.memory_space<hbm>>
        %dma_wait3A_67 = tpu.memref_slice %arg4[%add3A_51] : memref<320000xi32, #tpu.memory_space<hbm>> -> memref<64xi32, #tpu.memory_space<hbm>>
        tpu.wait_dma2 semaphore(%run_scoped3A : memref<!tpu.dma_semaphore, #tpu.memory_space<semaphore_mem>>) src(%dma_wait3A_67 : memref<64xi32, #tpu.memory_space<hbm>>) dst(%arg8 : memref<64xi32, #tpu.memory_space<vmem>>)
        tpu.yield
      }) : () -> ()
      "tpu.region"() ({
        %run_scoped3A = tpu.sem_alloc : memref<!tpu.dma_semaphore, #tpu.memory_space<semaphore_mem>>
        %dma_start3A_64 = tpu.memref_slice %arg5[%add3A_51] : memref<320000xi32, #tpu.memory_space<hbm>> -> memref<64xi32, #tpu.memory_space<hbm>>
        %dma_start3A_65 = tpu.memref_slice %arg5[%add3A_51] : memref<320000xi32, #tpu.memory_space<hbm>> -> memref<64xi32, #tpu.memory_space<hbm>>
        tpu.enqueue_dma source(%dma_start3A_65 : memref<64xi32, #tpu.memory_space<hbm>>) target(%arg9 : memref<64xi32, #tpu.memory_space<vmem>>) target_semaphore(%run_scoped3A : memref<!tpu.dma_semaphore, #tpu.memory_space<semaphore_mem>>)
        %dma_wait3A_66 = tpu.memref_slice %arg5[%add3A_51] : memref<320000xi32, #tpu.memory_space<hbm>> -> memref<64xi32, #tpu.memory_space<hbm>>
        %dma_wait3A_67 = tpu.memref_slice %arg5[%add3A_51] : memref<320000xi32, #tpu.memory_space<hbm>> -> memref<64xi32, #tpu.memory_space<hbm>>
        tpu.wait_dma2 semaphore(%run_scoped3A : memref<!tpu.dma_semaphore, #tpu.memory_space<semaphore_mem>>) src(%dma_wait3A_67 : memref<64xi32, #tpu.memory_space<hbm>>) dst(%arg9 : memref<64xi32, #tpu.memory_space<vmem>>)
        tpu.yield
      }) : () -> ()
      %dma_start3A_52 = arith.constant 0 : i32
      %dma_start3A_53 = arith.constant 0 : i32
      %dma_start3A_54 = tpu.memref_slice %arg2[%dma_start3A_52, %dma_start3A_53] : memref<10000x128xf32, #tpu.memory_space<hbm>> -> memref<10000x128xf32, #tpu.memory_space<hbm>>
      tpu.enqueue_indirect_dma source(%dma_start3A_54 : memref<10000x128xf32, #tpu.memory_space<hbm>>) target(%arg10 : memref<64x128xf32, #tpu.memory_space<vmem>>) offsets(%arg8 : memref<64xi32, #tpu.memory_space<vmem>>) semaphore(%arg22 : memref<!tpu.dma_semaphore, #tpu.memory_space<semaphore_mem>>)
      "tpu.region"() ({
        %run_scoped3A = tpu.sem_alloc : memref<!tpu.dma_semaphore, #tpu.memory_space<semaphore_mem>>
        %dma_start3A_64 = arith.constant 0 : i32
        %dma_start3A_65 = tpu.memref_slice %arg3[%add3A_51, %dma_start3A_64] : memref<320000x16xf32, #tpu.memory_space<hbm>> -> memref<64x16xf32, #tpu.memory_space<hbm>>
        %dma_start3A_66 = arith.constant 0 : i32
        %dma_start3A_67 = tpu.memref_slice %arg3[%add3A_51, %dma_start3A_66] : memref<320000x16xf32, #tpu.memory_space<hbm>> -> memref<64x16xf32, #tpu.memory_space<hbm>>
        tpu.enqueue_dma source(%dma_start3A_67 : memref<64x16xf32, #tpu.memory_space<hbm>>) target(%arg11 : memref<64x16xf32, #tpu.memory_space<vmem>>) target_semaphore(%run_scoped3A : memref<!tpu.dma_semaphore, #tpu.memory_space<semaphore_mem>>)
        %dma_wait3A_68 = arith.constant 0 : i32
        %dma_wait3A_69 = tpu.memref_slice %arg3[%add3A_51, %dma_wait3A_68] : memref<320000x16xf32, #tpu.memory_space<hbm>> -> memref<64x16xf32, #tpu.memory_space<hbm>>
        %dma_wait3A_70 = arith.constant 0 : i32
        %dma_wait3A_71 = tpu.memref_slice %arg3[%add3A_51, %dma_wait3A_70] : memref<320000x16xf32, #tpu.memory_space<hbm>> -> memref<64x16xf32, #tpu.memory_space<hbm>>
        tpu.wait_dma2 semaphore(%run_scoped3A : memref<!tpu.dma_semaphore, #tpu.memory_space<semaphore_mem>>) src(%dma_wait3A_71 : memref<64x16xf32, #tpu.memory_space<hbm>>) dst(%arg11 : memref<64x16xf32, #tpu.memory_space<vmem>>)
        tpu.yield
      }) : () -> ()
      %dma_wait3A_55 = arith.constant 0 : i32
      %dma_wait3A_56 = arith.constant 0 : i32
      %dma_wait3A_57 = tpu.memref_slice %arg2[%dma_wait3A_55, %dma_wait3A_56] : memref<10000x128xf32, #tpu.memory_space<hbm>> -> memref<10000x128xf32, #tpu.memory_space<hbm>>
      tpu.wait_indirect_dma semaphore(%arg22 : memref<!tpu.dma_semaphore, #tpu.memory_space<semaphore_mem>>) src(%dma_wait3A_57 : memref<10000x128xf32, #tpu.memory_space<hbm>>) dst(%arg10 : memref<64x128xf32, #tpu.memory_space<vmem>>)
      %scan3A_58 = arith.constant 0 : i32
      %scan3A_59 = arith.constant 0 : i32
      %scan3A_60 = arith.constant 64 : i32
      %scan3A_61 = arith.addi %scan3A_59, %scan3A_60 : i32
      %scan3A_62 = arith.constant 1 : i32
      scf.for %scan3A_64 = %scan3A_59 to %scan3A_61 step %scan3A_62  : i32 {
        %get3A = arith.index_cast %scan3A_64 : i32 to index
        %get3A_65 = arith.constant 0 : index
        %get3A_66 = tpu.vector_load %arg11[%get3A, %get3A_65] {strides = array<i32>} : memref<64x16xf32, #tpu.memory_space<vmem>>, vector<1x16xf32>,
        %get3A_67 = vector.shape_cast %get3A_66 : vector<1x16xf32> to vector<16xf32>
        %get3A_68 = arith.index_cast %scan3A_64 : i32 to index
        %get3A_69 = arith.constant 0 : index
        %get3A_70 = tpu.vector_load %arg10[%get3A_68, %get3A_69] {strides = array<i32>} : memref<64x128xf32, #tpu.memory_space<vmem>>, vector<1x16xf32>,
        %get3A_71 = vector.shape_cast %get3A_70 : vector<1x16xf32> to vector<16xf32>
        %slice3A = vector.extract_strided_slice %get3A_67 {offsets = [0], sizes = [1], strides = [1]} : vector<16xf32> to vector<1xf32>
        %squeeze3A = vector.extract %slice3A[0] : f32 from vector<1xf32>
        %mul3A_72 = vector.broadcast %squeeze3A : f32 to vector<16xf32>
        %mul3A_73 = arith.mulf %get3A_71, %mul3A_72 : vector<16xf32>
        %swap3A = arith.index_cast %scan3A_64 : i32 to index
        %swap3A_74 = arith.constant 0 : index
        %swap3A_75 = tpu.vector_load %arg12[%swap3A, %swap3A_74] {strides = array<i32>} : memref<64x128xf32, #tpu.memory_space<vmem>>, vector<1x16xf32>,
        %swap3A_76 = vector.shape_cast %swap3A_75 : vector<1x16xf32> to vector<16xf32>
        %swap3A_77 = vector.shape_cast %mul3A_73 : vector<16xf32> to vector<1x16xf32>
        tpu.vector_store %arg12[%swap3A, %swap3A_74], %swap3A_77 {strides = array<i32>} : memref<64x128xf32, #tpu.memory_space<vmem>>, vector<1x16xf32>,
        %get3A_78 = arith.index_cast %scan3A_64 : i32 to index
        %get3A_79 = arith.constant 16 : index
        %get3A_80 = tpu.vector_load %arg10[%get3A_78, %get3A_79] {strides = array<i32>} : memref<64x128xf32, #tpu.memory_space<vmem>>, vector<1x16xf32>,
        %get3A_81 = vector.shape_cast %get3A_80 : vector<1x16xf32> to vector<16xf32>
        %slice3A_82 = vector.extract_strided_slice %get3A_67 {offsets = [1], sizes = [1], strides = [1]} : vector<16xf32> to vector<1xf32>
        %squeeze3A_83 = vector.extract %slice3A_82[0] : f32 from vector<1xf32>
        %mul3A_84 = vector.broadcast %squeeze3A_83 : f32 to vector<16xf32>
        %mul3A_85 = arith.mulf %get3A_81, %mul3A_84 : vector<16xf32>
        %swap3A_86 = arith.index_cast %scan3A_64 : i32 to index
        %swap3A_87 = arith.constant 16 : index
        %swap3A_88 = tpu.vector_load %arg12[%swap3A_86, %swap3A_87] {strides = array<i32>} : memref<64x128xf32, #tpu.memory_space<vmem>>, vector<1x16xf32>,
        %swap3A_89 = vector.shape_cast %swap3A_88 : vector<1x16xf32> to vector<16xf32>
        %swap3A_90 = vector.shape_cast %mul3A_85 : vector<16xf32> to vector<1x16xf32>
        tpu.vector_store %arg12[%swap3A_86, %swap3A_87], %swap3A_90 {strides = array<i32>} : memref<64x128xf32, #tpu.memory_space<vmem>>, vector<1x16xf32>,
        %get3A_91 = arith.index_cast %scan3A_64 : i32 to index
        %get3A_92 = arith.constant 32 : index
        %get3A_93 = tpu.vector_load %arg10[%get3A_91, %get3A_92] {strides = array<i32>} : memref<64x128xf32, #tpu.memory_space<vmem>>, vector<1x16xf32>,
        %get3A_94 = vector.shape_cast %get3A_93 : vector<1x16xf32> to vector<16xf32>
        %slice3A_95 = vector.extract_strided_slice %get3A_67 {offsets = [2], sizes = [1], strides = [1]} : vector<16xf32> to vector<1xf32>
        %squeeze3A_96 = vector.extract %slice3A_95[0] : f32 from vector<1xf32>
        %mul3A_97 = vector.broadcast %squeeze3A_96 : f32 to vector<16xf32>
        %mul3A_98 = arith.mulf %get3A_94, %mul3A_97 : vector<16xf32>
        %swap3A_99 = arith.index_cast %scan3A_64 : i32 to index
        %swap3A_100 = arith.constant 32 : index
        %swap3A_101 = tpu.vector_load %arg12[%swap3A_99, %swap3A_100] {strides = array<i32>} : memref<64x128xf32, #tpu.memory_space<vmem>>, vector<1x16xf32>,
        %swap3A_102 = vector.shape_cast %swap3A_101 : vector<1x16xf32> to vector<16xf32>
        %swap3A_103 = vector.shape_cast %mul3A_98 : vector<16xf32> to vector<1x16xf32>
        tpu.vector_store %arg12[%swap3A_99, %swap3A_100], %swap3A_103 {strides = array<i32>} : memref<64x128xf32, #tpu.memory_space<vmem>>, vector<1x16xf32>,
        %get3A_104 = arith.index_cast %scan3A_64 : i32 to index
        %get3A_105 = arith.constant 48 : index
        %get3A_106 = tpu.vector_load %arg10[%get3A_104, %get3A_105] {strides = array<i32>} : memref<64x128xf32, #tpu.memory_space<vmem>>, vector<1x16xf32>,
        %get3A_107 = vector.shape_cast %get3A_106 : vector<1x16xf32> to vector<16xf32>
        %slice3A_108 = vector.extract_strided_slice %get3A_67 {offsets = [3], sizes = [1], strides = [1]} : vector<16xf32> to vector<1xf32>
        %squeeze3A_109 = vector.extract %slice3A_108[0] : f32 from vector<1xf32>
        %mul3A_110 = vector.broadcast %squeeze3A_109 : f32 to vector<16xf32>
        %mul3A_111 = arith.mulf %get3A_107, %mul3A_110 : vector<16xf32>
        %swap3A_112 = arith.index_cast %scan3A_64 : i32 to index
        %swap3A_113 = arith.constant 48 : index
        %swap3A_114 = tpu.vector_load %arg12[%swap3A_112, %swap3A_113] {strides = array<i32>} : memref<64x128xf32, #tpu.memory_space<vmem>>, vector<1x16xf32>,
        %swap3A_115 = vector.shape_cast %swap3A_114 : vector<1x16xf32> to vector<16xf32>
        %swap3A_116 = vector.shape_cast %mul3A_111 : vector<16xf32> to vector<1x16xf32>
        tpu.vector_store %arg12[%swap3A_112, %swap3A_113], %swap3A_116 {strides = array<i32>} : memref<64x128xf32, #tpu.memory_space<vmem>>, vector<1x16xf32>,
        %get3A_117 = arith.index_cast %scan3A_64 : i32 to index
        %get3A_118 = arith.constant 64 : index
        %get3A_119 = tpu.vector_load %arg10[%get3A_117, %get3A_118] {strides = array<i32>} : memref<64x128xf32, #tpu.memory_space<vmem>>, vector<1x16xf32>,
        %get3A_120 = vector.shape_cast %get3A_119 : vector<1x16xf32> to vector<16xf32>
        %slice3A_121 = vector.extract_strided_slice %get3A_67 {offsets = [4], sizes = [1], strides = [1]} : vector<16xf32> to vector<1xf32>
        %squeeze3A_122 = vector.extract %slice3A_121[0] : f32 from vector<1xf32>
        %mul3A_123 = vector.broadcast %squeeze3A_122 : f32 to vector<16xf32>
        %mul3A_124 = arith.mulf %get3A_120, %mul3A_123 : vector<16xf32>
        %swap3A_125 = arith.index_cast %scan3A_64 : i32 to index
        %swap3A_126 = arith.constant 64 : index
        %swap3A_127 = tpu.vector_load %arg12[%swap3A_125, %swap3A_126] {strides = array<i32>} : memref<64x128xf32, #tpu.memory_space<vmem>>, vector<1x16xf32>,
        %swap3A_128 = vector.shape_cast %swap3A_127 : vector<1x16xf32> to vector<16xf32>
        %swap3A_129 = vector.shape_cast %mul3A_124 : vector<16xf32> to vector<1x16xf32>
        tpu.vector_store %arg12[%swap3A_125, %swap3A_126], %swap3A_129 {strides = array<i32>} : memref<64x128xf32, #tpu.memory_space<vmem>>, vector<1x16xf32>,
        %get3A_130 = arith.index_cast %scan3A_64 : i32 to index
        %get3A_131 = arith.constant 80 : index
        %get3A_132 = tpu.vector_load %arg10[%get3A_130, %get3A_131] {strides = array<i32>} : memref<64x128xf32, #tpu.memory_space<vmem>>, vector<1x16xf32>,
        %get3A_133 = vector.shape_cast %get3A_132 : vector<1x16xf32> to vector<16xf32>
        %slice3A_134 = vector.extract_strided_slice %get3A_67 {offsets = [5], sizes = [1], strides = [1]} : vector<16xf32> to vector<1xf32>
        %squeeze3A_135 = vector.extract %slice3A_134[0] : f32 from vector<1xf32>
        %mul3A_136 = vector.broadcast %squeeze3A_135 : f32 to vector<16xf32>
        %mul3A_137 = arith.mulf %get3A_133, %mul3A_136 : vector<16xf32>
        %swap3A_138 = arith.index_cast %scan3A_64 : i32 to index
        %swap3A_139 = arith.constant 80 : index
        %swap3A_140 = tpu.vector_load %arg12[%swap3A_138, %swap3A_139] {strides = array<i32>} : memref<64x128xf32, #tpu.memory_space<vmem>>, vector<1x16xf32>,
        %swap3A_141 = vector.shape_cast %swap3A_140 : vector<1x16xf32> to vector<16xf32>
        %swap3A_142 = vector.shape_cast %mul3A_137 : vector<16xf32> to vector<1x16xf32>
        tpu.vector_store %arg12[%swap3A_138, %swap3A_139], %swap3A_142 {strides = array<i32>} : memref<64x128xf32, #tpu.memory_space<vmem>>, vector<1x16xf32>,
        %get3A_143 = arith.index_cast %scan3A_64 : i32 to index
        %get3A_144 = arith.constant 96 : index
        %get3A_145 = tpu.vector_load %arg10[%get3A_143, %get3A_144] {strides = array<i32>} : memref<64x128xf32, #tpu.memory_space<vmem>>, vector<1x16xf32>,
        %get3A_146 = vector.shape_cast %get3A_145 : vector<1x16xf32> to vector<16xf32>
        %slice3A_147 = vector.extract_strided_slice %get3A_67 {offsets = [6], sizes = [1], strides = [1]} : vector<16xf32> to vector<1xf32>
        %squeeze3A_148 = vector.extract %slice3A_147[0] : f32 from vector<1xf32>
        %mul3A_149 = vector.broadcast %squeeze3A_148 : f32 to vector<16xf32>
        %mul3A_150 = arith.mulf %get3A_146, %mul3A_149 : vector<16xf32>
        %swap3A_151 = arith.index_cast %scan3A_64 : i32 to index
        %swap3A_152 = arith.constant 96 : index
        %swap3A_153 = tpu.vector_load %arg12[%swap3A_151, %swap3A_152] {strides = array<i32>} : memref<64x128xf32, #tpu.memory_space<vmem>>, vector<1x16xf32>,
        %swap3A_154 = vector.shape_cast %swap3A_153 : vector<1x16xf32> to vector<16xf32>
        %swap3A_155 = vector.shape_cast %mul3A_150 : vector<16xf32> to vector<1x16xf32>
        tpu.vector_store %arg12[%swap3A_151, %swap3A_152], %swap3A_155 {strides = array<i32>} : memref<64x128xf32, #tpu.memory_space<vmem>>, vector<1x16xf32>,
        %get3A_156 = arith.index_cast %scan3A_64 : i32 to index
        %get3A_157 = arith.constant 112 : index
        %get3A_158 = tpu.vector_load %arg10[%get3A_156, %get3A_157] {strides = array<i32>} : memref<64x128xf32, #tpu.memory_space<vmem>>, vector<1x16xf32>,
        %get3A_159 = vector.shape_cast %get3A_158 : vector<1x16xf32> to vector<16xf32>
        %slice3A_160 = vector.extract_strided_slice %get3A_67 {offsets = [7], sizes = [1], strides = [1]} : vector<16xf32> to vector<1xf32>
        %squeeze3A_161 = vector.extract %slice3A_160[0] : f32 from vector<1xf32>
        %mul3A_162 = vector.broadcast %squeeze3A_161 : f32 to vector<16xf32>
        %mul3A_163 = arith.mulf %get3A_159, %mul3A_162 : vector<16xf32>
        %swap3A_164 = arith.index_cast %scan3A_64 : i32 to index
        %swap3A_165 = arith.constant 112 : index
        %swap3A_166 = tpu.vector_load %arg12[%swap3A_164, %swap3A_165] {strides = array<i32>} : memref<64x128xf32, #tpu.memory_space<vmem>>, vector<1x16xf32>,
        %swap3A_167 = vector.shape_cast %swap3A_166 : vector<1x16xf32> to vector<16xf32>
        %swap3A_168 = vector.shape_cast %mul3A_163 : vector<16xf32> to vector<1x16xf32>
        tpu.vector_store %arg12[%swap3A_164, %swap3A_165], %swap3A_168 {strides = array<i32>} : memref<64x128xf32, #tpu.memory_space<vmem>>, vector<1x16xf32>,
      }
      %scan3A_63 = arith.constant 64 : i32
      "tpu.region"() ({
        %run_scoped3A = tpu.sem_alloc : memref<!tpu.dma_semaphore, #tpu.memory_space<semaphore_mem>>
        %dma_start3A_64 = arith.constant 0 : i32
        %dma_start3A_65 = arith.constant 0 : i32
        %dma_start3A_66 = tpu.memref_slice %arg20[%dma_start3A_64, %dma_start3A_65] : memref<10000x128xf32, #tpu.memory_space<vmem_shared>> -> memref<10000x128xf32, #tpu.memory_space<vmem_shared>>
        tpu.enqueue_indirect_dma source(%arg12 : memref<64x128xf32, #tpu.memory_space<vmem>>) target(%dma_start3A_66 : memref<10000x128xf32, #tpu.memory_space<vmem_shared>>) offsets(%arg9 : memref<64xi32, #tpu.memory_space<vmem>>) semaphore(%run_scoped3A : memref<!tpu.dma_semaphore, #tpu.memory_space<semaphore_mem>>) {add = true}
        %dma_wait3A_67 = arith.constant 0 : i32
        %dma_wait3A_68 = arith.constant 0 : i32
        %dma_wait3A_69 = tpu.memref_slice %arg20[%dma_wait3A_67, %dma_wait3A_68] : memref<10000x128xf32, #tpu.memory_space<vmem_shared>> -> memref<10000x128xf32, #tpu.memory_space<vmem_shared>>
        tpu.wait_indirect_dma semaphore(%run_scoped3A : memref<!tpu.dma_semaphore, #tpu.memory_space<semaphore_mem>>) src(%arg12 : memref<64x128xf32, #tpu.memory_space<vmem>>) dst(%dma_wait3A_69 : memref<10000x128xf32, #tpu.memory_space<vmem_shared>>)
        tpu.yield
      }) : () -> ()
      "tpu.region"() ({
        %run_scoped3A = tpu.sem_alloc : memref<!tpu.dma_semaphore, #tpu.memory_space<semaphore_mem>>
        %dma_start3A_64 = arith.constant 0 : i32
        %dma_start3A_65 = arith.constant 0 : i32
        %dma_start3A_66 = tpu.memref_slice %arg21[%dma_start3A_64, %dma_start3A_65] : memref<10000x16xf32, #tpu.memory_space<vmem_shared>> -> memref<10000x16xf32, #tpu.memory_space<vmem_shared>>
        tpu.enqueue_indirect_dma source(%arg11 : memref<64x16xf32, #tpu.memory_space<vmem>>) target(%dma_start3A_66 : memref<10000x16xf32, #tpu.memory_space<vmem_shared>>) offsets(%arg9 : memref<64xi32, #tpu.memory_space<vmem>>) semaphore(%run_scoped3A : memref<!tpu.dma_semaphore, #tpu.memory_space<semaphore_mem>>) {add = true}
        %dma_wait3A_67 = arith.constant 0 : i32
        %dma_wait3A_68 = arith.constant 0 : i32
        %dma_wait3A_69 = tpu.memref_slice %arg21[%dma_wait3A_67, %dma_wait3A_68] : memref<10000x16xf32, #tpu.memory_space<vmem_shared>> -> memref<10000x16xf32, #tpu.memory_space<vmem_shared>>
        tpu.wait_indirect_dma semaphore(%run_scoped3A : memref<!tpu.dma_semaphore, #tpu.memory_space<semaphore_mem>>) src(%arg11 : memref<64x16xf32, #tpu.memory_space<vmem>>) dst(%dma_wait3A_69 : memref<10000x16xf32, #tpu.memory_space<vmem_shared>>)
        tpu.yield
      }) : () -> ()
    }
    %scan3A_23 = arith.constant 156 : i32
    %add3A_24 = arith.constant 9984 : i32
    %add3A_25 = arith.addi %mul3A_2, %add3A_24 : i32
    "tpu.region"() ({
      %run_scoped3A = tpu.sem_alloc : memref<!tpu.dma_semaphore, #tpu.memory_space<semaphore_mem>>
      %dma_start3A_48 = tpu.memref_slice %arg4[%add3A_25] : memref<320000xi32, #tpu.memory_space<hbm>> -> memref<16xi32, #tpu.memory_space<hbm>>
      %dma_start3A_49 = tpu.memref_slice %arg4[%add3A_25] : memref<320000xi32, #tpu.memory_space<hbm>> -> memref<16xi32, #tpu.memory_space<hbm>>
      tpu.enqueue_dma source(%dma_start3A_49 : memref<16xi32, #tpu.memory_space<hbm>>) target(%arg13 : memref<16xi32, #tpu.memory_space<vmem>>) target_semaphore(%run_scoped3A : memref<!tpu.dma_semaphore, #tpu.memory_space<semaphore_mem>>)
      %dma_wait3A_50 = tpu.memref_slice %arg4[%add3A_25] : memref<320000xi32, #tpu.memory_space<hbm>> -> memref<16xi32, #tpu.memory_space<hbm>>
      %dma_wait3A_51 = tpu.memref_slice %arg4[%add3A_25] : memref<320000xi32, #tpu.memory_space<hbm>> -> memref<16xi32, #tpu.memory_space<hbm>>
      tpu.wait_dma2 semaphore(%run_scoped3A : memref<!tpu.dma_semaphore, #tpu.memory_space<semaphore_mem>>) src(%dma_wait3A_51 : memref<16xi32, #tpu.memory_space<hbm>>) dst(%arg13 : memref<16xi32, #tpu.memory_space<vmem>>)
      tpu.yield
    }) : () -> ()
    "tpu.region"() ({
      %run_scoped3A = tpu.sem_alloc : memref<!tpu.dma_semaphore, #tpu.memory_space<semaphore_mem>>
      %dma_start3A_48 = tpu.memref_slice %arg5[%add3A_25] : memref<320000xi32, #tpu.memory_space<hbm>> -> memref<16xi32, #tpu.memory_space<hbm>>
      %dma_start3A_49 = tpu.memref_slice %arg5[%add3A_25] : memref<320000xi32, #tpu.memory_space<hbm>> -> memref<16xi32, #tpu.memory_space<hbm>>
      tpu.enqueue_dma source(%dma_start3A_49 : memref<16xi32, #tpu.memory_space<hbm>>) target(%arg14 : memref<16xi32, #tpu.memory_space<vmem>>) target_semaphore(%run_scoped3A : memref<!tpu.dma_semaphore, #tpu.memory_space<semaphore_mem>>)
      %dma_wait3A_50 = tpu.memref_slice %arg5[%add3A_25] : memref<320000xi32, #tpu.memory_space<hbm>> -> memref<16xi32, #tpu.memory_space<hbm>>
      %dma_wait3A_51 = tpu.memref_slice %arg5[%add3A_25] : memref<320000xi32, #tpu.memory_space<hbm>> -> memref<16xi32, #tpu.memory_space<hbm>>
      tpu.wait_dma2 semaphore(%run_scoped3A : memref<!tpu.dma_semaphore, #tpu.memory_space<semaphore_mem>>) src(%dma_wait3A_51 : memref<16xi32, #tpu.memory_space<hbm>>) dst(%arg14 : memref<16xi32, #tpu.memory_space<vmem>>)
      tpu.yield
    }) : () -> ()
    %dma_start3A = arith.constant 0 : i32
    %dma_start3A_26 = arith.constant 0 : i32
    %dma_start3A_27 = tpu.memref_slice %arg2[%dma_start3A, %dma_start3A_26] : memref<10000x128xf32, #tpu.memory_space<hbm>> -> memref<10000x128xf32, #tpu.memory_space<hbm>>
    tpu.enqueue_indirect_dma source(%dma_start3A_27 : memref<10000x128xf32, #tpu.memory_space<hbm>>) target(%arg15 : memref<16x128xf32, #tpu.memory_space<vmem>>) offsets(%arg13 : memref<16xi32, #tpu.memory_space<vmem>>) semaphore(%arg22 : memref<!tpu.dma_semaphore, #tpu.memory_space<semaphore_mem>>)
    "tpu.region"() ({
      %run_scoped3A = tpu.sem_alloc : memref<!tpu.dma_semaphore, #tpu.memory_space<semaphore_mem>>
      %dma_start3A_48 = arith.constant 0 : i32
      %dma_start3A_49 = tpu.memref_slice %arg3[%add3A_25, %dma_start3A_48] : memref<320000x16xf32, #tpu.memory_space<hbm>> -> memref<16x16xf32, #tpu.memory_space<hbm>>
      %dma_start3A_50 = arith.constant 0 : i32
      %dma_start3A_51 = tpu.memref_slice %arg3[%add3A_25, %dma_start3A_50] : memref<320000x16xf32, #tpu.memory_space<hbm>> -> memref<16x16xf32, #tpu.memory_space<hbm>>
      tpu.enqueue_dma source(%dma_start3A_51 : memref<16x16xf32, #tpu.memory_space<hbm>>) target(%arg16 : memref<16x16xf32, #tpu.memory_space<vmem>>) target_semaphore(%run_scoped3A : memref<!tpu.dma_semaphore, #tpu.memory_space<semaphore_mem>>)
      %dma_wait3A_52 = arith.constant 0 : i32
      %dma_wait3A_53 = tpu.memref_slice %arg3[%add3A_25, %dma_wait3A_52] : memref<320000x16xf32, #tpu.memory_space<hbm>> -> memref<16x16xf32, #tpu.memory_space<hbm>>
      %dma_wait3A_54 = arith.constant 0 : i32
      %dma_wait3A_55 = tpu.memref_slice %arg3[%add3A_25, %dma_wait3A_54] : memref<320000x16xf32, #tpu.memory_space<hbm>> -> memref<16x16xf32, #tpu.memory_space<hbm>>
      tpu.wait_dma2 semaphore(%run_scoped3A : memref<!tpu.dma_semaphore, #tpu.memory_space<semaphore_mem>>) src(%dma_wait3A_55 : memref<16x16xf32, #tpu.memory_space<hbm>>) dst(%arg16 : memref<16x16xf32, #tpu.memory_space<vmem>>)
      tpu.yield
    }) : () -> ()
    %dma_wait3A = arith.constant 0 : i32
    %dma_wait3A_28 = arith.constant 0 : i32
    %dma_wait3A_29 = tpu.memref_slice %arg2[%dma_wait3A, %dma_wait3A_28] : memref<10000x128xf32, #tpu.memory_space<hbm>> -> memref<10000x128xf32, #tpu.memory_space<hbm>>
    tpu.wait_indirect_dma semaphore(%arg22 : memref<!tpu.dma_semaphore, #tpu.memory_space<semaphore_mem>>) src(%dma_wait3A_29 : memref<10000x128xf32, #tpu.memory_space<hbm>>) dst(%arg15 : memref<16x128xf32, #tpu.memory_space<vmem>>)
    %scan3A_30 = arith.constant 0 : i32
    %scan3A_31 = arith.constant 0 : i32
    %scan3A_32 = arith.constant 16 : i32
    %scan3A_33 = arith.addi %scan3A_31, %scan3A_32 : i32
    %scan3A_34 = arith.constant 1 : i32
    scf.for %scan3A_48 = %scan3A_31 to %scan3A_33 step %scan3A_34  : i32 {
      %get3A = arith.index_cast %scan3A_48 : i32 to index
      %get3A_49 = arith.constant 0 : index
      %get3A_50 = tpu.vector_load %arg16[%get3A, %get3A_49] {strides = array<i32>} : memref<16x16xf32, #tpu.memory_space<vmem>>, vector<1x16xf32>,
      %get3A_51 = vector.shape_cast %get3A_50 : vector<1x16xf32> to vector<16xf32>
      %get3A_52 = arith.index_cast %scan3A_48 : i32 to index
      %get3A_53 = arith.constant 0 : index
      %get3A_54 = tpu.vector_load %arg15[%get3A_52, %get3A_53] {strides = array<i32>} : memref<16x128xf32, #tpu.memory_space<vmem>>, vector<1x16xf32>,
      %get3A_55 = vector.shape_cast %get3A_54 : vector<1x16xf32> to vector<16xf32>
      %slice3A = vector.extract_strided_slice %get3A_51 {offsets = [0], sizes = [1], strides = [1]} : vector<16xf32> to vector<1xf32>
      %squeeze3A = vector.extract %slice3A[0] : f32 from vector<1xf32>
      %mul3A_56 = vector.broadcast %squeeze3A : f32 to vector<16xf32>
      %mul3A_57 = arith.mulf %get3A_55, %mul3A_56 : vector<16xf32>
      %swap3A = arith.index_cast %scan3A_48 : i32 to index
      %swap3A_58 = arith.constant 0 : index
      %swap3A_59 = tpu.vector_load %arg17[%swap3A, %swap3A_58] {strides = array<i32>} : memref<16x128xf32, #tpu.memory_space<vmem>>, vector<1x16xf32>,
      %swap3A_60 = vector.shape_cast %swap3A_59 : vector<1x16xf32> to vector<16xf32>
      %swap3A_61 = vector.shape_cast %mul3A_57 : vector<16xf32> to vector<1x16xf32>
      tpu.vector_store %arg17[%swap3A, %swap3A_58], %swap3A_61 {strides = array<i32>} : memref<16x128xf32, #tpu.memory_space<vmem>>, vector<1x16xf32>,
      %get3A_62 = arith.index_cast %scan3A_48 : i32 to index
      %get3A_63 = arith.constant 16 : index
      %get3A_64 = tpu.vector_load %arg15[%get3A_62, %get3A_63] {strides = array<i32>} : memref<16x128xf32, #tpu.memory_space<vmem>>, vector<1x16xf32>,
      %get3A_65 = vector.shape_cast %get3A_64 : vector<1x16xf32> to vector<16xf32>
      %slice3A_66 = vector.extract_strided_slice %get3A_51 {offsets = [1], sizes = [1], strides = [1]} : vector<16xf32> to vector<1xf32>
      %squeeze3A_67 = vector.extract %slice3A_66[0] : f32 from vector<1xf32>
      %mul3A_68 = vector.broadcast %squeeze3A_67 : f32 to vector<16xf32>
      %mul3A_69 = arith.mulf %get3A_65, %mul3A_68 : vector<16xf32>
      %swap3A_70 = arith.index_cast %scan3A_48 : i32 to index
      %swap3A_71 = arith.constant 16 : index
      %swap3A_72 = tpu.vector_load %arg17[%swap3A_70, %swap3A_71] {strides = array<i32>} : memref<16x128xf32, #tpu.memory_space<vmem>>, vector<1x16xf32>,
      %swap3A_73 = vector.shape_cast %swap3A_72 : vector<1x16xf32> to vector<16xf32>
      %swap3A_74 = vector.shape_cast %mul3A_69 : vector<16xf32> to vector<1x16xf32>
      tpu.vector_store %arg17[%swap3A_70, %swap3A_71], %swap3A_74 {strides = array<i32>} : memref<16x128xf32, #tpu.memory_space<vmem>>, vector<1x16xf32>,
      %get3A_75 = arith.index_cast %scan3A_48 : i32 to index
      %get3A_76 = arith.constant 32 : index
      %get3A_77 = tpu.vector_load %arg15[%get3A_75, %get3A_76] {strides = array<i32>} : memref<16x128xf32, #tpu.memory_space<vmem>>, vector<1x16xf32>,
      %get3A_78 = vector.shape_cast %get3A_77 : vector<1x16xf32> to vector<16xf32>
      %slice3A_79 = vector.extract_strided_slice %get3A_51 {offsets = [2], sizes = [1], strides = [1]} : vector<16xf32> to vector<1xf32>
      %squeeze3A_80 = vector.extract %slice3A_79[0] : f32 from vector<1xf32>
      %mul3A_81 = vector.broadcast %squeeze3A_80 : f32 to vector<16xf32>
      %mul3A_82 = arith.mulf %get3A_78, %mul3A_81 : vector<16xf32>
      %swap3A_83 = arith.index_cast %scan3A_48 : i32 to index
      %swap3A_84 = arith.constant 32 : index
      %swap3A_85 = tpu.vector_load %arg17[%swap3A_83, %swap3A_84] {strides = array<i32>} : memref<16x128xf32, #tpu.memory_space<vmem>>, vector<1x16xf32>,
      %swap3A_86 = vector.shape_cast %swap3A_85 : vector<1x16xf32> to vector<16xf32>
      %swap3A_87 = vector.shape_cast %mul3A_82 : vector<16xf32> to vector<1x16xf32>
      tpu.vector_store %arg17[%swap3A_83, %swap3A_84], %swap3A_87 {strides = array<i32>} : memref<16x128xf32, #tpu.memory_space<vmem>>, vector<1x16xf32>,
      %get3A_88 = arith.index_cast %scan3A_48 : i32 to index
      %get3A_89 = arith.constant 48 : index
      %get3A_90 = tpu.vector_load %arg15[%get3A_88, %get3A_89] {strides = array<i32>} : memref<16x128xf32, #tpu.memory_space<vmem>>, vector<1x16xf32>,
      %get3A_91 = vector.shape_cast %get3A_90 : vector<1x16xf32> to vector<16xf32>
      %slice3A_92 = vector.extract_strided_slice %get3A_51 {offsets = [3], sizes = [1], strides = [1]} : vector<16xf32> to vector<1xf32>
      %squeeze3A_93 = vector.extract %slice3A_92[0] : f32 from vector<1xf32>
      %mul3A_94 = vector.broadcast %squeeze3A_93 : f32 to vector<16xf32>
      %mul3A_95 = arith.mulf %get3A_91, %mul3A_94 : vector<16xf32>
      %swap3A_96 = arith.index_cast %scan3A_48 : i32 to index
      %swap3A_97 = arith.constant 48 : index
      %swap3A_98 = tpu.vector_load %arg17[%swap3A_96, %swap3A_97] {strides = array<i32>} : memref<16x128xf32, #tpu.memory_space<vmem>>, vector<1x16xf32>,
      %swap3A_99 = vector.shape_cast %swap3A_98 : vector<1x16xf32> to vector<16xf32>
      %swap3A_100 = vector.shape_cast %mul3A_95 : vector<16xf32> to vector<1x16xf32>
      tpu.vector_store %arg17[%swap3A_96, %swap3A_97], %swap3A_100 {strides = array<i32>} : memref<16x128xf32, #tpu.memory_space<vmem>>, vector<1x16xf32>,
      %get3A_101 = arith.index_cast %scan3A_48 : i32 to index
      %get3A_102 = arith.constant 64 : index
      %get3A_103 = tpu.vector_load %arg15[%get3A_101, %get3A_102] {strides = array<i32>} : memref<16x128xf32, #tpu.memory_space<vmem>>, vector<1x16xf32>,
      %get3A_104 = vector.shape_cast %get3A_103 : vector<1x16xf32> to vector<16xf32>
      %slice3A_105 = vector.extract_strided_slice %get3A_51 {offsets = [4], sizes = [1], strides = [1]} : vector<16xf32> to vector<1xf32>
      %squeeze3A_106 = vector.extract %slice3A_105[0] : f32 from vector<1xf32>
      %mul3A_107 = vector.broadcast %squeeze3A_106 : f32 to vector<16xf32>
      %mul3A_108 = arith.mulf %get3A_104, %mul3A_107 : vector<16xf32>
      %swap3A_109 = arith.index_cast %scan3A_48 : i32 to index
      %swap3A_110 = arith.constant 64 : index
      %swap3A_111 = tpu.vector_load %arg17[%swap3A_109, %swap3A_110] {strides = array<i32>} : memref<16x128xf32, #tpu.memory_space<vmem>>, vector<1x16xf32>,
      %swap3A_112 = vector.shape_cast %swap3A_111 : vector<1x16xf32> to vector<16xf32>
      %swap3A_113 = vector.shape_cast %mul3A_108 : vector<16xf32> to vector<1x16xf32>
      tpu.vector_store %arg17[%swap3A_109, %swap3A_110], %swap3A_113 {strides = array<i32>} : memref<16x128xf32, #tpu.memory_space<vmem>>, vector<1x16xf32>,
      %get3A_114 = arith.index_cast %scan3A_48 : i32 to index
      %get3A_115 = arith.constant 80 : index
      %get3A_116 = tpu.vector_load %arg15[%get3A_114, %get3A_115] {strides = array<i32>} : memref<16x128xf32, #tpu.memory_space<vmem>>, vector<1x16xf32>,
      %get3A_117 = vector.shape_cast %get3A_116 : vector<1x16xf32> to vector<16xf32>
      %slice3A_118 = vector.extract_strided_slice %get3A_51 {offsets = [5], sizes = [1], strides = [1]} : vector<16xf32> to vector<1xf32>
      %squeeze3A_119 = vector.extract %slice3A_118[0] : f32 from vector<1xf32>
      %mul3A_120 = vector.broadcast %squeeze3A_119 : f32 to vector<16xf32>
      %mul3A_121 = arith.mulf %get3A_117, %mul3A_120 : vector<16xf32>
      %swap3A_122 = arith.index_cast %scan3A_48 : i32 to index
      %swap3A_123 = arith.constant 80 : index
      %swap3A_124 = tpu.vector_load %arg17[%swap3A_122, %swap3A_123] {strides = array<i32>} : memref<16x128xf32, #tpu.memory_space<vmem>>, vector<1x16xf32>,
      %swap3A_125 = vector.shape_cast %swap3A_124 : vector<1x16xf32> to vector<16xf32>
      %swap3A_126 = vector.shape_cast %mul3A_121 : vector<16xf32> to vector<1x16xf32>
      tpu.vector_store %arg17[%swap3A_122, %swap3A_123], %swap3A_126 {strides = array<i32>} : memref<16x128xf32, #tpu.memory_space<vmem>>, vector<1x16xf32>,
      %get3A_127 = arith.index_cast %scan3A_48 : i32 to index
      %get3A_128 = arith.constant 96 : index
      %get3A_129 = tpu.vector_load %arg15[%get3A_127, %get3A_128] {strides = array<i32>} : memref<16x128xf32, #tpu.memory_space<vmem>>, vector<1x16xf32>,
      %get3A_130 = vector.shape_cast %get3A_129 : vector<1x16xf32> to vector<16xf32>
      %slice3A_131 = vector.extract_strided_slice %get3A_51 {offsets = [6], sizes = [1], strides = [1]} : vector<16xf32> to vector<1xf32>
      %squeeze3A_132 = vector.extract %slice3A_131[0] : f32 from vector<1xf32>
      %mul3A_133 = vector.broadcast %squeeze3A_132 : f32 to vector<16xf32>
      %mul3A_134 = arith.mulf %get3A_130, %mul3A_133 : vector<16xf32>
      %swap3A_135 = arith.index_cast %scan3A_48 : i32 to index
      %swap3A_136 = arith.constant 96 : index
      %swap3A_137 = tpu.vector_load %arg17[%swap3A_135, %swap3A_136] {strides = array<i32>} : memref<16x128xf32, #tpu.memory_space<vmem>>, vector<1x16xf32>,
      %swap3A_138 = vector.shape_cast %swap3A_137 : vector<1x16xf32> to vector<16xf32>
      %swap3A_139 = vector.shape_cast %mul3A_134 : vector<16xf32> to vector<1x16xf32>
      tpu.vector_store %arg17[%swap3A_135, %swap3A_136], %swap3A_139 {strides = array<i32>} : memref<16x128xf32, #tpu.memory_space<vmem>>, vector<1x16xf32>,
      %get3A_140 = arith.index_cast %scan3A_48 : i32 to index
      %get3A_141 = arith.constant 112 : index
      %get3A_142 = tpu.vector_load %arg15[%get3A_140, %get3A_141] {strides = array<i32>} : memref<16x128xf32, #tpu.memory_space<vmem>>, vector<1x16xf32>,
      %get3A_143 = vector.shape_cast %get3A_142 : vector<1x16xf32> to vector<16xf32>
      %slice3A_144 = vector.extract_strided_slice %get3A_51 {offsets = [7], sizes = [1], strides = [1]} : vector<16xf32> to vector<1xf32>
      %squeeze3A_145 = vector.extract %slice3A_144[0] : f32 from vector<1xf32>
      %mul3A_146 = vector.broadcast %squeeze3A_145 : f32 to vector<16xf32>
      %mul3A_147 = arith.mulf %get3A_143, %mul3A_146 : vector<16xf32>
      %swap3A_148 = arith.index_cast %scan3A_48 : i32 to index
      %swap3A_149 = arith.constant 112 : index
      %swap3A_150 = tpu.vector_load %arg17[%swap3A_148, %swap3A_149] {strides = array<i32>} : memref<16x128xf32, #tpu.memory_space<vmem>>, vector<1x16xf32>,
      %swap3A_151 = vector.shape_cast %swap3A_150 : vector<1x16xf32> to vector<16xf32>
      %swap3A_152 = vector.shape_cast %mul3A_147 : vector<16xf32> to vector<1x16xf32>
      tpu.vector_store %arg17[%swap3A_148, %swap3A_149], %swap3A_152 {strides = array<i32>} : memref<16x128xf32, #tpu.memory_space<vmem>>, vector<1x16xf32>,
    }
    %scan3A_35 = arith.constant 16 : i32
    "tpu.region"() ({
      %run_scoped3A = tpu.sem_alloc : memref<!tpu.dma_semaphore, #tpu.memory_space<semaphore_mem>>
      %dma_start3A_48 = arith.constant 0 : i32
      %dma_start3A_49 = arith.constant 0 : i32
      %dma_start3A_50 = tpu.memref_slice %arg20[%dma_start3A_48, %dma_start3A_49] : memref<10000x128xf32, #tpu.memory_space<vmem_shared>> -> memref<10000x128xf32, #tpu.memory_space<vmem_shared>>
      tpu.enqueue_indirect_dma source(%arg17 : memref<16x128xf32, #tpu.memory_space<vmem>>) target(%dma_start3A_50 : memref<10000x128xf32, #tpu.memory_space<vmem_shared>>) offsets(%arg14 : memref<16xi32, #tpu.memory_space<vmem>>) semaphore(%run_scoped3A : memref<!tpu.dma_semaphore, #tpu.memory_space<semaphore_mem>>) {add = true}
      %dma_wait3A_51 = arith.constant 0 : i32
      %dma_wait3A_52 = arith.constant 0 : i32
      %dma_wait3A_53 = tpu.memref_slice %arg20[%dma_wait3A_51, %dma_wait3A_52] : memref<10000x128xf32, #tpu.memory_space<vmem_shared>> -> memref<10000x128xf32, #tpu.memory_space<vmem_shared>>
      tpu.wait_indirect_dma semaphore(%run_scoped3A : memref<!tpu.dma_semaphore, #tpu.memory_space<semaphore_mem>>) src(%arg17 : memref<16x128xf32, #tpu.memory_space<vmem>>) dst(%dma_wait3A_53 : memref<10000x128xf32, #tpu.memory_space<vmem_shared>>)
      tpu.yield
    }) : () -> ()
    "tpu.region"() ({
      %run_scoped3A = tpu.sem_alloc : memref<!tpu.dma_semaphore, #tpu.memory_space<semaphore_mem>>
      %dma_start3A_48 = arith.constant 0 : i32
      %dma_start3A_49 = arith.constant 0 : i32
      %dma_start3A_50 = tpu.memref_slice %arg21[%dma_start3A_48, %dma_start3A_49] : memref<10000x16xf32, #tpu.memory_space<vmem_shared>> -> memref<10000x16xf32, #tpu.memory_space<vmem_shared>>
      tpu.enqueue_indirect_dma source(%arg16 : memref<16x16xf32, #tpu.memory_space<vmem>>) target(%dma_start3A_50 : memref<10000x16xf32, #tpu.memory_space<vmem_shared>>) offsets(%arg14 : memref<16xi32, #tpu.memory_space<vmem>>) semaphore(%run_scoped3A : memref<!tpu.dma_semaphore, #tpu.memory_space<semaphore_mem>>) {add = true}
      %dma_wait3A_51 = arith.constant 0 : i32
      %dma_wait3A_52 = arith.constant 0 : i32
      %dma_wait3A_53 = tpu.memref_slice %arg21[%dma_wait3A_51, %dma_wait3A_52] : memref<10000x16xf32, #tpu.memory_space<vmem_shared>> -> memref<10000x16xf32, #tpu.memory_space<vmem_shared>>
      tpu.wait_indirect_dma semaphore(%run_scoped3A : memref<!tpu.dma_semaphore, #tpu.memory_space<semaphore_mem>>) src(%arg16 : memref<16x16xf32, #tpu.memory_space<vmem>>) dst(%dma_wait3A_53 : memref<10000x16xf32, #tpu.memory_space<vmem_shared>>)
      tpu.yield
    }) : () -> ()
    %barrier3A_36 = arith.constant 0 : index
    tpu.barrier barrier_id(%barrier3A_36)
    %mul3A_37 = arith.constant 10000 : i32
    %mul3A_38 = arith.muli %arg0, %mul3A_37 : i32
    %add3A_39 = arith.addi %mul3A_38, %mul3A_4 : i32
    "tpu.region"() ({
      %run_scoped3A = tpu.sem_alloc : memref<!tpu.dma_semaphore, #tpu.memory_space<semaphore_mem>>
      %dma_start3A_48 = arith.constant 0 : i32
      %dma_start3A_49 = tpu.memref_slice %arg6[%add3A_39, %dma_start3A_48] : memref<20000x128xf32, #tpu.memory_space<hbm>> -> memref<624x128xf32, #tpu.memory_space<hbm>>
      %dma_start3A_50 = arith.constant 0 : i32
      %dma_start3A_51 = tpu.memref_slice %arg20[%mul3A_4, %dma_start3A_50] : memref<10000x128xf32, #tpu.memory_space<vmem_shared>> -> memref<624x128xf32, #tpu.memory_space<vmem_shared>>
      tpu.enqueue_dma source(%dma_start3A_51 : memref<624x128xf32, #tpu.memory_space<vmem_shared>>) target(%dma_start3A_49 : memref<624x128xf32, #tpu.memory_space<hbm>>) target_semaphore(%run_scoped3A : memref<!tpu.dma_semaphore, #tpu.memory_space<semaphore_mem>>)
      %dma_wait3A_52 = arith.constant 0 : i32
      %dma_wait3A_53 = tpu.memref_slice %arg6[%add3A_39, %dma_wait3A_52] : memref<20000x128xf32, #tpu.memory_space<hbm>> -> memref<624x128xf32, #tpu.memory_space<hbm>>
      %dma_wait3A_54 = arith.constant 0 : i32
      %dma_wait3A_55 = tpu.memref_slice %arg20[%mul3A_4, %dma_wait3A_54] : memref<10000x128xf32, #tpu.memory_space<vmem_shared>> -> memref<624x128xf32, #tpu.memory_space<vmem_shared>>
      tpu.wait_dma2 semaphore(%run_scoped3A : memref<!tpu.dma_semaphore, #tpu.memory_space<semaphore_mem>>) src(%dma_wait3A_55 : memref<624x128xf32, #tpu.memory_space<vmem_shared>>) dst(%dma_wait3A_53 : memref<624x128xf32, #tpu.memory_space<hbm>>)
      tpu.yield
    }) : () -> ()
    %mul3A_40 = arith.constant 10000 : i32
    %mul3A_41 = arith.muli %arg0, %mul3A_40 : i32
    %add3A_42 = arith.addi %mul3A_41, %mul3A_4 : i32
    "tpu.region"() ({
      %run_scoped3A = tpu.sem_alloc : memref<!tpu.dma_semaphore, #tpu.memory_space<semaphore_mem>>
      %dma_start3A_48 = arith.constant 0 : i32
      %dma_start3A_49 = tpu.memref_slice %arg7[%add3A_42, %dma_start3A_48] : memref<20000x16xf32, #tpu.memory_space<hbm>> -> memref<624x16xf32, #tpu.memory_space<hbm>>
      %dma_start3A_50 = arith.constant 0 : i32
      %dma_start3A_51 = tpu.memref_slice %arg21[%mul3A_4, %dma_start3A_50] : memref<10000x16xf32, #tpu.memory_space<vmem_shared>> -> memref<624x16xf32, #tpu.memory_space<vmem_shared>>
      tpu.enqueue_dma source(%dma_start3A_51 : memref<624x16xf32, #tpu.memory_space<vmem_shared>>) target(%dma_start3A_49 : memref<624x16xf32, #tpu.memory_space<hbm>>) target_semaphore(%run_scoped3A : memref<!tpu.dma_semaphore, #tpu.memory_space<semaphore_mem>>)
      %dma_wait3A_52 = arith.constant 0 : i32
      %dma_wait3A_53 = tpu.memref_slice %arg7[%add3A_42, %dma_wait3A_52] : memref<20000x16xf32, #tpu.memory_space<hbm>> -> memref<624x16xf32, #tpu.memory_space<hbm>>
      %dma_wait3A_54 = arith.constant 0 : i32
      %dma_wait3A_55 = tpu.memref_slice %arg21[%mul3A_4, %dma_wait3A_54] : memref<10000x16xf32, #tpu.memory_space<vmem_shared>> -> memref<624x16xf32, #tpu.memory_space<vmem_shared>>
      tpu.wait_dma2 semaphore(%run_scoped3A : memref<!tpu.dma_semaphore, #tpu.memory_space<semaphore_mem>>) src(%dma_wait3A_55 : memref<624x16xf32, #tpu.memory_space<vmem_shared>>) dst(%dma_wait3A_53 : memref<624x16xf32, #tpu.memory_space<hbm>>)
      tpu.yield
    }) : () -> ()
    %eq3A_43 = arith.constant 15 : i32
    %eq3A_44 = arith.cmpi eq, %arg1, %eq3A_43 : i32
    %convert_element_type3A_45 = arith.extui %eq3A_44 : i1 to i32
    %cond3A_46 = arith.constant 0 : i32
    %cond3A_47 = arith.cmpi ne, %convert_element_type3A_45, %cond3A_46 : i32
    scf.if %cond3A_47 {
      %mul3A_48 = arith.constant 10000 : i32
      %mul3A_49 = arith.muli %arg0, %mul3A_48 : i32
      %add3A_50 = arith.constant 9984 : i32
      %add3A_51 = arith.addi %mul3A_49, %add3A_50 : i32
      "tpu.region"() ({
        %run_scoped3A = tpu.sem_alloc : memref<!tpu.dma_semaphore, #tpu.memory_space<semaphore_mem>>
        %dma_start3A_56 = arith.constant 0 : i32
        %dma_start3A_57 = tpu.memref_slice %arg6[%add3A_51, %dma_start3A_56] : memref<20000x128xf32, #tpu.memory_space<hbm>> -> memref<16x128xf32, #tpu.memory_space<hbm>>
        %dma_start3A_58 = arith.constant 9984 : i32
        %dma_start3A_59 = arith.constant 0 : i32
        %dma_start3A_60 = tpu.memref_slice %arg20[%dma_start3A_58, %dma_start3A_59] : memref<10000x128xf32, #tpu.memory_space<vmem_shared>> -> memref<16x128xf32, #tpu.memory_space<vmem_shared>>
        tpu.enqueue_dma source(%dma_start3A_60 : memref<16x128xf32, #tpu.memory_space<vmem_shared>>) target(%dma_start3A_57 : memref<16x128xf32, #tpu.memory_space<hbm>>) target_semaphore(%run_scoped3A : memref<!tpu.dma_semaphore, #tpu.memory_space<semaphore_mem>>)
        %dma_wait3A_61 = arith.constant 0 : i32
        %dma_wait3A_62 = tpu.memref_slice %arg6[%add3A_51, %dma_wait3A_61] : memref<20000x128xf32, #tpu.memory_space<hbm>> -> memref<16x128xf32, #tpu.memory_space<hbm>>
        %dma_wait3A_63 = arith.constant 9984 : i32
        %dma_wait3A_64 = arith.constant 0 : i32
        %dma_wait3A_65 = tpu.memref_slice %arg20[%dma_wait3A_63, %dma_wait3A_64] : memref<10000x128xf32, #tpu.memory_space<vmem_shared>> -> memref<16x128xf32, #tpu.memory_space<vmem_shared>>
        tpu.wait_dma2 semaphore(%run_scoped3A : memref<!tpu.dma_semaphore, #tpu.memory_space<semaphore_mem>>) src(%dma_wait3A_65 : memref<16x128xf32, #tpu.memory_space<vmem_shared>>) dst(%dma_wait3A_62 : memref<16x128xf32, #tpu.memory_space<hbm>>)
        tpu.yield
      }) : () -> ()
      %mul3A_52 = arith.constant 10000 : i32
      %mul3A_53 = arith.muli %arg0, %mul3A_52 : i32
      %add3A_54 = arith.constant 9984 : i32
      %add3A_55 = arith.addi %mul3A_53, %add3A_54 : i32
      "tpu.region"() ({
        %run_scoped3A = tpu.sem_alloc : memref<!tpu.dma_semaphore, #tpu.memory_space<semaphore_mem>>
        %dma_start3A_56 = arith.constant 0 : i32
        %dma_start3A_57 = tpu.memref_slice %arg7[%add3A_55, %dma_start3A_56] : memref<20000x16xf32, #tpu.memory_space<hbm>> -> memref<16x16xf32, #tpu.memory_space<hbm>>
        %dma_start3A_58 = arith.constant 9984 : i32
        %dma_start3A_59 = arith.constant 0 : i32
        %dma_start3A_60 = tpu.memref_slice %arg21[%dma_start3A_58, %dma_start3A_59] : memref<10000x16xf32, #tpu.memory_space<vmem_shared>> -> memref<16x16xf32, #tpu.memory_space<vmem_shared>>
        tpu.enqueue_dma source(%dma_start3A_60 : memref<16x16xf32, #tpu.memory_space<vmem_shared>>) target(%dma_start3A_57 : memref<16x16xf32, #tpu.memory_space<hbm>>) target_semaphore(%run_scoped3A : memref<!tpu.dma_semaphore, #tpu.memory_space<semaphore_mem>>)
        %dma_wait3A_61 = arith.constant 0 : i32
        %dma_wait3A_62 = tpu.memref_slice %arg7[%add3A_55, %dma_wait3A_61] : memref<20000x16xf32, #tpu.memory_space<hbm>> -> memref<16x16xf32, #tpu.memory_space<hbm>>
        %dma_wait3A_63 = arith.constant 9984 : i32
        %dma_wait3A_64 = arith.constant 0 : i32
        %dma_wait3A_65 = tpu.memref_slice %arg21[%dma_wait3A_63, %dma_wait3A_64] : memref<10000x16xf32, #tpu.memory_space<vmem_shared>> -> memref<16x16xf32, #tpu.memory_space<vmem_shared>>
        tpu.wait_dma2 semaphore(%run_scoped3A : memref<!tpu.dma_semaphore, #tpu.memory_space<semaphore_mem>>) src(%dma_wait3A_65 : memref<16x16xf32, #tpu.memory_space<vmem_shared>>) dst(%dma_wait3A_62 : memref<16x16xf32, #tpu.memory_space<hbm>>)
        tpu.yield
      }) : () -> ()
    } else {
    }
    return
  }
}

module attributes {stable_mosaic.version = 14 : i64} {
  func.func @_edge_body(%arg0: i32, %arg1: memref<1000x128xf32, #tpu.memory_space<vmem>>, %arg2: memref<1000x128xf32, #tpu.memory_space<vmem>>, %arg3: memref<128x128xf32, #tpu.memory_space<vmem>>, %arg4: memref<128x16xf32, #tpu.memory_space<vmem>>, %arg5: memref<1000x128xf32, #tpu.memory_space<vmem>>, %arg6: memref<1000x16xf32, #tpu.memory_space<vmem>>) attributes {dimension_semantics = [#tpu.dimension_semantics<arbitrary>], iteration_bounds = array<i64: 320>, scalar_prefetch = 0 : i64, scratch_operands = 0 : i64, tpu.core_type = #tpu.core_type<tc>, window_params = [{transform_indices = @transform_0, window_bounds = array<i64: 1000, 128>}, {transform_indices = @transform_1, window_bounds = array<i64: 1000, 128>}, {pipeline_mode = #tpu.pipeline_mode<synchronous>, transform_indices = @transform_2, window_bounds = array<i64: 128, 128>}, {pipeline_mode = #tpu.pipeline_mode<synchronous>, transform_indices = @transform_3, window_bounds = array<i64: 128, 16>}, {transform_indices = @transform_4, window_bounds = array<i64: 1000, 128>}, {transform_indices = @transform_5, window_bounds = array<i64: 1000, 16>}]} {
    %get3A = arith.constant 0 : index
    %get3A_0 = arith.constant 0 : index
    %get3A_1 = vector.load %arg1[%get3A, %get3A_0] : memref<1000x128xf32, #tpu.memory_space<vmem>>, vector<1000x128xf32>
    %get3A_2 = arith.constant 0 : index
    %get3A_3 = arith.constant 0 : index
    %get3A_4 = vector.load %arg3[%get3A_2, %get3A_3] : memref<128x128xf32, #tpu.memory_space<vmem>>, vector<128x128xf32>
    %dot_general3A = arith.constant dense<0.000000e+00> : vector<1000x128xf32>
    %dot_general3A_5 = tpu.matmul %get3A_1, %get3A_4, %dot_general3A {dimension_numbers = #tpu.dot_dimension_numbers<[1], [0], [0], [1], [0, 0, 1, 1], [], []>, transpose_lhs_hint = false} : vector<1000x128xf32>, vector<128x128xf32>, vector<1000x128xf32> -> vector<1000x128xf32>
    %get3A_6 = arith.constant 0 : index
    %get3A_7 = arith.constant 0 : index
    %get3A_8 = vector.load %arg2[%get3A_6, %get3A_7] : memref<1000x128xf32, #tpu.memory_space<vmem>>, vector<1000x128xf32>
    %mul3A = arith.mulf %get3A_8, %dot_general3A_5 : vector<1000x128xf32>
    %swap3A = arith.constant 0 : index
    %swap3A_9 = arith.constant 0 : index
    %swap3A_10 = vector.load %arg5[%swap3A, %swap3A_9] : memref<1000x128xf32, #tpu.memory_space<vmem>>, vector<1000x128xf32>
    tpu.vector_store %arg5[%swap3A, %swap3A_9], %mul3A {strides = array<i32>} : memref<1000x128xf32, #tpu.memory_space<vmem>>, vector<1000x128xf32>,
    %get3A_11 = arith.constant 0 : index
    %get3A_12 = arith.constant 0 : index
    %get3A_13 = vector.load %arg4[%get3A_11, %get3A_12] : memref<128x16xf32, #tpu.memory_space<vmem>>, vector<128x16xf32>
    %dot_general3A_14 = arith.constant dense<0.000000e+00> : vector<1000x16xf32>
    %dot_general3A_15 = tpu.matmul %mul3A, %get3A_13, %dot_general3A_14 {dimension_numbers = #tpu.dot_dimension_numbers<[1], [0], [0], [1], [0, 0, 1, 1], [], []>, transpose_lhs_hint = false} : vector<1000x128xf32>, vector<128x16xf32>, vector<1000x16xf32> -> vector<1000x16xf32>
    %jit3A = arith.constant -5.000000e+00 : f32
    %jit3A_16 = arith.constant 5.000000e+00 : f32
    %max3A = vector.broadcast %jit3A : f32 to vector<1000x16xf32>
    %max3A_17 = arith.maximumf %max3A, %dot_general3A_15 : vector<1000x16xf32>
    %min3A = vector.broadcast %jit3A_16 : f32 to vector<1000x16xf32>
    %min3A_18 = arith.minimumf %min3A, %max3A_17 : vector<1000x16xf32>
    %exp3A = math.exp %min3A_18 : vector<1000x16xf32>
    %swap3A_19 = arith.constant 0 : index
    %swap3A_20 = arith.constant 0 : index
    %swap3A_21 = vector.load %arg6[%swap3A_19, %swap3A_20] : memref<1000x16xf32, #tpu.memory_space<vmem>>, vector<1000x16xf32>
    tpu.vector_store %arg6[%swap3A_19, %swap3A_20], %exp3A {strides = array<i32>} : memref<1000x16xf32, #tpu.memory_space<vmem>>, vector<1000x16xf32>,
    return
  }
  func.func @transform_0(%arg0: i32) -> (i32, i32) {
    %c0_i32 = arith.constant 0 : i32
    %c0_i32_0 = arith.constant 0 : i32
    return %arg0, %c0_i32 : i32, i32
  }
  func.func @transform_1(%arg0: i32) -> (i32, i32) {
    %c0_i32 = arith.constant 0 : i32
    %c0_i32_0 = arith.constant 0 : i32
    return %arg0, %c0_i32 : i32, i32
  }
  func.func @transform_2(%arg0: i32) -> (i32, i32) {
    %c0_i32 = arith.constant 0 : i32
    %c0_i32_0 = arith.constant 0 : i32
    %c0_i32_1 = arith.constant 0 : i32
    return %c0_i32, %c0_i32_0 : i32, i32
  }
  func.func @transform_3(%arg0: i32) -> (i32, i32) {
    %c0_i32 = arith.constant 0 : i32
    %c0_i32_0 = arith.constant 0 : i32
    %c0_i32_1 = arith.constant 0 : i32
    return %c0_i32, %c0_i32_0 : i32, i32
  }
  func.func @transform_4(%arg0: i32) -> (i32, i32) {
    %c0_i32 = arith.constant 0 : i32
    %c0_i32_0 = arith.constant 0 : i32
    return %arg0, %c0_i32 : i32, i32
  }
  func.func @transform_5(%arg0: i32) -> (i32, i32) {
    %c0_i32 = arith.constant 0 : i32
    %c0_i32_0 = arith.constant 0 : i32
    return %arg0, %c0_i32 : i32, i32
  }
}

module attributes {stable_mosaic.version = 14 : i64} {
  func.func @_proj_body(%arg0: i32, %arg1: memref<1000x128xf32, #tpu.memory_space<vmem>>, %arg2: memref<128x128xf32, #tpu.memory_space<vmem>>, %arg3: memref<128x128xf32, #tpu.memory_space<vmem>>, %arg4: memref<128x128xf32, #tpu.memory_space<vmem>>, %arg5: memref<1000x128xf32, #tpu.memory_space<vmem>>, %arg6: memref<1000x128xf32, #tpu.memory_space<vmem>>, %arg7: memref<1000x128xf32, #tpu.memory_space<vmem>>) attributes {dimension_semantics = [#tpu.dimension_semantics<arbitrary>], iteration_bounds = array<i64: 10>, scalar_prefetch = 0 : i64, scratch_operands = 0 : i64, tpu.core_type = #tpu.core_type<tc>, window_params = [{transform_indices = @transform_0, window_bounds = array<i64: 1000, 128>}, {pipeline_mode = #tpu.pipeline_mode<synchronous>, transform_indices = @transform_1, window_bounds = array<i64: 128, 128>}, {pipeline_mode = #tpu.pipeline_mode<synchronous>, transform_indices = @transform_2, window_bounds = array<i64: 128, 128>}, {pipeline_mode = #tpu.pipeline_mode<synchronous>, transform_indices = @transform_3, window_bounds = array<i64: 128, 128>}, {transform_indices = @transform_4, window_bounds = array<i64: 1000, 128>}, {transform_indices = @transform_5, window_bounds = array<i64: 1000, 128>}, {transform_indices = @transform_6, window_bounds = array<i64: 1000, 128>}]} {
    %get3A = arith.constant 0 : index
    %get3A_0 = arith.constant 0 : index
    %get3A_1 = vector.load %arg1[%get3A, %get3A_0] : memref<1000x128xf32, #tpu.memory_space<vmem>>, vector<1000x128xf32>
    %get3A_2 = arith.constant 0 : index
    %get3A_3 = arith.constant 0 : index
    %get3A_4 = vector.load %arg2[%get3A_2, %get3A_3] : memref<128x128xf32, #tpu.memory_space<vmem>>, vector<128x128xf32>
    %dot_general3A = arith.constant dense<0.000000e+00> : vector<1000x128xf32>
    %dot_general3A_5 = tpu.matmul %get3A_1, %get3A_4, %dot_general3A {dimension_numbers = #tpu.dot_dimension_numbers<[1], [0], [0], [1], [0, 0, 1, 1], [], []>, transpose_lhs_hint = false} : vector<1000x128xf32>, vector<128x128xf32>, vector<1000x128xf32> -> vector<1000x128xf32>
    %swap3A = arith.constant 0 : index
    %swap3A_6 = arith.constant 0 : index
    %swap3A_7 = vector.load %arg5[%swap3A, %swap3A_6] : memref<1000x128xf32, #tpu.memory_space<vmem>>, vector<1000x128xf32>
    tpu.vector_store %arg5[%swap3A, %swap3A_6], %dot_general3A_5 {strides = array<i32>} : memref<1000x128xf32, #tpu.memory_space<vmem>>, vector<1000x128xf32>,
    %get3A_8 = arith.constant 0 : index
    %get3A_9 = arith.constant 0 : index
    %get3A_10 = vector.load %arg3[%get3A_8, %get3A_9] : memref<128x128xf32, #tpu.memory_space<vmem>>, vector<128x128xf32>
    %dot_general3A_11 = arith.constant dense<0.000000e+00> : vector<1000x128xf32>
    %dot_general3A_12 = tpu.matmul %get3A_1, %get3A_10, %dot_general3A_11 {dimension_numbers = #tpu.dot_dimension_numbers<[1], [0], [0], [1], [0, 0, 1, 1], [], []>, transpose_lhs_hint = false} : vector<1000x128xf32>, vector<128x128xf32>, vector<1000x128xf32> -> vector<1000x128xf32>
    %swap3A_13 = arith.constant 0 : index
    %swap3A_14 = arith.constant 0 : index
    %swap3A_15 = vector.load %arg6[%swap3A_13, %swap3A_14] : memref<1000x128xf32, #tpu.memory_space<vmem>>, vector<1000x128xf32>
    tpu.vector_store %arg6[%swap3A_13, %swap3A_14], %dot_general3A_12 {strides = array<i32>} : memref<1000x128xf32, #tpu.memory_space<vmem>>, vector<1000x128xf32>,
    %get3A_16 = arith.constant 0 : index
    %get3A_17 = arith.constant 0 : index
    %get3A_18 = vector.load %arg4[%get3A_16, %get3A_17] : memref<128x128xf32, #tpu.memory_space<vmem>>, vector<128x128xf32>
    %dot_general3A_19 = arith.constant dense<0.000000e+00> : vector<1000x128xf32>
    %dot_general3A_20 = tpu.matmul %get3A_1, %get3A_18, %dot_general3A_19 {dimension_numbers = #tpu.dot_dimension_numbers<[1], [0], [0], [1], [0, 0, 1, 1], [], []>, transpose_lhs_hint = false} : vector<1000x128xf32>, vector<128x128xf32>, vector<1000x128xf32> -> vector<1000x128xf32>
    %swap3A_21 = arith.constant 0 : index
    %swap3A_22 = arith.constant 0 : index
    %swap3A_23 = vector.load %arg7[%swap3A_21, %swap3A_22] : memref<1000x128xf32, #tpu.memory_space<vmem>>, vector<1000x128xf32>
    tpu.vector_store %arg7[%swap3A_21, %swap3A_22], %dot_general3A_20 {strides = array<i32>} : memref<1000x128xf32, #tpu.memory_space<vmem>>, vector<1000x128xf32>,
    return
  }
  func.func @transform_0(%arg0: i32) -> (i32, i32) {
    %c0_i32 = arith.constant 0 : i32
    %c0_i32_0 = arith.constant 0 : i32
    return %arg0, %c0_i32 : i32, i32
  }
  func.func @transform_1(%arg0: i32) -> (i32, i32) {
    %c0_i32 = arith.constant 0 : i32
    %c0_i32_0 = arith.constant 0 : i32
    %c0_i32_1 = arith.constant 0 : i32
    return %c0_i32, %c0_i32_0 : i32, i32
  }
  func.func @transform_2(%arg0: i32) -> (i32, i32) {
    %c0_i32 = arith.constant 0 : i32
    %c0_i32_0 = arith.constant 0 : i32
    %c0_i32_1 = arith.constant 0 : i32
    return %c0_i32, %c0_i32_0 : i32, i32
  }
  func.func @transform_3(%arg0: i32) -> (i32, i32) {
    %c0_i32 = arith.constant 0 : i32
    %c0_i32_0 = arith.constant 0 : i32
    %c0_i32_1 = arith.constant 0 : i32
    return %c0_i32, %c0_i32_0 : i32, i32
  }
  func.func @transform_4(%arg0: i32) -> (i32, i32) {
    %c0_i32 = arith.constant 0 : i32
    %c0_i32_0 = arith.constant 0 : i32
    return %arg0, %c0_i32 : i32, i32
  }
  func.func @transform_5(%arg0: i32) -> (i32, i32) {
    %c0_i32 = arith.constant 0 : i32
    %c0_i32_0 = arith.constant 0 : i32
    return %arg0, %c0_i32 : i32, i32
  }
  func.func @transform_6(%arg0: i32) -> (i32, i32) {
    %c0_i32 = arith.constant 0 : i32
    %c0_i32_0 = arith.constant 0 : i32
    return %arg0, %c0_i32 : i32, i32
  }
}

module attributes {stable_mosaic.version = 14 : i64} {
  func.func @_final_body(%arg0: i32, %arg1: memref<1000x128xf32, #tpu.memory_space<vmem>>, %arg2: memref<1000x128xf32, #tpu.memory_space<vmem>>, %arg3: memref<1000x16xf32, #tpu.memory_space<vmem>>, %arg4: memref<1000x16xf32, #tpu.memory_space<vmem>>, %arg5: memref<16x128xf32, #tpu.memory_space<vmem>>, %arg6: memref<1000x128xf32, #tpu.memory_space<vmem>>) attributes {dimension_semantics = [#tpu.dimension_semantics<arbitrary>], iteration_bounds = array<i64: 10>, scalar_prefetch = 0 : i64, scratch_operands = 0 : i64, tpu.core_type = #tpu.core_type<tc>, window_params = [{transform_indices = @transform_0, window_bounds = array<i64: 1000, 128>}, {transform_indices = @transform_1, window_bounds = array<i64: 1000, 128>}, {transform_indices = @transform_2, window_bounds = array<i64: 1000, 16>}, {transform_indices = @transform_3, window_bounds = array<i64: 1000, 16>}, {pipeline_mode = #tpu.pipeline_mode<synchronous>, transform_indices = @transform_4, window_bounds = array<i64: 16, 128>}, {transform_indices = @transform_5, window_bounds = array<i64: 1000, 128>}]} {
    %get3A = arith.constant 0 : index
    %get3A_0 = arith.constant 0 : index
    %get3A_1 = vector.load %arg1[%get3A, %get3A_0] : memref<1000x128xf32, #tpu.memory_space<vmem>>, vector<1000x128xf32>
    %get3A_2 = arith.constant 0 : index
    %get3A_3 = arith.constant 0 : index
    %get3A_4 = vector.load %arg2[%get3A_2, %get3A_3] : memref<1000x128xf32, #tpu.memory_space<vmem>>, vector<1000x128xf32>
    %add3A = arith.addf %get3A_1, %get3A_4 : vector<1000x128xf32>
    %get3A_5 = arith.constant 0 : index
    %get3A_6 = arith.constant 0 : index
    %get3A_7 = vector.load %arg3[%get3A_5, %get3A_6] : memref<1000x16xf32, #tpu.memory_space<vmem>>, vector<1000x16xf32>
    %get3A_8 = arith.constant 0 : index
    %get3A_9 = arith.constant 0 : index
    %get3A_10 = vector.load %arg4[%get3A_8, %get3A_9] : memref<1000x16xf32, #tpu.memory_space<vmem>>, vector<1000x16xf32>
    %add3A_11 = arith.addf %get3A_7, %get3A_10 : vector<1000x16xf32>
    %get3A_12 = arith.constant 0 : index
    %get3A_13 = arith.constant 0 : index
    %get3A_14 = vector.load %arg5[%get3A_12, %get3A_13] : memref<16x128xf32, #tpu.memory_space<vmem>>, vector<16x128xf32>
    %dot_general3A = arith.constant dense<0.000000e+00> : vector<1000x128xf32>
    %dot_general3A_15 = tpu.matmul %add3A_11, %get3A_14, %dot_general3A {dimension_numbers = #tpu.dot_dimension_numbers<[1], [0], [0], [1], [0, 0, 1, 1], [], []>, transpose_lhs_hint = false} : vector<1000x16xf32>, vector<16x128xf32>, vector<1000x128xf32> -> vector<1000x128xf32>
    %add3A_16 = arith.constant 9.99999997E-7 : f32
    %add3A_17 = vector.broadcast %add3A_16 : f32 to vector<1000x128xf32>
    %add3A_18 = arith.addf %dot_general3A_15, %add3A_17 : vector<1000x128xf32>
    %div3A = arith.divf %add3A, %add3A_18 : vector<1000x128xf32>
    %swap3A = arith.constant 0 : index
    %swap3A_19 = arith.constant 0 : index
    %swap3A_20 = vector.load %arg6[%swap3A, %swap3A_19] : memref<1000x128xf32, #tpu.memory_space<vmem>>, vector<1000x128xf32>
    tpu.vector_store %arg6[%swap3A, %swap3A_19], %div3A {strides = array<i32>} : memref<1000x128xf32, #tpu.memory_space<vmem>>, vector<1000x128xf32>,
    return
  }
  func.func @transform_0(%arg0: i32) -> (i32, i32) {
    %c0_i32 = arith.constant 0 : i32
    %c0_i32_0 = arith.constant 0 : i32
    return %arg0, %c0_i32 : i32, i32
  }
  func.func @transform_1(%arg0: i32) -> (i32, i32) {
    %add3A = arith.constant 10 : i32
    %add3A_0 = arith.addi %arg0, %add3A : i32
    %c0_i32 = arith.constant 0 : i32
    %c0_i32_1 = arith.constant 0 : i32
    return %add3A_0, %c0_i32 : i32, i32
  }
  func.func @transform_2(%arg0: i32) -> (i32, i32) {
    %c0_i32 = arith.constant 0 : i32
    %c0_i32_0 = arith.constant 0 : i32
    return %arg0, %c0_i32 : i32, i32
  }
  func.func @transform_3(%arg0: i32) -> (i32, i32) {
    %add3A = arith.constant 10 : i32
    %add3A_0 = arith.addi %arg0, %add3A : i32
    %c0_i32 = arith.constant 0 : i32
    %c0_i32_1 = arith.constant 0 : i32
    return %add3A_0, %c0_i32 : i32, i32
  }
  func.func @transform_4(%arg0: i32) -> (i32, i32) {
    %c0_i32 = arith.constant 0 : i32
    %c0_i32_0 = arith.constant 0 : i32
    %c0_i32_1 = arith.constant 0 : i32
    return %c0_i32, %c0_i32_0 : i32, i32
  }
  func.func @transform_5(%arg0: i32) -> (i32, i32) {
    %c0_i32 = arith.constant 0 : i32
    %c0_i32_0 = arith.constant 0 : i32
    return %arg0, %c0_i32 : i32, i32
  }
}

</mosaic_0001>

<sc_bundles>
// kernel: kernel.10.cloned.1.call-start
scs
__scs_entry_jumppad:
0x0: {  	(pc) =	sbr.rel $0x88, $3  }
0x1: {  	(tag) =	ssettag $0x0;
	lr =	simm.s32 $0x1  }
0x2: {  	[smem:$0x3F9A] =	sst lr;
	_ =	strace $0xD0000000  }
0x3: {  	_ = 	snop  }
0x4: {  	_ = 	snop  }
0x5: {  	_ = 	snop  }
0x6: {  	_ = 	snop  }
0x7: {  	_ = 	snop  }
__scs_overlays_trampoline_lowered:
0x8: {  	[smem:$0x3FA9] =	sst s0  }
0x9: {  	[smem:$0x3FAA] =	sst s1  }
0xa: {  	[smem:$0x3FAB] =	sst s2  }
0xb: {  	[smem:$0x3FAC] =	sst s3  }
0xc: {  	[smem:$0x3FAD] =	sst s4  }
0xd: {  	[smem:$0x3FAE] =	sst s5  }
0xe: {  	[smem:$0x3FAF] =	sst s6  }
0xf: {  	[smem:$0x3FB0] =	sst s7  }
0x10: {  	[smem:$0x3FB1] =	sst s8  }
0x11: {  	[smem:$0x3FB2] =	sst s9;
	s0 =	simm.s32 @!p0 $0x0  }
0x12: {  	s1 =	sld [smem:$0x3F98];
	s0 =	simm.s32 @p0 $0x1  }
0x13: {  	[smem:$0x3FB3] =	sst s0;
	s0 =	simm.s32 @!p1 $0x0  }
0x14: {  	s2 =	sld [smem:$0x3F97];
	s0 =	simm.s32 @p1 $0x1  }
0x15: {  	[smem:$0x3FB4] =	sst s0;
	s0 =	simm.s32 @!p2 $0x0  }
0x16: {  	s3 =	sld [smem:$0x3FDB];
	s0 =	simm.s32 @p2 $0x1  }
0x17: {  	s4 =	simm.s32 $0x1BF5;
	[smem:$0x3FB6] =	sst s0  }
0x18: {  	s0 =	sld [smem:$0x3F99];
	_ =	swait.ge [sflag:s4], $0x0  }
0x19: {  	s7 =	sld [smem:$0x3F9A]  }
0x1a: {  	s8 =	sadd.s32 $0xFFFFE003, lr  }
0x1b: {  	s9 =	sadd.s32 $0xFFFFFEF7, lr;
	s5 =	simm.s32 $0xFFFFFFFF;
	p2 =	slt.u32 s8, $0xFFFFF086  }
0x1c: {  	p1 =	slt.u32 s9, $0xF7A;
	s5 =	simm.s32 @!p2 $0x0  }
0x1d: {  	s5 =	simm.s32 @p1 $0x1;
	p0 =	seq.s32 s7, s2  }
0x1e: {  	s7 =	smul.u32 @!p0 $0xF7A, s2;
	p2 =	seq.s32 @!p0 s5, $0x0  }
0x1f: {  	s9 =	smul.u32 $0xF7A, s1;
	s8 =	simm.s32 @!p0 $0x1BF5;
	p2 =	por !p2, p0  }
0x20: {  	[sflag:s8] =	ssyncset.s32 @!p0 $0xFFFFF086;
	s6 =	sadd.s32 @!p0 s3, s7;
	s7 =	simm.s32 @!p0 $0x108  }
0x21: {  	s3 =	sadd.s32 s3, s9;
	s6 =	sadd.s32 @!p0 $0x88, s6;
	s7 =	simm.s32 @p2 $0x1082  }
0x22: {  	[simem:s7], [sflag:s8] =	dma.local @!p0 [hbm:s6], $0xF7A  }
0x23: {  	s9 =	sor.u32 $0xD0000000, s2;
	s6 =	simm.s32 $0x108;
	_ =	swait.ge @!p0 [sflag:s8], $0x0  }
0x24: {  	s3 =	sadd.s32 $0x88, s3;
	s6 =	simm.s32 @!p1 $0x1082;
	[sflag:s4] =	ssyncset.s32 $0xFFFFF086  }
0x25: {  	[simem:s6], [sflag:s4] =	dma.local [hbm:s3], $0xF7A  }
0x26: {  	[smem:$0x3F9A] =	sst s1;
	(tag) =	ssettag s2;
	_ =	strace s9  }
0x27: {  	s1 =	sld [smem:$0x3FAA]  }
0x28: {  	s2 =	sld [smem:$0x3FAB]  }
0x29: {  	s4 =	sld [smem:$0x3FAD]  }
0x2a: {  	p0 =	seq.s32 s5, $0x0;
	s5 =	sld [smem:$0x3FAE]  }
0x2b: {  	s6 =	sld [smem:$0x3FAF]  }
0x2c: {  	s7 =	sld [smem:$0x3FB0]  }
0x2d: {  	s3 =	simm.s32 $0x108;
	s8 =	sld [smem:$0x3FB1]  }
0x2e: {  	s3 =	simm.s32 @!p0 $0x1082;
	s9 =	sld [smem:$0x3FB2]  }
0x2f: {  	lr =	sadd.s32 s0, s3;
	s0 =	sld [smem:$0x3FA9]  }
0x30: {  	s3 =	sld [smem:$0x3FAC]  }
0x31: {  	[smem:$0x3FB5] =	sst s10  }
0x32: {  	s10 =	sld [smem:$0x3FB3];
	_ =	sdelay $0x3  }
0x33: {  	p0 =	seq.s32 s10, $0x1;
	s10 =	sld [smem:$0x3FB5];
	_ =	sdelay $0x3  }
0x34: {  	[smem:$0x3FB5] =	sst s10  }
0x35: {  	s10 =	sld [smem:$0x3FB4];
	_ =	sdelay $0x3  }
0x36: {  	p1 =	seq.s32 s10, $0x1;
	s10 =	sld [smem:$0x3FB5];
	_ =	sdelay $0x3  }
0x37: {  	[smem:$0x3FB5] =	sst s10  }
0x38: {  	s10 =	sld [smem:$0x3FB6]  }
0x39: {  	_ = 	snop;
	(pc) =	sbr.ind lr, $3  }
0x3a: {  	_ = 	snop  }
0x3b: {  	_ = 	snop  }
0x3c: {  	p2 =	seq.s32 s10, $0x1;
	s10 =	sld [smem:$0x3FB5]  }
0x3d: {  	_ =	shalt  }
0x3e: {  	_ =	shalt  }
0x3f: {  	_ =	shalt  }
0x40: {  	_ =	shalt  }
0x41: {  	_ =	shalt  }
0x42: {  	_ =	shalt  }
0x43: {  	_ =	shalt  }
0x44: {  	_ =	shalt  }
0x45: {  	_ =	shalt  }
0x46: {  	_ =	shalt  }
0x47: {  	_ =	shalt  }
0x48: {  	_ =	shalt  }
0x49: {  	_ =	shalt  }
0x4a: {  	_ =	shalt  }
0x4b: {  	_ =	shalt  }
0x4c: {  	_ =	shalt  }
0x4d: {  	_ =	shalt  }
0x4e: {  	_ =	shalt  }
0x4f: {  	_ =	shalt  }
0x50: {  	_ =	shalt  }
0x51: {  	_ =	shalt  }
0x52: {  	_ =	shalt  }
0x53: {  	_ =	shalt  }
0x54: {  	_ =	shalt  }
0x55: {  	_ =	shalt  }
0x56: {  	_ =	shalt  }
0x57: {  	_ =	shalt  }
0x58: {  	_ =	shalt  }
0x59: {  	_ =	shalt  }
0x5a: {  	_ =	shalt  }
0x5b: {  	_ =	shalt  }
0x5c: {  	_ =	shalt  }
0x5d: {  	_ =	shalt  }
0x5e: {  	_ =	shalt  }
0x5f: {  	_ =	shalt  }
0x60: {  	_ =	shalt  }
0x61: {  	_ =	shalt  }
0x62: {  	_ =	shalt  }
0x63: {  	_ =	shalt  }
0x64: {  	_ =	shalt  }
0x65: {  	_ =	shalt  }
0x66: {  	_ =	shalt  }
0x67: {  	_ =	shalt  }
0x68: {  	_ =	shalt  }
0x69: {  	_ =	shalt  }
0x6a: {  	_ =	shalt  }
0x6b: {  	_ =	shalt  }
0x6c: {  	_ =	shalt  }
0x6d: {  	_ =	shalt  }
0x6e: {  	_ =	shalt  }
0x6f: {  	_ =	shalt  }
0x70: {  	_ =	shalt  }
0x71: {  	_ =	shalt  }
0x72: {  	_ =	shalt  }
0x73: {  	_ =	shalt  }
0x74: {  	_ =	shalt  }
0x75: {  	_ =	shalt  }
0x76: {  	_ =	shalt  }
0x77: {  	_ =	shalt  }
0x78: {  	_ =	shalt  }
0x79: {  	_ =	shalt  }
0x7a: {  	_ =	shalt  }
0x7b: {  	_ =	shalt  }
0x7c: {  	_ =	shalt  }
0x7d: {  	_ =	shalt  }
0x7e: {  	_ =	shalt  }
0x7f: {  	_ =	shalt  }
0x80: {  	_ =	shalt  }
0x81: {  	_ =	shalt  }
0x82: {  	_ =	shalt  }
0x83: {  	_ =	shalt  }
0x84: {  	_ =	shalt  }
0x85: {  	_ =	shalt  }
0x86: {  	_ =	shalt  }
0x87: {  	_ =	shalt  }
.Lfunc_end0:
.L_simem_size_0:
called_computation.1_lowered:
.L_overlay_start_0:
0x88: {  	s2 =	sld [smem:$0x3FD9]  }
0x89: {  	s3 =	sld [smem:$0x3FFE];
	_ =	sdelay $0x1  }
0x8a: {  	s1 =	srdreg.scid  }
0x8b: {  	s0 =	sand.u32 $0x1, s1  }
0x8c: {  	s14 =	sshll.u32 s0, $0xA;
	s2 =	sadd.s32 s3, s2  }
0x8d: {  	s2 =	sadd.s32 s2, s14  }
0x8e: {  	[smem:$0x3FC1] =	sst s2  }
0x8f: {  	_ = 	snop  }
0x90: {  	s2 =	sld [smem:$0x3FD0];
	_ =	sdelay $0x2  }
0x91: {  	s15 =	simm.s32 $0xA;
	s4 =	simm.s32 $0x10  }
0x92: {  	[smem:s4], [sflag:s15] =	dma.local [hbm:s2], $0x1  }
0x93: {  	_ =	swait.eq [sflag:s15], $0x1  }
0x94: {  	[sflag:s15] =	ssyncset.done $0x0  }
0x95: {  	[sflag:s15] =	ssyncadd.s32 $0xFFFFFFFF  }
0x96: {  	s16 =	sld [smem:$0x10];
	(tm) =	ssettm $0x1  }
0x97: {  	s17 =	sld [smem:$0x3FFB];
	_ =	sdelay $0x3  }
0x98: {  	_ =	strace s17  }
0x99: {  	s3 =	sld [smem:$0x3FFC];
	_ =	sdelay $0x3  }
0x9a: {  	_ =	strace s3  }
0x9b: {  	s3 =	sld [smem:$0x3FFD];
	_ =	sdelay $0x3  }
0x9c: {  	_ =	strace s3  }
0x9d: {  	_ =	strace $0x8FFFFFFF  }
0x9e: {  	s18 =	sld [smem:$0x3FDB];
	_ =	sdelay $0x1  }
0x9f: {  	s19 =	simm.s32 $_scs_section_size  }
0xa0: {  	s5 =	simm.s32 $_size__tile_overlayer_lowered;
	s6 =	simm.s32 $_tile_overlayer_lowered  }
0xa1: {  	s22 =	simm.s32 $0x1BFF;
	s21 =	sshll.u32 s6, $0x1;
	s3 =	sadd.s32 s19, s18  }
0xa2: {  	s7 =	simm.s32 $0x0;
	s20 =	sshll.u32 s5, $0x1;
	s5 =	sadd.s32 s21, s3  }
0xa3: {  	[timem:s7], [sflag:s22] =	dma.local [hbm:s5], s20  }
0xa4: {  	_ =	swait.ge [sflag:s22], s20  }
0xa5: {  	s4 =	ssub.s32 $0x0, s20;
	[sflag:s22] =	ssyncset.done $0x0  }
0xa6: {  	[sflag:s22] =	ssyncadd.s32 s4;
	_ =	sdelay $0x1  }
0xa7: {  	s23 =	simm.s32 $0x1B8B  }
0xa8: {  	_ =	swait.ge [sflag:s23], $0x1  }
0xa9: {  	[sflag:s23] =	ssyncset.done $0x0  }
0xaa: {  	s25 =	simm.s32 $0x1B8E;
	s24 =	sld [smem:$0x3FFE];
	[sflag:s23] =	ssyncadd.s32 $0xFFFFFFFF  }
0xab: {  	s26 =	simm.s32 $execute0_lowered;
	[smem:$0x3FD2] =	sst s25  }
0xac: {  	s5 =	sshll.u32 s26, $0x1;
	_ =	strace $0x80000049;
	[dreg:$0x1] =	wrdreg $0xFFFFFFFF  }
0xad: {  	s28 =	simm.s32 $_size_execute0_lowered;
	s3 =	sadd.s32 s3, s5;
	[dreg:$0x0] =	wrdreg $0x0  }
0xae: {  	s5 =	sshll.u32 s28, $0x1;
	[dreg:$0x2] =	wrdreg s3  }
0xaf: {  	[dreg:$0x3] =	wrdreg s5  }
0xb0: {  	[dreg:$0x4] =	wrdreg $0xC0  }
0xb1: {  	_ =	task [dreg:s7], $0x5FFFF  }
0xb2: {  	[dreg:$0x1] =	wrdreg $0xFFFFFFFF  }
0xb3: {  	[dreg:$0x0] =	wrdreg $0x60  }
0xb4: {  	[dreg:$0x2] =	wrdreg s16  }
0xb5: {  	[dreg:$0x3] =	wrdreg s24  }
0xb6: {  	[dreg:$0x4] =	wrdreg $0x5A200  }
0xb7: {  	[dreg:$0x5] =	wrdreg $0x192A00  }
0xb8: {  	[dreg:$0x6] =	wrdreg $0x9  }
0xb9: {  	_ =	task.clear_ibuf [dreg:s7], $0x7FFFF;
	_ =	strace $0x90000049  }
0xba: {  	s29 =	simm.s32 $0x9;
	_ =	strace $0x8000004B  }
0xbb: {  	_ =	swait.ge [sflag:s29], $0x1  }
0xbc: {  	[sflag:s29] =	ssyncadd.s32 $0xFFFFFFFF  }
0xbd: {  	_ =	strace $0x9000004B  }
0xbe: {  	_ =	sfence  }
0xbf: {  	s30 =	sld [smem:$0x0];
	_ =	sdelay $0x2  }
0xc0: {  	s31 =	sshll.u32 s1, $0xD;
	s1 =	sshrl.u32 s1, $0x2  }
0xc1: {  	s3 =	sand.u32 $0x4000, s31;
	s1 =	sadd.s32 s1, s30  }
0xc2: {  	s0 =	sor.u32 s3, s0;
	s1 =	sshll.u32 s1, $0x11  }
0xc3: {  	s0 =	sor.u32 s1, s0  }
0xc4: {  	s0 =	sadd.s32 $0x8F2B, s0  }
0xc5: {  	[sflag:s0] =	ssyncadd.remote.s32 $0x1  }
0xc6: {  	_ =	sfence.sel $0xFFFF  }
0xc7: {  	[dreg:$0x0] =	wrdreg $0xFFFFFFFF;
	(pc) =	sbr.abs _section_cstart, $3  }
0xc8: {  	[dreg:$0x1] =	wrdreg $0xFFFFFFFF  }
0xc9: {  	_ =	task.clear_ibuf [dreg:s7], $0x2FFFF;
	_ =	strace $0x9FFFFFFF  }
0xca: {  	(tm) =	ssettm $0x7FFFFFFF  }
0xcb: {  	_ =	shalt  }
tec
execute0_lowered:
.L_overlay_start_1:
0x0: {  	(tag) =	ssettag $0x1  }
0x1: {  	s1 =	rddreg [dreg:$0x0]  }
0x2: {  	s0 =	rddreg [dreg:$0x1]  }
0x3: {  	s2 =	rddreg [dreg:$0x2]  }
0x4: {  	s3 =	rddreg [dreg:$0x3]  }
0x5: {  	s4 =	simm.s32 $0x0;
	s5 =	srdreg.scid;
	s19 =	stileid.u32  }
0x6: {  	s28 =	simm.s32 $0x40;
	s29 =	simm.s32 $0x80;
	s30 =	simm.s32 $0x1  }
0x7: {  	s31 =	simm.s32 $0x2480;
	[smem:$0x7FF] =	sst s4;
	s6 =	sadd.s32 $0x15A00, s0  }
0x8: {  	s7 =	sadd.s32 $0xBC00, s0;
	s8 =	sadd.s32 $0x1E00, s0;
	s5 =	sand.u32 $0x1, s5  }
0x9: {  	s9 =	sshll.u32 s19, $0x1;
	s12 =	sadd.s32 $0xBBC00, s0;
	s14 =	smul.u32 $0x270, s19  }
0xa: {  	s0 =	sadd.s32 $0xB1E00, s0;
	s15 =	sadd.s32 $0x138400, s2;
	s21 =	smul.u32 $0x4E000, s19  }
0xb: {  	s16 =	sadd.s32 $0x27080, s3;
	s24 =	smul.u32 $0x9C00, s19;
	p0 =	sne.s32 s19, $0xF  }
0xc: {  	_ =	strace $0x8000004A;
	s10 =	ssub.s32 $0x2, s5;
	[dreg:$0x5] =	wrdreg s15  }
0xd: {  	s9 =	sor.u32 s5, s9;
	[dreg:$0x6] =	wrdreg s16;
	s5 =	smul.u32 $0x2710, s5  }
0xe: {  	s11 =	sshrl.u32 s10, $0x1;
	s9 =	smul.u32 $0x2710, s9;
	s23 =	sshrl.u32 s21, $0x2  }
0xf: {  	s25 =	sshrl.u32 s24, $0x2;
	s24 =	simm.s32 $0x55A0;
	s13 =	ssub.s32 s10, s11  }
0x10: {  	s10 =	sadd.s32 $0x138000, s2;
	s11 =	sadd.s32 $0x27000, s3;
	s14 =	sadd.s32 s14, s5  }
0x11: {  	s5 =	sadd.s32 $0x2700, s5;
	s18 =	sadd.s32 $0x2700, s9;
	s22 =	sshll.u32 s14, $0x4  }
0x12: {  	s14 =	sshll.u32 s14, $0x1;
	s26 =	sshll.u32 s5, $0x4;
	s5 =	sshll.u32 s5, $0x1  }
0x13: {  	s20 =	sshrl.u32 s18, $0x3;
	s15 =	sshll.u32 s18, $0x1;
	s14 =	sadd.s32 s0, s14  }
0x14: {  	s18 =	sadd.s32 s23, s2;
	s17 =	sadd.s32 s7, s20;
	[dreg:$0xb] =	wrdreg s14  }
0x15: {  	s23 =	smax.u32 s13, $0x1;
	s16 =	sadd.s32 s8, s20;
	[dreg:$0x7] =	wrdreg s17  }
0x16: {  	s13 =	simm.s32 $0x10;
	s15 =	sadd.s32 s6, s15;
	[dreg:$0x8] =	wrdreg s16  }
0x17: {  	s20 =	sadd.s32 s25, s3;
	s25 =	simm.s32 $0x2;
	[dreg:$0x9] =	wrdreg s15  }
0x18: {  	s15 =	sadd.s32 s12, s22;
	s12 =	sadd.s32 s12, s26;
	s22 =	sadd.s32 s0, s5  }
0x19: {  	s26 =	simm.s32 $0x59A0;
	s0 =	simm.s32 $0x2080;
	[dreg:$0xa] =	wrdreg s15  }
0x1a: {  	v0 =	vimm.f32 $0.0e+00;
	s5 =	simm.s32 $0x4480;
	[dreg:$0xc] =	wrdreg s12;
	s12 =	simm.s32 $0x4490  }
.LBB2_1:
0x1b: {  	[tilespmem:$0x55A0] =	vst v0  }
0x1c: {  	[tilespmem:$0x55B0] =	vst v0  }
0x1d: {  	[tilespmem:$0x55C0] =	vst v0  }
0x1e: {  	[tilespmem:$0x55D0] =	vst v0  }
0x1f: {  	[tilespmem:$0x55E0] =	vst v0  }
0x20: {  	[tilespmem:$0x55F0] =	vst v0  }
0x21: {  	[tilespmem:$0x5600] =	vst v0  }
0x22: {  	[tilespmem:$0x5610] =	vst v0  }
0x23: {  	[tilespmem:$0x59A0] =	vst v0  }
0x24: {  	[tilespmem:$0x5620] =	vst v0  }
0x25: {  	[tilespmem:$0x5630] =	vst v0  }
0x26: {  	[tilespmem:$0x5640] =	vst v0  }
0x27: {  	[tilespmem:$0x5650] =	vst v0  }
0x28: {  	[tilespmem:$0x5660] =	vst v0  }
0x29: {  	[tilespmem:$0x5670] =	vst v0  }
0x2a: {  	[tilespmem:$0x5680] =	vst v0  }
0x2b: {  	[tilespmem:$0x5690] =	vst v0  }
0x2c: {  	[tilespmem:$0x59B0] =	vst v0  }
0x2d: {  	[tilespmem:$0x56A0] =	vst v0  }
0x2e: {  	[tilespmem:$0x56B0] =	vst v0  }
0x2f: {  	[tilespmem:$0x56C0] =	vst v0  }
0x30: {  	[tilespmem:$0x56D0] =	vst v0  }
0x31: {  	[tilespmem:$0x56E0] =	vst v0  }
0x32: {  	[tilespmem:$0x56F0] =	vst v0  }
0x33: {  	[tilespmem:$0x5700] =	vst v0  }
0x34: {  	[tilespmem:$0x5710] =	vst v0  }
0x35: {  	[tilespmem:$0x59C0] =	vst v0  }
0x36: {  	[tilespmem:$0x5720] =	vst v0  }
0x37: {  	[tilespmem:$0x5730] =	vst v0  }
0x38: {  	[tilespmem:$0x5740] =	vst v0  }
0x39: {  	[tilespmem:$0x5750] =	vst v0  }
0x3a: {  	[tilespmem:$0x5760] =	vst v0  }
0x3b: {  	[tilespmem:$0x5770] =	vst v0  }
0x3c: {  	[tilespmem:$0x5780] =	vst v0  }
0x3d: {  	[tilespmem:$0x5790] =	vst v0  }
0x3e: {  	[tilespmem:$0x59D0] =	vst v0  }
0x3f: {  	[tilespmem:$0x57A0] =	vst v0  }
0x40: {  	[tilespmem:$0x57B0] =	vst v0  }
0x41: {  	[tilespmem:$0x57C0] =	vst v0  }
0x42: {  	[tilespmem:$0x57D0] =	vst v0  }
0x43: {  	[tilespmem:$0x57E0] =	vst v0  }
0x44: {  	[tilespmem:$0x57F0] =	vst v0  }
0x45: {  	[tilespmem:$0x5800] =	vst v0  }
0x46: {  	[tilespmem:$0x5810] =	vst v0  }
0x47: {  	[tilespmem:$0x59E0] =	vst v0  }
0x48: {  	[tilespmem:$0x5820] =	vst v0  }
0x49: {  	[tilespmem:$0x5830] =	vst v0  }
0x4a: {  	[tilespmem:$0x5840] =	vst v0  }
0x4b: {  	[tilespmem:$0x5850] =	vst v0  }
0x4c: {  	[tilespmem:$0x5860] =	vst v0  }
0x4d: {  	[tilespmem:$0x5870] =	vst v0  }
0x4e: {  	[tilespmem:$0x5880] =	vst v0  }
0x4f: {  	[tilespmem:$0x5890] =	vst v0  }
0x50: {  	[tilespmem:$0x59F0] =	vst v0  }
0x51: {  	[tilespmem:$0x58A0] =	vst v0  }
0x52: {  	[tilespmem:$0x58B0] =	vst v0  }
0x53: {  	[tilespmem:$0x58C0] =	vst v0  }
0x54: {  	[tilespmem:$0x58D0] =	vst v0  }
0x55: {  	[tilespmem:$0x58E0] =	vst v0  }
0x56: {  	[tilespmem:$0x58F0] =	vst v0  }
0x57: {  	[tilespmem:$0x5900] =	vst v0  }
0x58: {  	[tilespmem:$0x5910] =	vst v0  }
0x59: {  	[tilespmem:$0x5A00] =	vst v0  }
0x5a: {  	[tilespmem:$0x5920] =	vst v0  }
0x5b: {  	[tilespmem:$0x5930] =	vst v0  }
0x5c: {  	[tilespmem:$0x5940] =	vst v0  }
0x5d: {  	[tilespmem:$0x5950] =	vst v0  }
0x5e: {  	[tilespmem:$0x5960] =	vst v0  }
0x5f: {  	[tilespmem:$0x5970] =	vst v0  }
0x60: {  	[tilespmem:$0x5980] =	vst v0  }
0x61: {  	[tilespmem:$0x5990] =	vst v0  }
0x62: {  	[tilespmem:$0x5A10] =	vst v0  }
0x63: {  	[spmem:s18] =	stream.linear.scatter [tilespmem:s24], [sflag:$0x2], $0x400, $0x38;
	[tilespmem:$0x1B9B0] =	vst v63  }
0x64: {  	_ =	swait.ge [sflag:s25], $0x400  }
0x65: {  	[sflag:s25] =	ssyncset.done $0x0  }
0x66: {  	s14 =	sadd.s32 $0x0, s20;
	[sflag:s25] =	ssyncadd.s32 $0xFFFFFC00  }
0x67: {  	[spmem:s14] =	stream.linear.scatter [tilespmem:s26], [sflag:$0x2], $0x80, $0x38;
	[tilespmem:$0x1B9B0] =	vst v63  }
0x68: {  	_ =	swait.ge [sflag:s25], $0x80  }
0x69: {  	s15 =	smov.u32 s18;
	s14 =	simm.s32 $0x200;
	[sflag:s25] =	ssyncset.done $0x0  }
.LBB2_2:
0x6a: {  	p1 =	sne.s32 s14, $0x9A00;
	[sflag:s25] =	ssyncadd.s32 $0xFFFFFF80;
	s15 =	sadd.s32 $0x400, s15  }
0x6b: {  	[spmem:s15] =	stream.linear.scatter [tilespmem:s24], [sflag:$0x2], $0x400, $0x38;
	[tilespmem:$0x1B9B0] =	vst v63  }
0x6c: {  	s16 =	smov.u32 s14;
	s14 =	sadd.s32 $0x200, s14;
	_ =	swait.ge [sflag:s25], $0x400  }
.Ltmp0:
0x6d: {  	s16 =	sshra.s32 s16, $0x2;
	[sflag:s25] =	ssyncset.done $0x0;
	(pc) =	sbr.rel @p1 .LBB2_2-.Ltmp0, $4  }
0x6e: {  	s16 =	sadd.s32 s16, s20;
	[sflag:s25] =	ssyncadd.s32 $0xFFFFFC00  }
0x6f: {  	[spmem:s16] =	stream.linear.scatter [tilespmem:s26], [sflag:$0x2], $0x80, $0x38;
	[tilespmem:$0x1B9B0] =	vst v63  }
0x70: {  	_ =	swait.ge [sflag:s25], $0x80  }
0x71: {  	[sflag:s25] =	ssyncset.done $0x0  }
0x72: {  	[sflag:s25] =	ssyncadd.s32 $0xFFFFFF80;
	s14 =	simm.s32 @!p0 $0x55A0;
	s15 =	simm.s32 @!p0 $0x2  }
0x73: {  	[spmem:s10] =	stream.linear.scatter @!p0 [tilespmem:s14], [sflag:$0x2], $0x400, $0x38;
	[tilespmem:$0x1B9B0] =	vst v63  }
0x74: {  	_ =	swait.ge @!p0 [sflag:s15], $0x400  }
0x75: {  	[sflag:s15] =	ssyncset.done @!p0 $0x0  }
0x76: {  	s16 =	simm.s32 @!p0 $0x59A0;
	[sflag:s15] =	ssyncadd.s32 @!p0 $0xFFFFFC00  }
0x77: {  	[spmem:s11] =	stream.linear.scatter @!p0 [tilespmem:s16], [sflag:$0x2], $0x80, $0x38;
	[tilespmem:$0x1B9B0] =	vst v63  }
0x78: {  	_ =	swait.ge @!p0 [sflag:s15], $0x80  }
0x79: {  	[sflag:s15] =	ssyncset.done @!p0 $0x0  }
0x7a: {  	s17 =	rddreg [dreg:$0x5];
	[sflag:s15] =	ssyncadd.s32 @!p0 $0xFFFFFF80  }
0x7b: {  	[spmem:s17] =	stream.linear.scatter @!p0 [tilespmem:s14], [sflag:$0x2], $0x400, $0x38;
	[tilespmem:$0x1B9B0] =	vst v63  }
0x7c: {  	_ =	swait.ge @!p0 [sflag:s15], $0x400  }
0x7d: {  	[sflag:s15] =	ssyncset.done @!p0 $0x0  }
0x7e: {  	s14 =	rddreg [dreg:$0x6];
	[sflag:s15] =	ssyncadd.s32 @!p0 $0xFFFFFC00  }
0x7f: {  	[spmem:s14] =	stream.linear.scatter @!p0 [tilespmem:s16], [sflag:$0x2], $0x80, $0x38;
	[tilespmem:$0x1B9B0] =	vst v63  }
0x80: {  	_ =	swait.ge @!p0 [sflag:s15], $0x80  }
0x81: {  	[sflag:s15] =	ssyncset.done @!p0 $0x0  }
0x82: {  	[sflag:s15] =	ssyncadd.s32 @!p0 $0xFFFFFF80  }
0x83: {  	s14 =	simm.s32 $0x0;
	s15 =	simm.s32 $0x0;
	[bflag:$0x0] =	sbarrier.arrive $0xFFFF  }
.LBB2_4:
0x84: {  	s16 =	sshll.u32 s15, $0x6  }
0x85: {  	s16 =	sadd.s32 s9, s16  }
0x86: {  	s17 =	sshrl.u32 s16, $0x3  }
0x87: {  	s19 =	sadd.s32 s7, s17  }
0x88: {  	[tilespmem:s14], [sflag:$0x2] =	stream.linear.gather [hbm4b:s19+s14], $0x40, $0x38;
	[tilespmem:$0x1B9B0] =	vst v63  }
0x89: {  	_ =	swait.ge [sflag:s25], $0x40  }
0x8a: {  	[sflag:s25] =	ssyncset.done $0x0  }
0x8b: {  	s17 =	sadd.s32 s8, s17;
	[sflag:s25] =	ssyncadd.s32 $0xFFFFFFC0  }
0x8c: {  	[tilespmem:s28], [sflag:$0x2] =	stream.linear.gather [hbm4b:s17+s14], $0x40, $0x38;
	[tilespmem:$0x1B9B0] =	vst v63  }
0x8d: {  	_ =	swait.ge [sflag:s25], $0x40  }
0x8e: {  	[sflag:s25] =	ssyncset.done $0x0  }
0x8f: {  	s16 =	sshll.u32 s16, $0x1;
	[sflag:s25] =	ssyncadd.s32 $0xFFFFFFC0  }
0x90: {  	[tilespmem:s29], [sflag:$0x1] =	stream.indirect.gather [hbm4b:s1+s28], $0x80, s14, s28, $0xb8;
	[tilespmem:$0x1B9B0] =	vst v63  }
0x91: {  	s16 =	sadd.s32 s6, s16;
	s17 =	simm.s32 $0x2080  }
0x92: {  	[tilespmem:s17], [sflag:$0x2] =	stream.linear.gather [hbm4b:s16+s14], $0x400, $0x38;
	[tilespmem:$0x1B9B0] =	vst v63  }
0x93: {  	_ =	swait.ge [sflag:s25], $0x400  }
0x94: {  	[sflag:s25] =	ssyncset.done $0x0  }
0x95: {  	[sflag:s25] =	ssyncadd.s32 $0xFFFFFC00  }
0x96: {  	_ =	swait.ge [sflag:s30], $0x2000  }
0x97: {  	[sflag:s30] =	ssyncset.done $0x0  }
0x98: {  	s16 =	simm.s32 $0x0;
	[sflag:s30] =	ssyncadd.s32 $0xFFFFE000  }
0x99: {  	v2 =	vld [tilespmem:s16+$0x80]  }
0x9a: {  	s19 =	simm.s32 $0x200;
	v1 =	vld [tilespmem:s17+$0x0]  }
.LBB2_5:
0x9b: {  	p1 =	sne.s32 s19, $0x7E00;
	v3 =	vld [tilespmem:s16+$0x90]  }
0x9c: {  	v4 =	vld [tilespmem:s16+$0xA0]  }
0x9d: {  	v5 =	vld [tilespmem:s16+$0xB0]  }
0x9e: {  	v6 =	vld [tilespmem:s16+$0xC0]  }
0x9f: {  	v7 =	vbroadcast v1, $0x0;
	v8 =	vbroadcast v1, $0x1;
	v9 =	vld [tilespmem:s16+$0xD0]  }
0xa0: {  	v10 =	vbroadcast v1, $0x2;
	v11 =	vbroadcast v1, $0x3;
	v12 =	vld [tilespmem:s16+$0xE0]  }
0xa1: {  	v2 =	vmul.f32 v7, v2;
	v3 =	vmul.f32 v3, v8;
	v7 =	vld [tilespmem:s16+$0xF0]  }
0xa2: {  	v4 =	vmul.f32 v4, v10;
	v5 =	vmul.f32 v5, v11  }
0xa3: {  	v8 =	vbroadcast v1, $0x5;
	[tilespmem:s16+$0x2480] =	vst v2;
	v2 =	vbroadcast v1, $0x4  }
0xa4: {  	[tilespmem:s16+$0x2490] =	vst v3;
	v3 =	vbroadcast v1, $0x6;
	v1 =	vbroadcast v1, $0x7  }
0xa5: {  	[tilespmem:s16+$0x24A0] =	vst v4;
	v2 =	vmul.f32 v6, v2;
	v4 =	vmul.f32 v9, v8  }
0xa6: {  	[tilespmem:s16+$0x24B0] =	vst v5;
	v3 =	vmul.f32 v12, v3;
	v1 =	vmul.f32 v7, v1  }
.Ltmp1:
0xa7: {  	[tilespmem:s16+$0x24C0] =	vst v2;
	(pc) =	sbr.rel @p1 .LBB2_5-.Ltmp1, $4  }
0xa8: {  	[tilespmem:s16+$0x24D0] =	vst v4  }
0xa9: {  	s21 =	sshra.s32 s19, $0x2;
	[tilespmem:s16+$0x24E0] =	vst v3  }
0xaa: {  	s17 =	sadd.s32 $0x10, s17;
	v2 =	vld [tilespmem:s21+$0x80];
	[tilespmem:s16+$0x24F0] =	vst v1;
	s16 =	smov.u32 s21  }
0xab: {  	s19 =	sadd.s32 $0x200, s19;
	v1 =	vld [tilespmem:s17+$0x0]  }
0xac: {  	_ =	sdelay $0x1  }
0xad: {  	v3 =	vld [tilespmem:s16+$0x90]  }
0xae: {  	v4 =	vld [tilespmem:s16+$0xA0]  }
0xaf: {  	v5 =	vld [tilespmem:s16+$0xB0];
	v7 =	vbroadcast v1, $0x0  }
0xb0: {  	v9 =	vld [tilespmem:s16+$0xD0];
	v8 =	vbroadcast v1, $0x1  }
0xb1: {  	v6 =	vld [tilespmem:s16+$0xC0];
	v10 =	vbroadcast v1, $0x2;
	v2 =	vmul.f32 v7, v2  }
0xb2: {  	v11 =	vld [tilespmem:s16+$0xE0];
	v60 =	vbroadcast v1, $0x3;
	v3 =	vmul.f32 v3, v8  }
0xb3: {  	v61 =	vld [tilespmem:s16+$0xF0];
	v62 =	vbroadcast v1, $0x5;
	v4 =	vmul.f32 v4, v10;
	[tilespmem:s16+$0x2480] =	vst v2  }
0xb4: {  	v5 =	vmul.f32 v5, v60;
	v2 =	vbroadcast v1, $0x4;
	[tilespmem:s16+$0x2490] =	vst v3  }
0xb5: {  	v63 =	vmul.f32 v9, v62;
	v3 =	vbroadcast v1, $0x6;
	[tilespmem:s16+$0x24A0] =	vst v4  }
0xb6: {  	v1 =	vbroadcast v1, $0x7;
	[tilespmem:s16+$0x24B0] =	vst v5;
	v2 =	vmul.f32 v6, v2  }
0xb7: {  	[tilespmem:s16+$0x24D0] =	vst v63;
	v3 =	vmul.f32 v11, v3  }
0xb8: {  	v1 =	vmul.f32 v61, v1;
	[tilespmem:s16+$0x24C0] =	vst v2  }
0xb9: {  	[tilespmem:s16+$0x24E0] =	vst v3  }
0xba: {  	[tilespmem:s16+$0x24F0] =	vst v1  }
0xbb: {  	[spmem:s2] =	stream.indirect.scatter.add.f32 [tilespmem:s31], [sflag:$0x2], $0x80, s28, s28, $0xb8;
	[tilespmem:$0x1B9B0] =	vst v63  }
0xbc: {  	s15 =	sadd.s32 $0x1, s15;
	_ =	swait.ge [sflag:s25], $0x2000  }
0xbd: {  	p1 =	sne.s32 s15, $0x9C;
	[sflag:s25] =	ssyncset.done $0x0  }
.Ltmp2:
0xbe: {  	[sflag:s25] =	ssyncadd.s32 $0xFFFFE000;
	(pc) =	sbr.rel @p1 .LBB2_4-.Ltmp2, $4  }
0xbf: {  	[spmem:s3] =	stream.indirect.scatter.add.f32 [tilespmem:s0], [sflag:$0x2], $0x10, s28, s28, $0xb8;
	[tilespmem:$0x1B9B0] =	vst v63  }
0xc0: {  	_ =	swait.ge [sflag:s25], $0x400  }
0xc1: {  	[sflag:s25] =	ssyncset.done $0x0  }
0xc2: {  	[sflag:s25] =	ssyncadd.s32 $0xFFFFFC00  }
0xc3: {  	s14 =	simm.s32 $0x0;
	s15 =	rddreg [dreg:$0x7]  }
0xc4: {  	[tilespmem:s5], [sflag:$0x2] =	stream.linear.gather [hbm4b:s15+s14], $0x10, $0x38;
	[tilespmem:$0x1B9B0] =	vst v63  }
0xc5: {  	_ =	swait.ge [sflag:s25], $0x10  }
0xc6: {  	[sflag:s25] =	ssyncset.done $0x0  }
0xc7: {  	s19 =	rddreg [dreg:$0x8];
	[sflag:s25] =	ssyncadd.s32 $0xFFFFFFF0  }
0xc8: {  	[tilespmem:s12], [sflag:$0x2] =	stream.linear.gather [hbm4b:s19+s14], $0x10, $0x38;
	[tilespmem:$0x1B9B0] =	vst v63  }
0xc9: {  	_ =	swait.ge [sflag:s25], $0x10  }
0xca: {  	[sflag:s25] =	ssyncset.done $0x0  }
0xcb: {  	s21 =	simm.s32 $0x44A0;
	[sflag:s25] =	ssyncadd.s32 $0xFFFFFFF0  }
0xcc: {  	[tilespmem:s21], [sflag:$0x1] =	stream.indirect.gather [hbm4b:s1+s13], $0x80, s5, s13, $0xb8;
	[tilespmem:$0x1B9B0] =	vst v63  }
0xcd: {  	s15 =	simm.s32 $0x4CA0;
	s16 =	rddreg [dreg:$0x9]  }
0xce: {  	[tilespmem:s15], [sflag:$0x2] =	stream.linear.gather [hbm4b:s16+s14], $0x100, $0x38;
	[tilespmem:$0x1B9B0] =	vst v63  }
0xcf: {  	_ =	swait.ge [sflag:s25], $0x100  }
0xd0: {  	[sflag:s25] =	ssyncset.done $0x0  }
0xd1: {  	[sflag:s25] =	ssyncadd.s32 $0xFFFFFF00  }
0xd2: {  	_ =	swait.ge [sflag:s30], $0x800  }
0xd3: {  	[sflag:s30] =	ssyncset.done $0x0  }
0xd4: {  	s14 =	simm.s32 $0x0;
	[sflag:s30] =	ssyncadd.s32 $0xFFFFF800  }
0xd5: {  	v2 =	vld [tilespmem:s14+$0x44A0]  }
0xd6: {  	s16 =	simm.s32 $0x200;
	v1 =	vld [tilespmem:s15+$0x0]  }
.LBB2_8:
0xd7: {  	p1 =	sne.s32 s16, $0x1E00;
	v3 =	vld [tilespmem:s14+$0x44B0]  }
0xd8: {  	v4 =	vld [tilespmem:s14+$0x44C0]  }
0xd9: {  	v5 =	vld [tilespmem:s14+$0x44D0]  }
0xda: {  	v6 =	vld [tilespmem:s14+$0x44E0]  }
0xdb: {  	v7 =	vbroadcast v1, $0x0;
	v8 =	vbroadcast v1, $0x1;
	v9 =	vld [tilespmem:s14+$0x44F0]  }
0xdc: {  	v10 =	vbroadcast v1, $0x2;
	v11 =	vbroadcast v1, $0x3;
	v12 =	vld [tilespmem:s14+$0x4500]  }
0xdd: {  	v2 =	vmul.f32 v7, v2;
	v3 =	vmul.f32 v3, v8;
	v7 =	vld [tilespmem:s14+$0x4510]  }
0xde: {  	v4 =	vmul.f32 v4, v10;
	v5 =	vmul.f32 v5, v11  }
0xdf: {  	v8 =	vbroadcast v1, $0x5;
	[tilespmem:s14+$0x4DA0] =	vst v2;
	v2 =	vbroadcast v1, $0x4  }
0xe0: {  	[tilespmem:s14+$0x4DB0] =	vst v3;
	v3 =	vbroadcast v1, $0x6;
	v1 =	vbroadcast v1, $0x7  }
0xe1: {  	[tilespmem:s14+$0x4DC0] =	vst v4;
	v2 =	vmul.f32 v6, v2;
	v4 =	vmul.f32 v9, v8  }
0xe2: {  	[tilespmem:s14+$0x4DD0] =	vst v5;
	v3 =	vmul.f32 v12, v3;
	v1 =	vmul.f32 v7, v1  }
.Ltmp3:
0xe3: {  	[tilespmem:s14+$0x4DE0] =	vst v2;
	(pc) =	sbr.rel @p1 .LBB2_8-.Ltmp3, $4  }
0xe4: {  	[tilespmem:s14+$0x4DF0] =	vst v4  }
0xe5: {  	s17 =	sshra.s32 s16, $0x2;
	[tilespmem:s14+$0x4E00] =	vst v3  }
0xe6: {  	s15 =	sadd.s32 $0x10, s15;
	v2 =	vld [tilespmem:s17+$0x44A0];
	[tilespmem:s14+$0x4E10] =	vst v1;
	s14 =	smov.u32 s17  }
0xe7: {  	s16 =	sadd.s32 $0x200, s16;
	v1 =	vld [tilespmem:s15+$0x0]  }
0xe8: {  	_ =	sdelay $0x1  }
0xe9: {  	v3 =	vld [tilespmem:s14+$0x44B0]  }
0xea: {  	v4 =	vld [tilespmem:s14+$0x44C0]  }
0xeb: {  	v5 =	vld [tilespmem:s14+$0x44D0];
	v7 =	vbroadcast v1, $0x0  }
0xec: {  	v9 =	vld [tilespmem:s14+$0x44F0];
	v8 =	vbroadcast v1, $0x1  }
0xed: {  	v6 =	vld [tilespmem:s14+$0x44E0];
	v10 =	vbroadcast v1, $0x2;
	v2 =	vmul.f32 v7, v2  }
0xee: {  	v11 =	vld [tilespmem:s14+$0x4500];
	v60 =	vbroadcast v1, $0x3;
	v3 =	vmul.f32 v3, v8  }
0xef: {  	v61 =	vld [tilespmem:s14+$0x4510];
	v62 =	vbroadcast v1, $0x5;
	v4 =	vmul.f32 v4, v10;
	[tilespmem:s14+$0x4DA0] =	vst v2  }
0xf0: {  	v5 =	vmul.f32 v5, v60;
	v2 =	vbroadcast v1, $0x4;
	[tilespmem:s14+$0x4DB0] =	vst v3  }
0xf1: {  	v63 =	vmul.f32 v9, v62;
	v3 =	vbroadcast v1, $0x6;
	[tilespmem:s14+$0x4DC0] =	vst v4  }
0xf2: {  	v1 =	vbroadcast v1, $0x7;
	[tilespmem:s14+$0x4DD0] =	vst v5;
	v2 =	vmul.f32 v6, v2  }
0xf3: {  	[tilespmem:s14+$0x4DF0] =	vst v63;
	v3 =	vmul.f32 v11, v3  }
0xf4: {  	v1 =	vmul.f32 v61, v1;
	[tilespmem:s14+$0x4DE0] =	vst v2  }
0xf5: {  	[tilespmem:s14+$0x4E00] =	vst v3  }
0xf6: {  	s15 =	simm.s32 $0x4DA0;
	[tilespmem:s14+$0x4E10] =	vst v1  }
0xf7: {  	[spmem:s2] =	stream.indirect.scatter.add.f32 [tilespmem:s15], [sflag:$0x2], $0x80, s12, s13, $0xb8;
	[tilespmem:$0x1B9B0] =	vst v63  }
0xf8: {  	_ =	swait.ge [sflag:s25], $0x800  }
0xf9: {  	[sflag:s25] =	ssyncset.done $0x0  }
0xfa: {  	s16 =	simm.s32 $0x4CA0;
	[sflag:s25] =	ssyncadd.s32 $0xFFFFF800  }
0xfb: {  	[spmem:s3] =	stream.indirect.scatter.add.f32 [tilespmem:s16], [sflag:$0x2], $0x10, s12, s13, $0xb8;
	[tilespmem:$0x1B9B0] =	vst v63  }
0xfc: {  	_ =	swait.ge [sflag:s25], $0x100  }
0xfd: {  	[sflag:s25] =	ssyncset.done $0x0  }
0xfe: {  	s17 =	stileid.u32;
	[sflag:s25] =	ssyncadd.s32 $0xFFFFFF00  }
0xff: {  	s14 =	sshll.u32 s17, $0x6;
	[bflag:$0x0] =	sbarrier.arrive $0xFFFF  }
0x100: {  	s14 =	sor.u32 $0x1C02, s14;
	s15 =	sshrl.u32 s18, $0x3;
	s16 =	rddreg [dreg:$0xa]  }
0x101: {  	[hbm:s16], [sflag:s14] =	dma.local [spmem:s15], $0x2700  }
0x102: {  	_ =	swait.ge [sflag:s25], $0x2700  }
0x103: {  	[sflag:s25] =	ssyncset.done $0x0  }
0x104: {  	s19 =	sshrl.u32 s20, $0x3;
	s21 =	rddreg [dreg:$0xb];
	[sflag:s25] =	ssyncadd.s32 $0xFFFFD900  }
0x105: {  	[hbm:s21], [sflag:s14] =	dma.local [spmem:s19], $0x4E0  }
0x106: {  	_ =	swait.ge [sflag:s25], $0x4E0  }
0x107: {  	[sflag:s25] =	ssyncset.done $0x0  }
0x108: {  	s15 =	sshrl.u32 @!p0 s10, $0x3;
	s16 =	rddreg [dreg:$0xc];
	[sflag:s25] =	ssyncadd.s32 $0xFFFFFB20  }
0x109: {  	[hbm:s16], [sflag:s14] =	dma.local @!p0 [spmem:s15], $0x100  }
0x10a: {  	s15 =	simm.s32 @!p0 $0x2  }
0x10b: {  	s4 =	sadd.s32 $0x1, s4;
	_ =	swait.ge @!p0 [sflag:s15], $0x100  }
0x10c: {  	p1 =	sne.s32 s4, s23;
	[sflag:s15] =	ssyncset.done @!p0 $0x0  }
.Ltmp4:
0x10d: {  	s16 =	sshrl.u32 @!p0 s11, $0x3;
	[sflag:s15] =	ssyncadd.s32 @!p0 $0xFFFFFF00;
	(pc) =	sbr.rel @p1 .LBB2_1-.Ltmp4, $4  }
0x10e: {  	[hbm:s22], [sflag:s14] =	dma.local @!p0 [spmem:s16], $0x20  }
0x10f: {  	_ =	swait.ge @!p0 [sflag:s15], $0x20  }
0x110: {  	[sflag:s15] =	ssyncset.done @!p0 $0x0  }
0x111: {  	[sflag:s15] =	ssyncadd.s32 @!p0 $0xFFFFFFE0  }
0x112: {  	_ =	sfence.sel $0x180000  }
0x113: {  	[bflag:$0x0] =	sbarrier.arrive $0xFFFF  }
0x114: {  	_ =	strace $0x9000004A  }
0x115: {  	s0 =	stileid.u32;
	[bflag:$0x2] =	sbarrier.arrive $0xFFFF  }
0x116: {  	p0 =	sne.s32 s0, $0x0;
	s0 =	rddreg [dreg:$0x4]  }
0x117: {  	s0 =	sadd.s32 @!p0 $0x100000, s0  }
0x118: {  	[sflag:s0] =	ssyncadd.tile.s32 @!p0 $0x1;
	_ =	shalt  }
.Lfunc_end2:
_tile_overlayer_lowered:
.L_overlay_start_2:
0x119: {  	(tag) =	ssettag $0x2  }
0x11a: {  	s0 =	rddreg [dreg:$0x0];
	s2 =	stileid.u32  }
0x11b: {  	s1 =	rddreg [dreg:$0x1];
	p0 =	sne.s32 s2, $0x0  }
0x11c: {  	s3 =	rddreg [dreg:$0x2];
	[bflag:$0x3] =	sbarrier.arrive $0xFFFF;
	s2 =	simm.s32 @!p0 $0x1C02  }
0x11d: {  	[timem:s3], [sflag:s2] =	dma.local @!p0 [hbm:s0], s1  }
0x11e: {  	s0 =	simm.s32 @!p0 $0x2  }
0x11f: {  	_ =	swait.ge @!p0 [sflag:s0], s1  }
0x120: {  	s1 =	ssub.s32 @!p0 $0x0, s1;
	[sflag:s0] =	ssyncset.done @!p0 $0x0  }
0x121: {  	[sflag:s0] =	ssyncadd.s32 @!p0 s1  }
0x122: {  	[bflag:$0x3] =	sbarrier.arrive $0xFFFF  }
0x123: {  	_ =	shalt  }

// kernel: kernel.7.cloned.1.call-start
scs
__scs_entry_jumppad:
0x0: {  	(pc) =	sbr.rel $0x88, $3  }
0x1: {  	(tag) =	ssettag $0x0;
	lr =	simm.s32 $0x1  }
0x2: {  	[smem:$0x3F9A] =	sst lr;
	_ =	strace $0xD0000000  }
0x3: {  	_ = 	snop  }
0x4: {  	_ = 	snop  }
0x5: {  	_ = 	snop  }
0x6: {  	_ = 	snop  }
0x7: {  	_ = 	snop  }
__scs_overlays_trampoline_lowered:
0x8: {  	[smem:$0x3FA9] =	sst s0  }
0x9: {  	[smem:$0x3FAA] =	sst s1  }
0xa: {  	[smem:$0x3FAB] =	sst s2  }
0xb: {  	[smem:$0x3FAC] =	sst s3  }
0xc: {  	[smem:$0x3FAD] =	sst s4  }
0xd: {  	[smem:$0x3FAE] =	sst s5  }
0xe: {  	[smem:$0x3FAF] =	sst s6  }
0xf: {  	[smem:$0x3FB0] =	sst s7  }
0x10: {  	[smem:$0x3FB1] =	sst s8  }
0x11: {  	[smem:$0x3FB2] =	sst s9;
	s0 =	simm.s32 @!p0 $0x0  }
0x12: {  	s1 =	sld [smem:$0x3F98];
	s0 =	simm.s32 @p0 $0x1  }
0x13: {  	[smem:$0x3FB3] =	sst s0;
	s0 =	simm.s32 @!p1 $0x0  }
0x14: {  	s2 =	sld [smem:$0x3F97];
	s0 =	simm.s32 @p1 $0x1  }
0x15: {  	[smem:$0x3FB4] =	sst s0;
	s0 =	simm.s32 @!p2 $0x0  }
0x16: {  	s3 =	sld [smem:$0x3FDB];
	s0 =	simm.s32 @p2 $0x1  }
0x17: {  	s4 =	simm.s32 $0x1BF5;
	[smem:$0x3FB6] =	sst s0  }
0x18: {  	s0 =	sld [smem:$0x3F99];
	_ =	swait.ge [sflag:s4], $0x0  }
0x19: {  	s7 =	sld [smem:$0x3F9A]  }
0x1a: {  	s8 =	sadd.s32 $0xFFFFE003, lr  }
0x1b: {  	s9 =	sadd.s32 $0xFFFFFEF7, lr;
	s5 =	simm.s32 $0xFFFFFFFF;
	p2 =	slt.u32 s8, $0xFFFFF086  }
0x1c: {  	p1 =	slt.u32 s9, $0xF7A;
	s5 =	simm.s32 @!p2 $0x0  }
0x1d: {  	s5 =	simm.s32 @p1 $0x1;
	p0 =	seq.s32 s7, s2  }
0x1e: {  	s7 =	smul.u32 @!p0 $0xF7A, s2;
	p2 =	seq.s32 @!p0 s5, $0x0  }
0x1f: {  	s9 =	smul.u32 $0xF7A, s1;
	s8 =	simm.s32 @!p0 $0x1BF5;
	p2 =	por !p2, p0  }
0x20: {  	[sflag:s8] =	ssyncset.s32 @!p0 $0xFFFFF086;
	s6 =	sadd.s32 @!p0 s3, s7;
	s7 =	simm.s32 @!p0 $0x108  }
0x21: {  	s3 =	sadd.s32 s3, s9;
	s6 =	sadd.s32 @!p0 $0x88, s6;
	s7 =	simm.s32 @p2 $0x1082  }
0x22: {  	[simem:s7], [sflag:s8] =	dma.local @!p0 [hbm:s6], $0xF7A  }
0x23: {  	s9 =	sor.u32 $0xD0000000, s2;
	s6 =	simm.s32 $0x108;
	_ =	swait.ge @!p0 [sflag:s8], $0x0  }
0x24: {  	s3 =	sadd.s32 $0x88, s3;
	s6 =	simm.s32 @!p1 $0x1082;
	[sflag:s4] =	ssyncset.s32 $0xFFFFF086  }
0x25: {  	[simem:s6], [sflag:s4] =	dma.local [hbm:s3], $0xF7A  }
0x26: {  	[smem:$0x3F9A] =	sst s1;
	(tag) =	ssettag s2;
	_ =	strace s9  }
0x27: {  	s1 =	sld [smem:$0x3FAA]  }
0x28: {  	s2 =	sld [smem:$0x3FAB]  }
0x29: {  	s4 =	sld [smem:$0x3FAD]  }
0x2a: {  	p0 =	seq.s32 s5, $0x0;
	s5 =	sld [smem:$0x3FAE]  }
0x2b: {  	s6 =	sld [smem:$0x3FAF]  }
0x2c: {  	s7 =	sld [smem:$0x3FB0]  }
0x2d: {  	s3 =	simm.s32 $0x108;
	s8 =	sld [smem:$0x3FB1]  }
0x2e: {  	s3 =	simm.s32 @!p0 $0x1082;
	s9 =	sld [smem:$0x3FB2]  }
0x2f: {  	lr =	sadd.s32 s0, s3;
	s0 =	sld [smem:$0x3FA9]  }
0x30: {  	s3 =	sld [smem:$0x3FAC]  }
0x31: {  	[smem:$0x3FB5] =	sst s10  }
0x32: {  	s10 =	sld [smem:$0x3FB3];
	_ =	sdelay $0x3  }
0x33: {  	p0 =	seq.s32 s10, $0x1;
	s10 =	sld [smem:$0x3FB5];
	_ =	sdelay $0x3  }
0x34: {  	[smem:$0x3FB5] =	sst s10  }
0x35: {  	s10 =	sld [smem:$0x3FB4];
	_ =	sdelay $0x3  }
0x36: {  	p1 =	seq.s32 s10, $0x1;
	s10 =	sld [smem:$0x3FB5];
	_ =	sdelay $0x3  }
0x37: {  	[smem:$0x3FB5] =	sst s10  }
0x38: {  	s10 =	sld [smem:$0x3FB6]  }
0x39: {  	_ = 	snop;
	(pc) =	sbr.ind lr, $3  }
0x3a: {  	_ = 	snop  }
0x3b: {  	_ = 	snop  }
0x3c: {  	p2 =	seq.s32 s10, $0x1;
	s10 =	sld [smem:$0x3FB5]  }
0x3d: {  	_ =	shalt  }
0x3e: {  	_ =	shalt  }
0x3f: {  	_ =	shalt  }
0x40: {  	_ =	shalt  }
0x41: {  	_ =	shalt  }
0x42: {  	_ =	shalt  }
0x43: {  	_ =	shalt  }
0x44: {  	_ =	shalt  }
0x45: {  	_ =	shalt  }
0x46: {  	_ =	shalt  }
0x47: {  	_ =	shalt  }
0x48: {  	_ =	shalt  }
0x49: {  	_ =	shalt  }
0x4a: {  	_ =	shalt  }
0x4b: {  	_ =	shalt  }
0x4c: {  	_ =	shalt  }
0x4d: {  	_ =	shalt  }
0x4e: {  	_ =	shalt  }
0x4f: {  	_ =	shalt  }
0x50: {  	_ =	shalt  }
0x51: {  	_ =	shalt  }
0x52: {  	_ =	shalt  }
0x53: {  	_ =	shalt  }
0x54: {  	_ =	shalt  }
0x55: {  	_ =	shalt  }
0x56: {  	_ =	shalt  }
0x57: {  	_ =	shalt  }
0x58: {  	_ =	shalt  }
0x59: {  	_ =	shalt  }
0x5a: {  	_ =	shalt  }
0x5b: {  	_ =	shalt  }
0x5c: {  	_ =	shalt  }
0x5d: {  	_ =	shalt  }
0x5e: {  	_ =	shalt  }
0x5f: {  	_ =	shalt  }
0x60: {  	_ =	shalt  }
0x61: {  	_ =	shalt  }
0x62: {  	_ =	shalt  }
0x63: {  	_ =	shalt  }
0x64: {  	_ =	shalt  }
0x65: {  	_ =	shalt  }
0x66: {  	_ =	shalt  }
0x67: {  	_ =	shalt  }
0x68: {  	_ =	shalt  }
0x69: {  	_ =	shalt  }
0x6a: {  	_ =	shalt  }
0x6b: {  	_ =	shalt  }
0x6c: {  	_ =	shalt  }
0x6d: {  	_ =	shalt  }
0x6e: {  	_ =	shalt  }
0x6f: {  	_ =	shalt  }
0x70: {  	_ =	shalt  }
0x71: {  	_ =	shalt  }
0x72: {  	_ =	shalt  }
0x73: {  	_ =	shalt  }
0x74: {  	_ =	shalt  }
0x75: {  	_ =	shalt  }
0x76: {  	_ =	shalt  }
0x77: {  	_ =	shalt  }
0x78: {  	_ =	shalt  }
0x79: {  	_ =	shalt  }
0x7a: {  	_ =	shalt  }
0x7b: {  	_ =	shalt  }
0x7c: {  	_ =	shalt  }
0x7d: {  	_ =	shalt  }
0x7e: {  	_ =	shalt  }
0x7f: {  	_ =	shalt  }
0x80: {  	_ =	shalt  }
0x81: {  	_ =	shalt  }
0x82: {  	_ =	shalt  }
0x83: {  	_ =	shalt  }
0x84: {  	_ =	shalt  }
0x85: {  	_ =	shalt  }
0x86: {  	_ =	shalt  }
0x87: {  	_ =	shalt  }
.Lfunc_end0:
.L_simem_size_0:
called_computation_lowered:
.L_overlay_start_0:
0x88: {  	s2 =	sld [smem:$0x3FD9]  }
0x89: {  	s3 =	sld [smem:$0x3FFE];
	_ =	sdelay $0x1  }
0x8a: {  	s1 =	srdreg.scid  }
0x8b: {  	s0 =	sand.u32 $0x1, s1  }
0x8c: {  	s14 =	sshll.u32 s0, $0xA;
	s2 =	sadd.s32 s3, s2  }
0x8d: {  	s2 =	sadd.s32 s2, s14  }
0x8e: {  	[smem:$0x3FC1] =	sst s2  }
0x8f: {  	_ = 	snop  }
0x90: {  	s2 =	sld [smem:$0x3FD0];
	_ =	sdelay $0x2  }
0x91: {  	s15 =	simm.s32 $0xA;
	s4 =	simm.s32 $0x10  }
0x92: {  	[smem:s4], [sflag:s15] =	dma.local [hbm:s2], $0x1  }
0x93: {  	_ =	swait.eq [sflag:s15], $0x1  }
0x94: {  	[sflag:s15] =	ssyncset.done $0x0  }
0x95: {  	[sflag:s15] =	ssyncadd.s32 $0xFFFFFFFF  }
0x96: {  	s16 =	sld [smem:$0x11];
	(tm) =	ssettm $0x1  }
0x97: {  	s17 =	sld [smem:$0x3FFB];
	_ =	sdelay $0x3  }
0x98: {  	_ =	strace s17  }
0x99: {  	s3 =	sld [smem:$0x3FFC];
	_ =	sdelay $0x3  }
0x9a: {  	_ =	strace s3  }
0x9b: {  	s3 =	sld [smem:$0x3FFD];
	_ =	sdelay $0x3  }
0x9c: {  	_ =	strace s3  }
0x9d: {  	_ =	strace $0x8FFFFFFF  }
0x9e: {  	s18 =	sld [smem:$0x3FDB];
	_ =	sdelay $0x1  }
0x9f: {  	s19 =	simm.s32 $_scs_section_size  }
0xa0: {  	s5 =	simm.s32 $_size__tile_overlayer_lowered;
	s6 =	simm.s32 $_tile_overlayer_lowered  }
0xa1: {  	s22 =	simm.s32 $0x1BFF;
	s21 =	sshll.u32 s6, $0x1;
	s3 =	sadd.s32 s19, s18  }
0xa2: {  	s7 =	simm.s32 $0x0;
	s20 =	sshll.u32 s5, $0x1;
	s5 =	sadd.s32 s21, s3  }
0xa3: {  	[timem:s7], [sflag:s22] =	dma.local [hbm:s5], s20  }
0xa4: {  	_ =	swait.ge [sflag:s22], s20  }
0xa5: {  	s4 =	ssub.s32 $0x0, s20;
	[sflag:s22] =	ssyncset.done $0x0  }
0xa6: {  	[sflag:s22] =	ssyncadd.s32 s4;
	_ =	sdelay $0x1  }
0xa7: {  	s23 =	simm.s32 $0x1B8B  }
0xa8: {  	_ =	swait.ge [sflag:s23], $0x1  }
0xa9: {  	[sflag:s23] =	ssyncset.done $0x0  }
0xaa: {  	s25 =	simm.s32 $0x1B8E;
	s24 =	sld [smem:$0x3FFE];
	[sflag:s23] =	ssyncadd.s32 $0xFFFFFFFF  }
0xab: {  	s26 =	simm.s32 $execute0_lowered;
	[smem:$0x3FD2] =	sst s25  }
0xac: {  	s5 =	sshll.u32 s26, $0x1;
	_ =	strace $0x80000046;
	[dreg:$0x1] =	wrdreg $0xFFFFFFFF  }
0xad: {  	s28 =	simm.s32 $_size_execute0_lowered;
	s3 =	sadd.s32 s3, s5;
	[dreg:$0x0] =	wrdreg $0x0  }
0xae: {  	s5 =	sshll.u32 s28, $0x1;
	[dreg:$0x2] =	wrdreg s3  }
0xaf: {  	[dreg:$0x3] =	wrdreg s5  }
0xb0: {  	[dreg:$0x4] =	wrdreg $0xC0  }
0xb1: {  	_ =	task [dreg:s7], $0x5FFFF  }
0xb2: {  	[dreg:$0x1] =	wrdreg $0xFFFFFFFF  }
0xb3: {  	[dreg:$0x0] =	wrdreg $0x60  }
0xb4: {  	[dreg:$0x2] =	wrdreg s16  }
0xb5: {  	[dreg:$0x3] =	wrdreg s24  }
0xb6: {  	[dreg:$0x4] =	wrdreg $0x9  }
0xb7: {  	_ =	task.clear_ibuf [dreg:s7], $0x5FFFF;
	_ =	strace $0x90000046  }
0xb8: {  	s29 =	simm.s32 $0x9;
	_ =	strace $0x80000048  }
0xb9: {  	_ =	swait.ge [sflag:s29], $0x1  }
0xba: {  	[sflag:s29] =	ssyncadd.s32 $0xFFFFFFFF  }
0xbb: {  	_ =	strace $0x90000048  }
0xbc: {  	_ =	sfence  }
0xbd: {  	s30 =	sld [smem:$0x0];
	_ =	sdelay $0x2  }
0xbe: {  	s31 =	sshll.u32 s1, $0xD;
	s1 =	sshrl.u32 s1, $0x2  }
0xbf: {  	s3 =	sand.u32 $0x4000, s31;
	s1 =	sadd.s32 s1, s30  }
0xc0: {  	s0 =	sor.u32 s3, s0;
	s1 =	sshll.u32 s1, $0x11  }
0xc1: {  	s0 =	sor.u32 s1, s0  }
0xc2: {  	s0 =	sadd.s32 $0x8F2B, s0  }
0xc3: {  	[sflag:s0] =	ssyncadd.remote.s32 $0x1  }
0xc4: {  	_ =	sfence.sel $0xFFFF  }
0xc5: {  	[dreg:$0x0] =	wrdreg $0xFFFFFFFF;
	(pc) =	sbr.abs _section_cstart, $3  }
0xc6: {  	[dreg:$0x1] =	wrdreg $0xFFFFFFFF  }
0xc7: {  	_ =	task.clear_ibuf [dreg:s7], $0x2FFFF;
	_ =	strace $0x9FFFFFFF  }
0xc8: {  	(tm) =	ssettm $0x7FFFFFFF  }
0xc9: {  	_ =	shalt  }
tec
execute0_lowered:
.L_overlay_start_1:
0x0: {  	(tag) =	ssettag $0x1  }
0x1: {  	s2 =	rddreg [dreg:$0x0]  }
0x2: {  	s0 =	rddreg [dreg:$0x1];
	s1 =	srdreg.scid  }
0x3: {  	s4 =	stileid.u32;
	s3 =	simm.s32 $0x0;
	s13 =	simm.s32 $0x2  }
0x4: {  	s14 =	simm.s32 $0x80;
	s15 =	simm.s32 $0x100;
	s16 =	simm.s32 $0x4100  }
0x5: {  	s17 =	simm.s32 $0x1;
	s18 =	simm.s32 $0x8100;
	s19 =	simm.s32 $0xC100  }
0x6: {  	s20 =	simm.s32 $0xC110;
	s21 =	simm.s32 $0x10;
	s24 =	simm.s32 $0xD120  }
0x7: {  	s25 =	simm.s32 $0x0;
	s1 =	sand.u32 $0x1, s1;
	s4 =	sshll.u32 s4, $0x1  }
0x8: {  	[smem:$0x7FF] =	sst s3;
	s5 =	sadd.s32 $0x15A00, s0;
	s4 =	sor.u32 s1, s4  }
0x9: {  	s6 =	sadd.s32 $0xBC00, s0;
	s1 =	ssub.s32 $0x2, s1;
	s4 =	smul.u32 $0x2710, s4  }
0xa: {  	s7 =	sadd.s32 $0x1E00, s0;
	s8 =	sadd.s32 $0x3CC00, s0;
	s9 =	sshrl.u32 s1, $0x1  }
0xb: {  	_ =	strace $0x80000047;
	s29 =	ssub.s32 s1, s9;
	s11 =	sadd.s32 $0x2700, s4  }
0xc: {  	s12 =	smax.u32 s29, $0x1;
	s30 =	sshrl.u32 s11, $0x3;
	s31 =	sshll.u32 s11, $0x4  }
0xd: {  	s9 =	sadd.s32 s6, s30;
	s10 =	sadd.s32 s7, s30;
	s11 =	sadd.s32 s8, s31  }
.LBB2_1:
0xe: {  	s26 =	simm.s32 $0x0  }
.LBB2_2:
0xf: {  	s0 =	sshll.u32 s26, $0x7  }
0x10: {  	s28 =	sadd.s32 s4, s0  }
0x11: {  	s0 =	sshrl.u32 s28, $0x3  }
0x12: {  	s1 =	sadd.s32 s6, s0  }
0x13: {  	[tilespmem:s3], [sflag:$0x2] =	stream.linear.gather [hbm4b:s1+s3], $0x80, $0x38;
	[tilespmem:$0xD920] =	vst v63  }
0x14: {  	_ =	swait.ge [sflag:s13], $0x80  }
0x15: {  	[sflag:s13] =	ssyncset.done $0x0  }
0x16: {  	s0 =	sadd.s32 s7, s0;
	[sflag:s13] =	ssyncadd.s32 $0xFFFFFF80  }
0x17: {  	[tilespmem:s14], [sflag:$0x2] =	stream.linear.gather [hbm4b:s0+s3], $0x80, $0x38;
	[tilespmem:$0xD920] =	vst v63  }
0x18: {  	_ =	swait.ge [sflag:s13], $0x80  }
0x19: {  	[sflag:s13] =	ssyncset.done $0x0  }
0x1a: {  	[sflag:s13] =	ssyncadd.s32 $0xFFFFFF80  }
0x1b: {  	[tilespmem:s15], [sflag:$0x1] =	stream.indirect.gather [hbm4b:s2+s14], $0x80, s3, s14, $0xb8;
	[tilespmem:$0xD920] =	vst v63  }
0x1c: {  	_ = 	snop  }
0x1d: {  	[tilespmem:s16], [sflag:$0x1] =	stream.indirect.gather [hbm4b:s5+s14], $0x80, s14, s14, $0xb8;
	[tilespmem:$0xD920] =	vst v63  }
0x1e: {  	_ =	swait.ge [sflag:s17], $0x4000  }
0x1f: {  	[sflag:s17] =	ssyncset.done $0x0  }
0x20: {  	[sflag:s17] =	ssyncadd.s32 $0xFFFFC000  }
0x21: {  	_ =	swait.ge [sflag:s17], $0x4000  }
0x22: {  	[sflag:s17] =	ssyncset.done $0x0  }
0x23: {  	s29 =	simm.s32 $0x180;
	[sflag:s17] =	ssyncadd.s32 $0xFFFFC000  }
0x24: {  	s30 =	simm.s32 $0x4180;
	v0 =	vld [tilespmem:s29+$0xFFFFFF80]  }
0x25: {  	v1 =	vld [tilespmem:s30+$0xFFFFFF80];
	_ =	sdelay $0x4  }
0x26: {  	v0 =	vmul.f32 v1, v0;
	_ =	sdelay $0x1  }
0x27: {  	v0 =	vmul.f32 $2.500000000e-01, v0;
	_ =	sdelay $0x1  }
0x28: {  	v0 =	vmax.f32 v0, $-5.000000000e+00  }
0x29: {  	s31 =	simm.s32 $0x8180;
	v0 =	vmin.f32 v0, $5.000000000e+00  }
0x2a: {  	[tilespmem:s31+$0xFFFFFF80] =	vst v0  }
0x2b: {  	v0 =	vld [tilespmem:s29+$0xFFFFFF90]  }
0x2c: {  	v1 =	vld [tilespmem:s30+$0xFFFFFF90];
	_ =	sdelay $0x4  }
0x2d: {  	v0 =	vmul.f32 v1, v0;
	_ =	sdelay $0x1  }
0x2e: {  	v0 =	vmul.f32 $2.500000000e-01, v0;
	_ =	sdelay $0x1  }
0x2f: {  	v0 =	vmax.f32 v0, $-5.000000000e+00  }
0x30: {  	v0 =	vmin.f32 v0, $5.000000000e+00  }
0x31: {  	[tilespmem:s31+$0xFFFFFF90] =	vst v0  }
0x32: {  	v0 =	vld [tilespmem:s29+$0xFFFFFFA0]  }
0x33: {  	v1 =	vld [tilespmem:s30+$0xFFFFFFA0];
	_ =	sdelay $0x4  }
0x34: {  	v0 =	vmul.f32 v1, v0;
	_ =	sdelay $0x1  }
0x35: {  	v0 =	vmul.f32 $2.500000000e-01, v0;
	_ =	sdelay $0x1  }
0x36: {  	v0 =	vmax.f32 v0, $-5.000000000e+00  }
0x37: {  	v0 =	vmin.f32 v0, $5.000000000e+00  }
0x38: {  	[tilespmem:s31+$0xFFFFFFA0] =	vst v0  }
0x39: {  	v0 =	vld [tilespmem:s29+$0xFFFFFFB0]  }
0x3a: {  	v1 =	vld [tilespmem:s30+$0xFFFFFFB0];
	_ =	sdelay $0x4  }
0x3b: {  	v0 =	vmul.f32 v1, v0;
	_ =	sdelay $0x1  }
0x3c: {  	v0 =	vmul.f32 $2.500000000e-01, v0;
	_ =	sdelay $0x1  }
0x3d: {  	v0 =	vmax.f32 v0, $-5.000000000e+00  }
0x3e: {  	v0 =	vmin.f32 v0, $5.000000000e+00  }
0x3f: {  	[tilespmem:s31+$0xFFFFFFB0] =	vst v0  }
0x40: {  	v0 =	vld [tilespmem:s29+$0xFFFFFFC0]  }
0x41: {  	v1 =	vld [tilespmem:s30+$0xFFFFFFC0];
	_ =	sdelay $0x4  }
0x42: {  	v0 =	vmul.f32 v1, v0;
	_ =	sdelay $0x1  }
0x43: {  	v0 =	vmul.f32 $2.500000000e-01, v0;
	_ =	sdelay $0x1  }
0x44: {  	v0 =	vmax.f32 v0, $-5.000000000e+00  }
0x45: {  	v0 =	vmin.f32 v0, $5.000000000e+00  }
0x46: {  	[tilespmem:s31+$0xFFFFFFC0] =	vst v0  }
0x47: {  	v0 =	vld [tilespmem:s29+$0xFFFFFFD0]  }
0x48: {  	v1 =	vld [tilespmem:s30+$0xFFFFFFD0];
	_ =	sdelay $0x4  }
0x49: {  	v0 =	vmul.f32 v1, v0;
	_ =	sdelay $0x1  }
0x4a: {  	v0 =	vmul.f32 $2.500000000e-01, v0;
	_ =	sdelay $0x1  }
0x4b: {  	v0 =	vmax.f32 v0, $-5.000000000e+00  }
0x4c: {  	v0 =	vmin.f32 v0, $5.000000000e+00  }
0x4d: {  	[tilespmem:s31+$0xFFFFFFD0] =	vst v0  }
0x4e: {  	v0 =	vld [tilespmem:s29+$0xFFFFFFE0]  }
0x4f: {  	v1 =	vld [tilespmem:s30+$0xFFFFFFE0];
	_ =	sdelay $0x4  }
0x50: {  	v0 =	vmul.f32 v1, v0;
	_ =	sdelay $0x1  }
0x51: {  	v0 =	vmul.f32 $2.500000000e-01, v0;
	_ =	sdelay $0x1  }
0x52: {  	v0 =	vmax.f32 v0, $-5.000000000e+00  }
0x53: {  	v0 =	vmin.f32 v0, $5.000000000e+00  }
0x54: {  	[tilespmem:s31+$0xFFFFFFE0] =	vst v0  }
0x55: {  	v0 =	vld [tilespmem:s29+$0xFFFFFFF0]  }
0x56: {  	v1 =	vld [tilespmem:s30+$0xFFFFFFF0];
	_ =	sdelay $0x4  }
0x57: {  	v0 =	vmul.f32 v1, v0;
	_ =	sdelay $0x1  }
0x58: {  	v0 =	vmul.f32 $2.500000000e-01, v0;
	_ =	sdelay $0x1  }
0x59: {  	v0 =	vmax.f32 v0, $-5.000000000e+00  }
0x5a: {  	v0 =	vmin.f32 v0, $5.000000000e+00  }
0x5b: {  	[tilespmem:s31+$0xFFFFFFF0] =	vst v0  }
0x5c: {  	v0 =	vld [tilespmem:s29+$0x0]  }
0x5d: {  	v1 =	vld [tilespmem:s30+$0x0];
	_ =	sdelay $0x4  }
0x5e: {  	v0 =	vmul.f32 v1, v0;
	_ =	sdelay $0x1  }
0x5f: {  	v0 =	vmul.f32 $2.500000000e-01, v0;
	_ =	sdelay $0x1  }
0x60: {  	v0 =	vmax.f32 v0, $-5.000000000e+00  }
0x61: {  	v0 =	vmin.f32 v0, $5.000000000e+00  }
0x62: {  	[tilespmem:s31+$0x0] =	vst v0  }
0x63: {  	v0 =	vld [tilespmem:s29+$0x10]  }
0x64: {  	v1 =	vld [tilespmem:s30+$0x10];
	_ =	sdelay $0x4  }
0x65: {  	v0 =	vmul.f32 v1, v0;
	_ =	sdelay $0x1  }
0x66: {  	v0 =	vmul.f32 $2.500000000e-01, v0;
	_ =	sdelay $0x1  }
0x67: {  	v0 =	vmax.f32 v0, $-5.000000000e+00  }
0x68: {  	v0 =	vmin.f32 v0, $5.000000000e+00  }
0x69: {  	[tilespmem:s31+$0x10] =	vst v0  }
0x6a: {  	v0 =	vld [tilespmem:s29+$0x20]  }
0x6b: {  	v1 =	vld [tilespmem:s30+$0x20];
	_ =	sdelay $0x4  }
0x6c: {  	v0 =	vmul.f32 v1, v0;
	_ =	sdelay $0x1  }
0x6d: {  	v0 =	vmul.f32 $2.500000000e-01, v0;
	_ =	sdelay $0x1  }
0x6e: {  	v0 =	vmax.f32 v0, $-5.000000000e+00  }
0x6f: {  	v0 =	vmin.f32 v0, $5.000000000e+00  }
0x70: {  	[tilespmem:s31+$0x20] =	vst v0  }
0x71: {  	v0 =	vld [tilespmem:s29+$0x30]  }
0x72: {  	v1 =	vld [tilespmem:s30+$0x30];
	_ =	sdelay $0x4  }
0x73: {  	v0 =	vmul.f32 v1, v0;
	_ =	sdelay $0x1  }
0x74: {  	v0 =	vmul.f32 $2.500000000e-01, v0;
	_ =	sdelay $0x1  }
0x75: {  	v0 =	vmax.f32 v0, $-5.000000000e+00  }
0x76: {  	v0 =	vmin.f32 v0, $5.000000000e+00  }
0x77: {  	[tilespmem:s31+$0x30] =	vst v0  }
0x78: {  	v0 =	vld [tilespmem:s29+$0x40]  }
0x79: {  	v1 =	vld [tilespmem:s30+$0x40];
	_ =	sdelay $0x4  }
0x7a: {  	v0 =	vmul.f32 v1, v0;
	_ =	sdelay $0x1  }
0x7b: {  	v0 =	vmul.f32 $2.500000000e-01, v0;
	_ =	sdelay $0x1  }
0x7c: {  	v0 =	vmax.f32 v0, $-5.000000000e+00  }
0x7d: {  	v0 =	vmin.f32 v0, $5.000000000e+00  }
0x7e: {  	[tilespmem:s31+$0x40] =	vst v0  }
0x7f: {  	v0 =	vld [tilespmem:s29+$0x50]  }
0x80: {  	v1 =	vld [tilespmem:s30+$0x50];
	_ =	sdelay $0x4  }
0x81: {  	v0 =	vmul.f32 v1, v0;
	_ =	sdelay $0x1  }
0x82: {  	v0 =	vmul.f32 $2.500000000e-01, v0;
	_ =	sdelay $0x1  }
0x83: {  	v0 =	vmax.f32 v0, $-5.000000000e+00  }
0x84: {  	v0 =	vmin.f32 v0, $5.000000000e+00  }
0x85: {  	[tilespmem:s31+$0x50] =	vst v0  }
0x86: {  	v0 =	vld [tilespmem:s29+$0x60]  }
0x87: {  	v1 =	vld [tilespmem:s30+$0x60];
	_ =	sdelay $0x4  }
0x88: {  	v0 =	vmul.f32 v1, v0;
	_ =	sdelay $0x1  }
0x89: {  	s22 =	simm.s32 $0x0;
	v0 =	vmul.f32 $2.500000000e-01, v0  }
0x8a: {  	s23 =	simm.s32 $0x280;
	s1 =	simm.s32 $0x4180;
	s0 =	simm.s32 $0x8180  }
.LBB2_3:
0x8b: {  	s22 =	sadd.s32 $0x2, s22;
	v0 =	vmax.f32 v0, $-5.000000000e+00;
	s31 =	sadd.s32 $0x100, s31;
	s30 =	sadd.s32 $0x100, s30  }
0x8c: {  	p0 =	slt.u32 s22, $0x7E;
	v0 =	vmin.f32 v0, $5.000000000e+00  }
0x8d: {  	[tilespmem:s0+$0x60] =	vst v0  }
0x8e: {  	v0 =	vld [tilespmem:s29+$0x70];
	s29 =	smov.u32 s23  }
0x8f: {  	v1 =	vld [tilespmem:s1+$0x70];
	s1 =	smov.u32 s30;
	_ =	sdelay $0x4  }
0x90: {  	v0 =	vmul.f32 v1, v0;
	_ =	sdelay $0x1  }
0x91: {  	v0 =	vmul.f32 $2.500000000e-01, v0;
	_ =	sdelay $0x1  }
0x92: {  	v0 =	vmax.f32 v0, $-5.000000000e+00  }
0x93: {  	v0 =	vmin.f32 v0, $5.000000000e+00  }
0x94: {  	[tilespmem:s0+$0x70] =	vst v0;
	s0 =	smov.u32 s31  }
0x95: {  	v0 =	vld [tilespmem:s23+$0xFFFFFF80]  }
0x96: {  	v1 =	vld [tilespmem:s30+$0xFFFFFF80];
	_ =	sdelay $0x4  }
0x97: {  	v0 =	vmul.f32 v1, v0;
	_ =	sdelay $0x1  }
0x98: {  	v0 =	vmul.f32 $2.500000000e-01, v0;
	_ =	sdelay $0x1  }
0x99: {  	v0 =	vmax.f32 v0, $-5.000000000e+00  }
0x9a: {  	v0 =	vmin.f32 v0, $5.000000000e+00  }
0x9b: {  	[tilespmem:s31+$0xFFFFFF80] =	vst v0  }
0x9c: {  	v0 =	vld [tilespmem:s23+$0xFFFFFF90]  }
0x9d: {  	v1 =	vld [tilespmem:s30+$0xFFFFFF90];
	_ =	sdelay $0x4  }
0x9e: {  	v0 =	vmul.f32 v1, v0;
	_ =	sdelay $0x1  }
0x9f: {  	v0 =	vmul.f32 $2.500000000e-01, v0;
	_ =	sdelay $0x1  }
0xa0: {  	v0 =	vmax.f32 v0, $-5.000000000e+00  }
0xa1: {  	v0 =	vmin.f32 v0, $5.000000000e+00  }
0xa2: {  	[tilespmem:s31+$0xFFFFFF90] =	vst v0  }
0xa3: {  	v0 =	vld [tilespmem:s23+$0xFFFFFFA0]  }
0xa4: {  	v1 =	vld [tilespmem:s30+$0xFFFFFFA0];
	_ =	sdelay $0x4  }
0xa5: {  	v0 =	vmul.f32 v1, v0;
	_ =	sdelay $0x1  }
0xa6: {  	v0 =	vmul.f32 $2.500000000e-01, v0;
	_ =	sdelay $0x1  }
0xa7: {  	v0 =	vmax.f32 v0, $-5.000000000e+00  }
0xa8: {  	v0 =	vmin.f32 v0, $5.000000000e+00  }
0xa9: {  	[tilespmem:s31+$0xFFFFFFA0] =	vst v0  }
0xaa: {  	v0 =	vld [tilespmem:s23+$0xFFFFFFB0]  }
0xab: {  	v1 =	vld [tilespmem:s30+$0xFFFFFFB0];
	_ =	sdelay $0x4  }
0xac: {  	v0 =	vmul.f32 v1, v0;
	_ =	sdelay $0x1  }
0xad: {  	v0 =	vmul.f32 $2.500000000e-01, v0;
	_ =	sdelay $0x1  }
0xae: {  	v0 =	vmax.f32 v0, $-5.000000000e+00  }
0xaf: {  	v0 =	vmin.f32 v0, $5.000000000e+00  }
0xb0: {  	[tilespmem:s31+$0xFFFFFFB0] =	vst v0  }
0xb1: {  	v0 =	vld [tilespmem:s23+$0xFFFFFFC0]  }
0xb2: {  	v1 =	vld [tilespmem:s30+$0xFFFFFFC0];
	_ =	sdelay $0x4  }
0xb3: {  	v0 =	vmul.f32 v1, v0;
	_ =	sdelay $0x1  }
0xb4: {  	v0 =	vmul.f32 $2.500000000e-01, v0;
	_ =	sdelay $0x1  }
0xb5: {  	v0 =	vmax.f32 v0, $-5.000000000e+00  }
0xb6: {  	v0 =	vmin.f32 v0, $5.000000000e+00  }
0xb7: {  	[tilespmem:s31+$0xFFFFFFC0] =	vst v0  }
0xb8: {  	v0 =	vld [tilespmem:s23+$0xFFFFFFD0]  }
0xb9: {  	v1 =	vld [tilespmem:s30+$0xFFFFFFD0];
	_ =	sdelay $0x4  }
0xba: {  	v0 =	vmul.f32 v1, v0;
	_ =	sdelay $0x1  }
0xbb: {  	v0 =	vmul.f32 $2.500000000e-01, v0;
	_ =	sdelay $0x1  }
0xbc: {  	v0 =	vmax.f32 v0, $-5.000000000e+00  }
0xbd: {  	v0 =	vmin.f32 v0, $5.000000000e+00  }
0xbe: {  	[tilespmem:s31+$0xFFFFFFD0] =	vst v0  }
0xbf: {  	v0 =	vld [tilespmem:s23+$0xFFFFFFE0]  }
0xc0: {  	v1 =	vld [tilespmem:s30+$0xFFFFFFE0];
	_ =	sdelay $0x4  }
0xc1: {  	v0 =	vmul.f32 v1, v0;
	_ =	sdelay $0x1  }
0xc2: {  	v0 =	vmul.f32 $2.500000000e-01, v0;
	_ =	sdelay $0x1  }
0xc3: {  	v0 =	vmax.f32 v0, $-5.000000000e+00  }
0xc4: {  	v0 =	vmin.f32 v0, $5.000000000e+00  }
0xc5: {  	[tilespmem:s31+$0xFFFFFFE0] =	vst v0  }
0xc6: {  	v0 =	vld [tilespmem:s23+$0xFFFFFFF0]  }
0xc7: {  	v1 =	vld [tilespmem:s30+$0xFFFFFFF0];
	_ =	sdelay $0x4  }
0xc8: {  	v0 =	vmul.f32 v1, v0;
	_ =	sdelay $0x1  }
0xc9: {  	v0 =	vmul.f32 $2.500000000e-01, v0;
	_ =	sdelay $0x1  }
0xca: {  	v0 =	vmax.f32 v0, $-5.000000000e+00  }
0xcb: {  	v0 =	vmin.f32 v0, $5.000000000e+00  }
0xcc: {  	[tilespmem:s31+$0xFFFFFFF0] =	vst v0  }
0xcd: {  	v0 =	vld [tilespmem:s23+$0x0]  }
0xce: {  	v1 =	vld [tilespmem:s30+$0x0];
	_ =	sdelay $0x4  }
0xcf: {  	v0 =	vmul.f32 v1, v0;
	_ =	sdelay $0x1  }
0xd0: {  	v0 =	vmul.f32 $2.500000000e-01, v0;
	_ =	sdelay $0x1  }
0xd1: {  	v0 =	vmax.f32 v0, $-5.000000000e+00  }
0xd2: {  	v0 =	vmin.f32 v0, $5.000000000e+00  }
0xd3: {  	[tilespmem:s31+$0x0] =	vst v0  }
0xd4: {  	v0 =	vld [tilespmem:s23+$0x10]  }
0xd5: {  	v1 =	vld [tilespmem:s30+$0x10];
	_ =	sdelay $0x4  }
0xd6: {  	v0 =	vmul.f32 v1, v0;
	_ =	sdelay $0x1  }
0xd7: {  	v0 =	vmul.f32 $2.500000000e-01, v0;
	_ =	sdelay $0x1  }
0xd8: {  	v0 =	vmax.f32 v0, $-5.000000000e+00  }
0xd9: {  	v0 =	vmin.f32 v0, $5.000000000e+00  }
0xda: {  	[tilespmem:s31+$0x10] =	vst v0  }
0xdb: {  	v0 =	vld [tilespmem:s23+$0x20]  }
0xdc: {  	v1 =	vld [tilespmem:s30+$0x20];
	_ =	sdelay $0x4  }
0xdd: {  	v0 =	vmul.f32 v1, v0;
	_ =	sdelay $0x1  }
0xde: {  	v0 =	vmul.f32 $2.500000000e-01, v0;
	_ =	sdelay $0x1  }
0xdf: {  	v0 =	vmax.f32 v0, $-5.000000000e+00  }
0xe0: {  	v0 =	vmin.f32 v0, $5.000000000e+00  }
0xe1: {  	[tilespmem:s31+$0x20] =	vst v0  }
0xe2: {  	v0 =	vld [tilespmem:s23+$0x30]  }
0xe3: {  	v1 =	vld [tilespmem:s30+$0x30];
	_ =	sdelay $0x4  }
0xe4: {  	v0 =	vmul.f32 v1, v0;
	_ =	sdelay $0x1  }
0xe5: {  	v0 =	vmul.f32 $2.500000000e-01, v0;
	_ =	sdelay $0x1  }
0xe6: {  	v0 =	vmax.f32 v0, $-5.000000000e+00  }
0xe7: {  	v0 =	vmin.f32 v0, $5.000000000e+00  }
0xe8: {  	[tilespmem:s31+$0x30] =	vst v0  }
0xe9: {  	v0 =	vld [tilespmem:s23+$0x40]  }
0xea: {  	v1 =	vld [tilespmem:s30+$0x40];
	_ =	sdelay $0x4  }
0xeb: {  	v0 =	vmul.f32 v1, v0;
	_ =	sdelay $0x1  }
0xec: {  	v0 =	vmul.f32 $2.500000000e-01, v0;
	_ =	sdelay $0x1  }
0xed: {  	v0 =	vmax.f32 v0, $-5.000000000e+00  }
0xee: {  	v0 =	vmin.f32 v0, $5.000000000e+00  }
0xef: {  	[tilespmem:s31+$0x40] =	vst v0  }
0xf0: {  	v0 =	vld [tilespmem:s23+$0x50]  }
0xf1: {  	v1 =	vld [tilespmem:s30+$0x50];
	_ =	sdelay $0x4  }
0xf2: {  	v0 =	vmul.f32 v1, v0;
	_ =	sdelay $0x1  }
0xf3: {  	v0 =	vmul.f32 $2.500000000e-01, v0;
	_ =	sdelay $0x1  }
0xf4: {  	v0 =	vmax.f32 v0, $-5.000000000e+00  }
0xf5: {  	v0 =	vmin.f32 v0, $5.000000000e+00  }
0xf6: {  	[tilespmem:s31+$0x50] =	vst v0  }
0xf7: {  	v0 =	vld [tilespmem:s23+$0x60]  }
0xf8: {  	v1 =	vld [tilespmem:s30+$0x60];
	_ =	sdelay $0x3  }
.Ltmp0:
0xf9: {  	(pc) =	sbr.rel @p0 .LBB2_3-.Ltmp0, $3  }
0xfa: {  	v0 =	vmul.f32 v1, v0;
	_ =	sdelay $0x1  }
0xfb: {  	v0 =	vmul.f32 $2.500000000e-01, v0  }
0xfc: {  	s23 =	sadd.s32 $0x100, s23  }
0xfd: {  	v0 =	vmax.f32 v0, $-5.000000000e+00  }
0xfe: {  	v0 =	vmin.f32 v0, $5.000000000e+00  }
0xff: {  	[tilespmem:s0+$0x60] =	vst v0  }
0x100: {  	v0 =	vld [tilespmem:s29+$0x70]  }
0x101: {  	v1 =	vld [tilespmem:s1+$0x70];
	_ =	sdelay $0x4  }
0x102: {  	v0 =	vmul.f32 v1, v0;
	_ =	sdelay $0x1  }
0x103: {  	v0 =	vmul.f32 $2.500000000e-01, v0;
	_ =	sdelay $0x1  }
0x104: {  	s26 =	sadd.s32 $0x1, s26;
	v0 =	vmax.f32 v0, $-5.000000000e+00  }
0x105: {  	s30 =	sshll.u32 s28, $0x4;
	p0 =	sne.s32 s26, $0x4E;
	v0 =	vmin.f32 v0, $5.000000000e+00  }
.Ltmp1:
0x106: {  	s31 =	sadd.s32 s8, s30;
	[tilespmem:s0+$0x70] =	vst v0;
	(pc) =	sbr.rel @p0 .LBB2_2-.Ltmp1, $4  }
0x107: {  	[hbm4b:s31+s3] =	stream.linear.scatter [tilespmem:s18], [sflag:$0x2], $0x4000, $0x38;
	[tilespmem:$0xD920] =	vst v63  }
0x108: {  	_ =	swait.ge [sflag:s13], $0x4000  }
0x109: {  	[sflag:s13] =	ssyncset.done $0x0  }
0x10a: {  	[sflag:s13] =	ssyncadd.s32 $0xFFFFC000  }
0x10b: {  	[tilespmem:s19], [sflag:$0x2] =	stream.linear.gather [hbm4b:s9+s3], $0x10, $0x38;
	[tilespmem:$0xD920] =	vst v63  }
0x10c: {  	_ =	swait.ge [sflag:s13], $0x10  }
0x10d: {  	[sflag:s13] =	ssyncset.done $0x0  }
0x10e: {  	[sflag:s13] =	ssyncadd.s32 $0xFFFFFFF0  }
0x10f: {  	[tilespmem:s20], [sflag:$0x2] =	stream.linear.gather [hbm4b:s10+s3], $0x10, $0x38;
	[tilespmem:$0xD920] =	vst v63  }
0x110: {  	_ =	swait.ge [sflag:s13], $0x10  }
0x111: {  	[sflag:s13] =	ssyncset.done $0x0  }
0x112: {  	s0 =	simm.s32 $0xC120;
	[sflag:s13] =	ssyncadd.s32 $0xFFFFFFF0  }
0x113: {  	[tilespmem:s0], [sflag:$0x1] =	stream.indirect.gather [hbm4b:s2+s21], $0x80, s19, s21, $0xb8;
	[tilespmem:$0xD920] =	vst v63  }
0x114: {  	s31 =	simm.s32 $0xC920  }
0x115: {  	[tilespmem:s31], [sflag:$0x1] =	stream.indirect.gather [hbm4b:s5+s21], $0x80, s20, s21, $0xb8;
	[tilespmem:$0xD920] =	vst v63  }
0x116: {  	_ =	swait.ge [sflag:s17], $0x800  }
0x117: {  	[sflag:s17] =	ssyncset.done $0x0  }
0x118: {  	[sflag:s17] =	ssyncadd.s32 $0xFFFFF800  }
0x119: {  	_ =	swait.ge [sflag:s17], $0x800  }
0x11a: {  	[sflag:s17] =	ssyncset.done $0x0  }
0x11b: {  	s26 =	simm.s32 $0xC1A0;
	[sflag:s17] =	ssyncadd.s32 $0xFFFFF800  }
0x11c: {  	s28 =	simm.s32 $0xC9A0;
	v0 =	vld [tilespmem:s26+$0xFFFFFF80]  }
0x11d: {  	v1 =	vld [tilespmem:s28+$0xFFFFFF80];
	_ =	sdelay $0x4  }
0x11e: {  	v0 =	vmul.f32 v1, v0;
	_ =	sdelay $0x1  }
0x11f: {  	v0 =	vmul.f32 $2.500000000e-01, v0;
	_ =	sdelay $0x1  }
0x120: {  	v0 =	vmax.f32 v0, $-5.000000000e+00  }
0x121: {  	s29 =	simm.s32 $0xD1A0;
	v0 =	vmin.f32 v0, $5.000000000e+00  }
0x122: {  	[tilespmem:s29+$0xFFFFFF80] =	vst v0  }
0x123: {  	v0 =	vld [tilespmem:s26+$0xFFFFFF90]  }
0x124: {  	v1 =	vld [tilespmem:s28+$0xFFFFFF90];
	_ =	sdelay $0x4  }
0x125: {  	v0 =	vmul.f32 v1, v0;
	_ =	sdelay $0x1  }
0x126: {  	v0 =	vmul.f32 $2.500000000e-01, v0;
	_ =	sdelay $0x1  }
0x127: {  	v0 =	vmax.f32 v0, $-5.000000000e+00  }
0x128: {  	v0 =	vmin.f32 v0, $5.000000000e+00  }
0x129: {  	[tilespmem:s29+$0xFFFFFF90] =	vst v0  }
0x12a: {  	v0 =	vld [tilespmem:s26+$0xFFFFFFA0]  }
0x12b: {  	v1 =	vld [tilespmem:s28+$0xFFFFFFA0];
	_ =	sdelay $0x4  }
0x12c: {  	v0 =	vmul.f32 v1, v0;
	_ =	sdelay $0x1  }
0x12d: {  	v0 =	vmul.f32 $2.500000000e-01, v0;
	_ =	sdelay $0x1  }
0x12e: {  	v0 =	vmax.f32 v0, $-5.000000000e+00  }
0x12f: {  	v0 =	vmin.f32 v0, $5.000000000e+00  }
0x130: {  	[tilespmem:s29+$0xFFFFFFA0] =	vst v0  }
0x131: {  	v0 =	vld [tilespmem:s26+$0xFFFFFFB0]  }
0x132: {  	v1 =	vld [tilespmem:s28+$0xFFFFFFB0];
	_ =	sdelay $0x4  }
0x133: {  	v0 =	vmul.f32 v1, v0;
	_ =	sdelay $0x1  }
0x134: {  	v0 =	vmul.f32 $2.500000000e-01, v0;
	_ =	sdelay $0x1  }
0x135: {  	v0 =	vmax.f32 v0, $-5.000000000e+00  }
0x136: {  	v0 =	vmin.f32 v0, $5.000000000e+00  }
0x137: {  	[tilespmem:s29+$0xFFFFFFB0] =	vst v0  }
0x138: {  	v0 =	vld [tilespmem:s26+$0xFFFFFFC0]  }
0x139: {  	v1 =	vld [tilespmem:s28+$0xFFFFFFC0];
	_ =	sdelay $0x4  }
0x13a: {  	v0 =	vmul.f32 v1, v0;
	_ =	sdelay $0x1  }
0x13b: {  	v0 =	vmul.f32 $2.500000000e-01, v0;
	_ =	sdelay $0x1  }
0x13c: {  	v0 =	vmax.f32 v0, $-5.000000000e+00  }
0x13d: {  	v0 =	vmin.f32 v0, $5.000000000e+00  }
0x13e: {  	[tilespmem:s29+$0xFFFFFFC0] =	vst v0  }
0x13f: {  	v0 =	vld [tilespmem:s26+$0xFFFFFFD0]  }
0x140: {  	v1 =	vld [tilespmem:s28+$0xFFFFFFD0];
	_ =	sdelay $0x4  }
0x141: {  	v0 =	vmul.f32 v1, v0;
	_ =	sdelay $0x1  }
0x142: {  	v0 =	vmul.f32 $2.500000000e-01, v0;
	_ =	sdelay $0x1  }
0x143: {  	v0 =	vmax.f32 v0, $-5.000000000e+00  }
0x144: {  	v0 =	vmin.f32 v0, $5.000000000e+00  }
0x145: {  	[tilespmem:s29+$0xFFFFFFD0] =	vst v0  }
0x146: {  	v0 =	vld [tilespmem:s26+$0xFFFFFFE0]  }
0x147: {  	v1 =	vld [tilespmem:s28+$0xFFFFFFE0];
	_ =	sdelay $0x4  }
0x148: {  	v0 =	vmul.f32 v1, v0;
	_ =	sdelay $0x1  }
0x149: {  	v0 =	vmul.f32 $2.500000000e-01, v0;
	_ =	sdelay $0x1  }
0x14a: {  	v0 =	vmax.f32 v0, $-5.000000000e+00  }
0x14b: {  	v0 =	vmin.f32 v0, $5.000000000e+00  }
0x14c: {  	[tilespmem:s29+$0xFFFFFFE0] =	vst v0  }
0x14d: {  	v0 =	vld [tilespmem:s26+$0xFFFFFFF0]  }
0x14e: {  	v1 =	vld [tilespmem:s28+$0xFFFFFFF0];
	_ =	sdelay $0x4  }
0x14f: {  	v0 =	vmul.f32 v1, v0;
	_ =	sdelay $0x1  }
0x150: {  	v0 =	vmul.f32 $2.500000000e-01, v0;
	_ =	sdelay $0x1  }
0x151: {  	v0 =	vmax.f32 v0, $-5.000000000e+00  }
0x152: {  	v0 =	vmin.f32 v0, $5.000000000e+00  }
0x153: {  	[tilespmem:s29+$0xFFFFFFF0] =	vst v0  }
0x154: {  	v0 =	vld [tilespmem:s26+$0x0]  }
0x155: {  	v1 =	vld [tilespmem:s28+$0x0];
	_ =	sdelay $0x4  }
0x156: {  	v0 =	vmul.f32 v1, v0;
	_ =	sdelay $0x1  }
0x157: {  	v0 =	vmul.f32 $2.500000000e-01, v0;
	_ =	sdelay $0x1  }
0x158: {  	v0 =	vmax.f32 v0, $-5.000000000e+00  }
0x159: {  	v0 =	vmin.f32 v0, $5.000000000e+00  }
0x15a: {  	[tilespmem:s29+$0x0] =	vst v0  }
0x15b: {  	v0 =	vld [tilespmem:s26+$0x10]  }
0x15c: {  	v1 =	vld [tilespmem:s28+$0x10];
	_ =	sdelay $0x4  }
0x15d: {  	v0 =	vmul.f32 v1, v0;
	_ =	sdelay $0x1  }
0x15e: {  	v0 =	vmul.f32 $2.500000000e-01, v0;
	_ =	sdelay $0x1  }
0x15f: {  	v0 =	vmax.f32 v0, $-5.000000000e+00  }
0x160: {  	v0 =	vmin.f32 v0, $5.000000000e+00  }
0x161: {  	[tilespmem:s29+$0x10] =	vst v0  }
0x162: {  	v0 =	vld [tilespmem:s26+$0x20]  }
0x163: {  	v1 =	vld [tilespmem:s28+$0x20];
	_ =	sdelay $0x4  }
0x164: {  	v0 =	vmul.f32 v1, v0;
	_ =	sdelay $0x1  }
0x165: {  	v0 =	vmul.f32 $2.500000000e-01, v0;
	_ =	sdelay $0x1  }
0x166: {  	v0 =	vmax.f32 v0, $-5.000000000e+00  }
0x167: {  	v0 =	vmin.f32 v0, $5.000000000e+00  }
0x168: {  	[tilespmem:s29+$0x20] =	vst v0  }
0x169: {  	v0 =	vld [tilespmem:s26+$0x30]  }
0x16a: {  	v1 =	vld [tilespmem:s28+$0x30];
	_ =	sdelay $0x4  }
0x16b: {  	v0 =	vmul.f32 v1, v0;
	_ =	sdelay $0x1  }
0x16c: {  	v0 =	vmul.f32 $2.500000000e-01, v0;
	_ =	sdelay $0x1  }
0x16d: {  	v0 =	vmax.f32 v0, $-5.000000000e+00  }
0x16e: {  	v0 =	vmin.f32 v0, $5.000000000e+00  }
0x16f: {  	[tilespmem:s29+$0x30] =	vst v0  }
0x170: {  	v0 =	vld [tilespmem:s26+$0x40]  }
0x171: {  	v1 =	vld [tilespmem:s28+$0x40];
	_ =	sdelay $0x4  }
0x172: {  	v0 =	vmul.f32 v1, v0;
	_ =	sdelay $0x1  }
0x173: {  	v0 =	vmul.f32 $2.500000000e-01, v0;
	_ =	sdelay $0x1  }
0x174: {  	v0 =	vmax.f32 v0, $-5.000000000e+00  }
0x175: {  	v0 =	vmin.f32 v0, $5.000000000e+00  }
0x176: {  	[tilespmem:s29+$0x40] =	vst v0  }
0x177: {  	v0 =	vld [tilespmem:s26+$0x50]  }
0x178: {  	v1 =	vld [tilespmem:s28+$0x50];
	_ =	sdelay $0x4  }
0x179: {  	v0 =	vmul.f32 v1, v0;
	_ =	sdelay $0x1  }
0x17a: {  	v0 =	vmul.f32 $2.500000000e-01, v0;
	_ =	sdelay $0x1  }
0x17b: {  	v0 =	vmax.f32 v0, $-5.000000000e+00  }
0x17c: {  	v0 =	vmin.f32 v0, $5.000000000e+00  }
0x17d: {  	[tilespmem:s29+$0x50] =	vst v0  }
0x17e: {  	v0 =	vld [tilespmem:s26+$0x60]  }
0x17f: {  	v1 =	vld [tilespmem:s28+$0x60];
	_ =	sdelay $0x4  }
0x180: {  	v0 =	vmul.f32 v1, v0;
	_ =	sdelay $0x1  }
0x181: {  	s22 =	simm.s32 $0x0;
	v0 =	vmul.f32 $2.500000000e-01, v0  }
0x182: {  	s23 =	simm.s32 $0xC2A0;
	s1 =	simm.s32 $0xC9A0;
	s0 =	simm.s32 $0xD1A0  }
.LBB2_6:
0x183: {  	s22 =	sadd.s32 $0x2, s22;
	v0 =	vmax.f32 v0, $-5.000000000e+00;
	s29 =	sadd.s32 $0x100, s29;
	s28 =	sadd.s32 $0x100, s28  }
0x184: {  	p0 =	slt.u32 s22, $0xE;
	v0 =	vmin.f32 v0, $5.000000000e+00  }
0x185: {  	[tilespmem:s0+$0x60] =	vst v0  }
0x186: {  	v0 =	vld [tilespmem:s26+$0x70];
	s26 =	smov.u32 s23  }
0x187: {  	v1 =	vld [tilespmem:s1+$0x70];
	s1 =	smov.u32 s28;
	_ =	sdelay $0x4  }
0x188: {  	v0 =	vmul.f32 v1, v0;
	_ =	sdelay $0x1  }
0x189: {  	v0 =	vmul.f32 $2.500000000e-01, v0;
	_ =	sdelay $0x1  }
0x18a: {  	v0 =	vmax.f32 v0, $-5.000000000e+00  }
0x18b: {  	v0 =	vmin.f32 v0, $5.000000000e+00  }
0x18c: {  	[tilespmem:s0+$0x70] =	vst v0;
	s0 =	smov.u32 s29  }
0x18d: {  	v0 =	vld [tilespmem:s23+$0xFFFFFF80]  }
0x18e: {  	v1 =	vld [tilespmem:s28+$0xFFFFFF80];
	_ =	sdelay $0x4  }
0x18f: {  	v0 =	vmul.f32 v1, v0;
	_ =	sdelay $0x1  }
0x190: {  	v0 =	vmul.f32 $2.500000000e-01, v0;
	_ =	sdelay $0x1  }
0x191: {  	v0 =	vmax.f32 v0, $-5.000000000e+00  }
0x192: {  	v0 =	vmin.f32 v0, $5.000000000e+00  }
0x193: {  	[tilespmem:s29+$0xFFFFFF80] =	vst v0  }
0x194: {  	v0 =	vld [tilespmem:s23+$0xFFFFFF90]  }
0x195: {  	v1 =	vld [tilespmem:s28+$0xFFFFFF90];
	_ =	sdelay $0x4  }
0x196: {  	v0 =	vmul.f32 v1, v0;
	_ =	sdelay $0x1  }
0x197: {  	v0 =	vmul.f32 $2.500000000e-01, v0;
	_ =	sdelay $0x1  }
0x198: {  	v0 =	vmax.f32 v0, $-5.000000000e+00  }
0x199: {  	v0 =	vmin.f32 v0, $5.000000000e+00  }
0x19a: {  	[tilespmem:s29+$0xFFFFFF90] =	vst v0  }
0x19b: {  	v0 =	vld [tilespmem:s23+$0xFFFFFFA0]  }
0x19c: {  	v1 =	vld [tilespmem:s28+$0xFFFFFFA0];
	_ =	sdelay $0x4  }
0x19d: {  	v0 =	vmul.f32 v1, v0;
	_ =	sdelay $0x1  }
0x19e: {  	v0 =	vmul.f32 $2.500000000e-01, v0;
	_ =	sdelay $0x1  }
0x19f: {  	v0 =	vmax.f32 v0, $-5.000000000e+00  }
0x1a0: {  	v0 =	vmin.f32 v0, $5.000000000e+00  }
0x1a1: {  	[tilespmem:s29+$0xFFFFFFA0] =	vst v0  }
0x1a2: {  	v0 =	vld [tilespmem:s23+$0xFFFFFFB0]  }
0x1a3: {  	v1 =	vld [tilespmem:s28+$0xFFFFFFB0];
	_ =	sdelay $0x4  }
0x1a4: {  	v0 =	vmul.f32 v1, v0;
	_ =	sdelay $0x1  }
0x1a5: {  	v0 =	vmul.f32 $2.500000000e-01, v0;
	_ =	sdelay $0x1  }
0x1a6: {  	v0 =	vmax.f32 v0, $-5.000000000e+00  }
0x1a7: {  	v0 =	vmin.f32 v0, $5.000000000e+00  }
0x1a8: {  	[tilespmem:s29+$0xFFFFFFB0] =	vst v0  }
0x1a9: {  	v0 =	vld [tilespmem:s23+$0xFFFFFFC0]  }
0x1aa: {  	v1 =	vld [tilespmem:s28+$0xFFFFFFC0];
	_ =	sdelay $0x4  }
0x1ab: {  	v0 =	vmul.f32 v1, v0;
	_ =	sdelay $0x1  }
0x1ac: {  	v0 =	vmul.f32 $2.500000000e-01, v0;
	_ =	sdelay $0x1  }
0x1ad: {  	v0 =	vmax.f32 v0, $-5.000000000e+00  }
0x1ae: {  	v0 =	vmin.f32 v0, $5.000000000e+00  }
0x1af: {  	[tilespmem:s29+$0xFFFFFFC0] =	vst v0  }
0x1b0: {  	v0 =	vld [tilespmem:s23+$0xFFFFFFD0]  }
0x1b1: {  	v1 =	vld [tilespmem:s28+$0xFFFFFFD0];
	_ =	sdelay $0x4  }
0x1b2: {  	v0 =	vmul.f32 v1, v0;
	_ =	sdelay $0x1  }
0x1b3: {  	v0 =	vmul.f32 $2.500000000e-01, v0;
	_ =	sdelay $0x1  }
0x1b4: {  	v0 =	vmax.f32 v0, $-5.000000000e+00  }
0x1b5: {  	v0 =	vmin.f32 v0, $5.000000000e+00  }
0x1b6: {  	[tilespmem:s29+$0xFFFFFFD0] =	vst v0  }
0x1b7: {  	v0 =	vld [tilespmem:s23+$0xFFFFFFE0]  }
0x1b8: {  	v1 =	vld [tilespmem:s28+$0xFFFFFFE0];
	_ =	sdelay $0x4  }
0x1b9: {  	v0 =	vmul.f32 v1, v0;
	_ =	sdelay $0x1  }
0x1ba: {  	v0 =	vmul.f32 $2.500000000e-01, v0;
	_ =	sdelay $0x1  }
0x1bb: {  	v0 =	vmax.f32 v0, $-5.000000000e+00  }
0x1bc: {  	v0 =	vmin.f32 v0, $5.000000000e+00  }
0x1bd: {  	[tilespmem:s29+$0xFFFFFFE0] =	vst v0  }
0x1be: {  	v0 =	vld [tilespmem:s23+$0xFFFFFFF0]  }
0x1bf: {  	v1 =	vld [tilespmem:s28+$0xFFFFFFF0];
	_ =	sdelay $0x4  }
0x1c0: {  	v0 =	vmul.f32 v1, v0;
	_ =	sdelay $0x1  }
0x1c1: {  	v0 =	vmul.f32 $2.500000000e-01, v0;
	_ =	sdelay $0x1  }
0x1c2: {  	v0 =	vmax.f32 v0, $-5.000000000e+00  }
0x1c3: {  	v0 =	vmin.f32 v0, $5.000000000e+00  }
0x1c4: {  	[tilespmem:s29+$0xFFFFFFF0] =	vst v0  }
0x1c5: {  	v0 =	vld [tilespmem:s23+$0x0]  }
0x1c6: {  	v1 =	vld [tilespmem:s28+$0x0];
	_ =	sdelay $0x4  }
0x1c7: {  	v0 =	vmul.f32 v1, v0;
	_ =	sdelay $0x1  }
0x1c8: {  	v0 =	vmul.f32 $2.500000000e-01, v0;
	_ =	sdelay $0x1  }
0x1c9: {  	v0 =	vmax.f32 v0, $-5.000000000e+00  }
0x1ca: {  	v0 =	vmin.f32 v0, $5.000000000e+00  }
0x1cb: {  	[tilespmem:s29+$0x0] =	vst v0  }
0x1cc: {  	v0 =	vld [tilespmem:s23+$0x10]  }
0x1cd: {  	v1 =	vld [tilespmem:s28+$0x10];
	_ =	sdelay $0x4  }
0x1ce: {  	v0 =	vmul.f32 v1, v0;
	_ =	sdelay $0x1  }
0x1cf: {  	v0 =	vmul.f32 $2.500000000e-01, v0;
	_ =	sdelay $0x1  }
0x1d0: {  	v0 =	vmax.f32 v0, $-5.000000000e+00  }
0x1d1: {  	v0 =	vmin.f32 v0, $5.000000000e+00  }
0x1d2: {  	[tilespmem:s29+$0x10] =	vst v0  }
0x1d3: {  	v0 =	vld [tilespmem:s23+$0x20]  }
0x1d4: {  	v1 =	vld [tilespmem:s28+$0x20];
	_ =	sdelay $0x4  }
0x1d5: {  	v0 =	vmul.f32 v1, v0;
	_ =	sdelay $0x1  }
0x1d6: {  	v0 =	vmul.f32 $2.500000000e-01, v0;
	_ =	sdelay $0x1  }
0x1d7: {  	v0 =	vmax.f32 v0, $-5.000000000e+00  }
0x1d8: {  	v0 =	vmin.f32 v0, $5.000000000e+00  }
0x1d9: {  	[tilespmem:s29+$0x20] =	vst v0  }
0x1da: {  	v0 =	vld [tilespmem:s23+$0x30]  }
0x1db: {  	v1 =	vld [tilespmem:s28+$0x30];
	_ =	sdelay $0x4  }
0x1dc: {  	v0 =	vmul.f32 v1, v0;
	_ =	sdelay $0x1  }
0x1dd: {  	v0 =	vmul.f32 $2.500000000e-01, v0;
	_ =	sdelay $0x1  }
0x1de: {  	v0 =	vmax.f32 v0, $-5.000000000e+00  }
0x1df: {  	v0 =	vmin.f32 v0, $5.000000000e+00  }
0x1e0: {  	[tilespmem:s29+$0x30] =	vst v0  }
0x1e1: {  	v0 =	vld [tilespmem:s23+$0x40]  }
0x1e2: {  	v1 =	vld [tilespmem:s28+$0x40];
	_ =	sdelay $0x4  }
0x1e3: {  	v0 =	vmul.f32 v1, v0;
	_ =	sdelay $0x1  }
0x1e4: {  	v0 =	vmul.f32 $2.500000000e-01, v0;
	_ =	sdelay $0x1  }
0x1e5: {  	v0 =	vmax.f32 v0, $-5.000000000e+00  }
0x1e6: {  	v0 =	vmin.f32 v0, $5.000000000e+00  }
0x1e7: {  	[tilespmem:s29+$0x40] =	vst v0  }
0x1e8: {  	v0 =	vld [tilespmem:s23+$0x50]  }
0x1e9: {  	v1 =	vld [tilespmem:s28+$0x50];
	_ =	sdelay $0x4  }
0x1ea: {  	v0 =	vmul.f32 v1, v0;
	_ =	sdelay $0x1  }
0x1eb: {  	v0 =	vmul.f32 $2.500000000e-01, v0;
	_ =	sdelay $0x1  }
0x1ec: {  	v0 =	vmax.f32 v0, $-5.000000000e+00  }
0x1ed: {  	v0 =	vmin.f32 v0, $5.000000000e+00  }
0x1ee: {  	[tilespmem:s29+$0x50] =	vst v0  }
0x1ef: {  	v0 =	vld [tilespmem:s23+$0x60]  }
0x1f0: {  	v1 =	vld [tilespmem:s28+$0x60];
	_ =	sdelay $0x3  }
.Ltmp2:
0x1f1: {  	(pc) =	sbr.rel @p0 .LBB2_6-.Ltmp2, $3  }
0x1f2: {  	v0 =	vmul.f32 v1, v0;
	_ =	sdelay $0x1  }
0x1f3: {  	v0 =	vmul.f32 $2.500000000e-01, v0  }
0x1f4: {  	s23 =	sadd.s32 $0x100, s23  }
0x1f5: {  	v0 =	vmax.f32 v0, $-5.000000000e+00  }
0x1f6: {  	v0 =	vmin.f32 v0, $5.000000000e+00  }
0x1f7: {  	[tilespmem:s0+$0x60] =	vst v0  }
0x1f8: {  	v0 =	vld [tilespmem:s26+$0x70]  }
0x1f9: {  	v1 =	vld [tilespmem:s1+$0x70];
	_ =	sdelay $0x4  }
0x1fa: {  	v0 =	vmul.f32 v1, v0;
	_ =	sdelay $0x1  }
0x1fb: {  	v0 =	vmul.f32 $2.500000000e-01, v0;
	_ =	sdelay $0x1  }
0x1fc: {  	s25 =	sadd.s32 $0x1, s25;
	v0 =	vmax.f32 v0, $-5.000000000e+00  }
0x1fd: {  	p0 =	sne.s32 s25, s12;
	v0 =	vmin.f32 v0, $5.000000000e+00  }
.Ltmp3:
0x1fe: {  	[tilespmem:s0+$0x70] =	vst v0;
	(pc) =	sbr.rel @p0 .LBB2_1-.Ltmp3, $4  }
0x1ff: {  	[hbm4b:s11+s3] =	stream.linear.scatter [tilespmem:s24], [sflag:$0x2], $0x800, $0x38;
	[tilespmem:$0xD920] =	vst v63  }
0x200: {  	_ =	swait.ge [sflag:s13], $0x800  }
0x201: {  	[sflag:s13] =	ssyncset.done $0x0  }
0x202: {  	[sflag:s13] =	ssyncadd.s32 $0xFFFFF800  }
0x203: {  	_ =	sfence.sel $0x180000  }
0x204: {  	[bflag:$0x0] =	sbarrier.arrive $0xFFFF  }
0x205: {  	_ =	strace $0x90000047  }
0x206: {  	s0 =	stileid.u32;
	[bflag:$0x2] =	sbarrier.arrive $0xFFFF  }
0x207: {  	p0 =	sne.s32 s0, $0x0;
	s0 =	rddreg [dreg:$0x2]  }
0x208: {  	s0 =	sadd.s32 @!p0 $0x100000, s0  }
0x209: {  	[sflag:s0] =	ssyncadd.tile.s32 @!p0 $0x1;
	_ =	shalt  }
.Lfunc_end2:
_tile_overlayer_lowered:
.L_overlay_start_2:
0x20a: {  	(tag) =	ssettag $0x2  }
0x20b: {  	s0 =	rddreg [dreg:$0x0];
	s2 =	stileid.u32  }
0x20c: {  	s1 =	rddreg [dreg:$0x1];
	p0 =	sne.s32 s2, $0x0  }
0x20d: {  	s3 =	rddreg [dreg:$0x2];
	[bflag:$0x3] =	sbarrier.arrive $0xFFFF;
	s2 =	simm.s32 @!p0 $0x1C02  }
0x20e: {  	[timem:s3], [sflag:s2] =	dma.local @!p0 [hbm:s0], s1  }
0x20f: {  	s0 =	simm.s32 @!p0 $0x2  }
0x210: {  	_ =	swait.ge @!p0 [sflag:s0], s1  }
0x211: {  	s1 =	ssub.s32 @!p0 $0x0, s1;
	[sflag:s0] =	ssyncset.done @!p0 $0x0  }
0x212: {  	[sflag:s0] =	ssyncadd.s32 @!p0 s1  }
0x213: {  	[bflag:$0x3] =	sbarrier.arrive $0xFFFF  }
0x214: {  	_ =	shalt  }

</sc_bundles>
